<compile_context>
chip_gen: v7x
topology: tpu7x:2x2x1
jax: 0.10.2.dev20260603
libtpu: 0.0.44.dev20260713+nightly
codegen_flags: <defaults>
</compile_context>

<pallas_src>
import functools

import jax
import jax.numpy as jnp
from jax import lax
from jax.experimental import pallas as pl
from jax.experimental.pallas import tpu as pltpu
from jax.experimental.pallas import tpu_sc as plsc

N = 50000
K = 16
WIDTH = 64
CUTOFF = 3.0

BNA = 2000
BNB = 2000
CH1 = 5000
CH2 = 1000

NBS = N // BNB


def _sc_gather_wide(table, idxg, cw):
    M, D = table.shape
    R = idxg.shape[1]
    n_chunks = R // cw
    info = plsc.get_sparse_core_info()
    nw = info.num_cores * info.num_subcores
    n_iter = (n_chunks + nw - 1) // nw
    mesh = plsc.VectorSubcoreMesh(core_axis_name="c", subcore_axis_name="s")

    @functools.partial(
        pl.kernel,
        mesh=mesh,
        out_type=jax.ShapeDtypeStruct((R, 8 * D), jnp.float32),
        scratch_types=[
            pltpu.VMEM((8, cw), jnp.int32),
            pltpu.VMEM((8, cw, D), jnp.float32),
            pltpu.SemaphoreType.DMA,
        ],
        compiler_params=pltpu.CompilerParams(use_tc_tiling_on_sc=False),
    )
    def k(table_hbm, idxg_hbm, out_hbm, idx_v, rows_v, sem):
        wid = lax.axis_index("s") * info.num_cores + lax.axis_index("c")

        def body(i, carry):
            g = i * nw + wid

            @pl.when(g < n_chunks)
            def _():
                base = g * cw
                pltpu.sync_copy(idxg_hbm.at[:, pl.ds(base, cw)], idx_v)
                descs = [
                    pltpu.async_copy(table_hbm.at[idx_v.at[j]],
                                     rows_v.at[j], sem)
                    for j in range(8)
                ]
                for dsc in descs:
                    dsc.wait()
                for j in range(8):
                    pltpu.sync_copy(
                        rows_v.at[j],
                        out_hbm.at[pl.ds(base, cw), pl.ds(j * D, D)])

            return carry

        lax.fori_loop(0, n_iter, body, 0)

    return k(table, idxg)


def _silu(x):
    return x * (1.0 / (1.0 + jnp.exp(-x)))


def _t1_body(r64_ref, rnb0_ref, rnb1_ref, w20_ref, w21_ref, ob8_ref,
             scl_ref, cbc_ref, eyeb_ref, mask_ref, EWd_ref, envbd_ref,
             D1d_ref, d1bd_ref, D2d_ref, d2bd_ref,
             W0d_ref, b0d_ref, W1_ref, b1d_ref, EGd_ref,
             mW0_ref, mb0_ref, mW1_ref, mb1_ref, mW2_ref, mb2_ref,
             beta0_ref, beta1_ref, hpre_ref, h_ref):
    inv_s = 1.0 / jnp.log1p(jnp.exp(scl_ref[...]))
    inv_sP = jnp.concatenate([inv_s] * 8, axis=1)
    CCW = jnp.concatenate([cbc_ref[...], eyeb_ref[...] * inv_sP], axis=1)
    rcp = r64_ref[...]

    def slab(rnb_ref, w2_ref, beta_ref):
        diffp = rcp - rnb_ref[...]
        sq = diffp * diffp
        CC = sq @ CCW
        dist2bc = CC[:, :64]
        distbc = jnp.sqrt(dist2bc)
        env = jnp.exp(-CC[:, 64:])
        envp = env @ EWd_ref[...] + envbd_ref[...]

        d = _silu(diffp @ D1d_ref[...] + d1bd_ref[...])
        d = d @ D2d_ref[...] + d2bd_ref[...]

        q = distbc * (1.0 / CUTOFF)
        u = dist2bc * (1.0 / (CUTOFF * CUTOFF))
        u2 = u * u
        cut = jnp.where(u < 1.0,
                        1.0 + u2 * (24.0 * q - (15.0 + 10.0 * u)), 0.0)
        wv = w2_ref[...] @ ob8_ref[...]
        beta = envp * d * cut * wv
        beta_ref[...] = beta
        gp = diffp + distbc * mask_ref[...]

        x1 = _silu(gp @ W0d_ref[...] + b0d_ref[...])
        bg = beta @ EGd_ref[...]
        acc = None
        for j in range(4):
            x2 = _silu(x1[:, 128 * j:128 * (j + 1)] @ W1_ref[...]
                       + b1d_ref[...])
            p = x2 * bg[:, 128 * j:128 * (j + 1)]
            acc = p if acc is None else acc + p
        return acc

    s = slab(rnb0_ref, w20_ref, beta0_ref) + slab(rnb1_ref, w21_ref, beta1_ref)
    h0 = s[:, :WIDTH] + s[:, WIDTH:]

    y = h0 @ mW0_ref[...] + mb0_ref[...]
    h = _silu(y[:, :WIDTH])
    hpre_ref[...] = y[:, WIDTH:]
    h = _silu(h @ mW1_ref[...] + mb1_ref[...])
    h_ref[...] = h @ mW2_ref[...] + mb2_ref[...]


def _t2_body(b0_ref, b1_ref, hnb0_ref, hnb1_ref, hpre_ref, r_ref, MGd_ref,
             Rt_ref, R2_ref, orbW_ref, orbb_ref, phi_ref):
    def slab(beta_ref, hnb_ref):
        bg = beta_ref[...] @ MGd_ref[...]
        hv = hnb_ref[...]
        acc = None
        for j in range(4):
            p = bg[:, 128 * j:128 * (j + 1)] * hv[:, 128 * j:128 * (j + 1)]
            acc = p if acc is None else acc + p
        return acc

    s = slab(b0_ref, hnb0_ref) + slab(b1_ref, hnb1_ref)
    msum = s[:, :WIDTH] + s[:, WIDTH:]
    h_out = _silu(hpre_ref[...] + msum)

    rc = r_ref[...]
    rr = jnp.sum(rc * rc, axis=1, keepdims=True)
    d2 = rr - 2.0 * (rc @ Rt_ref[...]) + R2_ref[...]
    deo = jnp.sqrt(jnp.maximum(d2, 0.0))
    phi_ref[...] = (h_out @ orbW_ref[...] + orbb_ref[...]) * jnp.exp(-0.2 * deo)


def _full(shape):
    nd = len(shape)
    return pl.BlockSpec(shape, lambda *_: (0,) * nd)


def _blockdiag(W, p):
    a, b = W.shape
    out = jnp.zeros((p * a, p * b), jnp.float32)
    for j in range(p):
        out = out.at[j * a:(j + 1) * a, j * b:(j + 1) * b].set(W)
    return out


def kernel(r, ind_neighbour, weight_neighbour, R_orb, beta_scales, beta_env_W,
           beta_env_b, beta_d1_W, beta_d1_b, beta_d2_W, beta_d2_b, emb_W0,
           emb_b0, emb_W1, emb_b1, emb_gamma_W, mlp_W0, mlp_b0, mlp_W1, mlp_b1,
           mlp_W2, mlp_b2, mp_proj_W, mp_proj_b, mp_gamma_W, orb_W, orb_b):
    E = N * K
    RW = 2 * N
    f32 = jnp.float32
    ind = ind_neighbour.astype(jnp.int32)
    idx = jnp.concatenate([ind[:, :8], ind[:, 8:]], axis=0)
    idxg = idx.T
    r8 = jnp.concatenate([r, jnp.zeros((N, 5), f32)], axis=1)
    r64 = jnp.tile(r8, (1, 8))
    w2 = jnp.concatenate(
        [weight_neighbour[:, :8], weight_neighbour[:, 8:]], axis=0)
    Rt8 = jnp.concatenate([R_orb.T, jnp.zeros((5, 32), f32)], axis=0)
    R2 = jnp.sum(R_orb * R_orb, axis=1)[None, :]

    tileb = lambda v, p: jnp.concatenate([v.reshape(1, -1)] * p, axis=1)
    row = lambda v: v.reshape(1, -1)
    cbc = _blockdiag(jnp.ones((8, 8), f32), 8)
    ob8 = _blockdiag(jnp.ones((1, 8), f32), 8)
    eyeb = _blockdiag(jnp.ones((8, 16), f32), 8)
    mask = jnp.zeros((1, 64), f32)
    for j in range(8):
        mask = mask.at[0, 8 * j + 3].set(1.0)
    d1W8 = jnp.concatenate([beta_d1_W, jnp.zeros((5, 16), f32)], axis=0)
    D1d = _blockdiag(d1W8, 8)
    D2d = _blockdiag(beta_d2_W, 8)
    EWd = _blockdiag(beta_env_W, 8)
    eW0_8 = jnp.concatenate([emb_W0, jnp.zeros((4, WIDTH), f32)], axis=0)
    W0d = _blockdiag(eW0_8, 8)
    EGd = _blockdiag(emb_gamma_W, 8)
    MGd = _blockdiag(mp_gamma_W, 8)

    rnbw = _sc_gather_wide(r8, idxg, 1000)

    slab0 = pl.BlockSpec((BNB, 64), lambda i: (i, 0))
    slab1 = pl.BlockSpec((BNB, 64), lambda i: (i + NBS, 0))
    slab0n = pl.BlockSpec((BNB, 8), lambda i: (i, 0))
    slab1n = pl.BlockSpec((BNB, 8), lambda i: (i + NBS, 0))
    beta0, beta1, hpre, h = pl.pallas_call(
        _t1_body,
        grid=(N // BNB,),
        in_specs=[
            pl.BlockSpec((BNB, 64), lambda i: (i, 0)),
            slab0, slab1, slab0n, slab1n,
            _full((8, 64)),
            _full((1, 16)), _full((64, 64)), _full((64, 128)), _full((1, 64)),
            _full((128, 64)), _full((1, 64)),
            _full((64, 128)), _full((1, 128)), _full((128, 64)), _full((1, 64)),
            _full((64, 512)), _full((1, 512)), _full((128, 128)),
            _full((1, 128)), _full((64, 512)),
            _full((WIDTH, 128)), _full((1, 128)),
            _full((WIDTH, WIDTH)), _full((1, WIDTH)),
            _full((WIDTH, WIDTH)), _full((1, WIDTH)),
        ],
        out_specs=[
            pl.BlockSpec((BNB, 64), lambda i: (i, 0)),
            pl.BlockSpec((BNB, 64), lambda i: (i, 0)),
            pl.BlockSpec((BNB, WIDTH), lambda i: (i, 0)),
            pl.BlockSpec((BNB, WIDTH), lambda i: (i, 0)),
        ],
        out_shape=[
            jax.ShapeDtypeStruct((N, 64), f32),
            jax.ShapeDtypeStruct((N, 64), f32),
            jax.ShapeDtypeStruct((N, WIDTH), f32),
            jax.ShapeDtypeStruct((N, WIDTH), f32),
        ],
        compiler_params=pltpu.CompilerParams(
            dimension_semantics=("parallel",)),
    )(r64, rnbw, rnbw, w2, w2, ob8,
      row(beta_scales), cbc, eyeb, mask,
      EWd, tileb(beta_env_b, 8), D1d, tileb(beta_d1_b, 8),
      D2d, tileb(beta_d2_b, 8),
      W0d, tileb(emb_b0, 8), _blockdiag(emb_W1, 2), tileb(emb_b1, 2), EGd,
      jnp.concatenate([mlp_W0, mp_proj_W], axis=1),
      jnp.concatenate([row(mlp_b0), row(mp_proj_b)], axis=1),
      mlp_W1, row(mlp_b1), mlp_W2, row(mlp_b2))

    hnbw = _sc_gather_wide(h, idxg, 200)

    slab0w = pl.BlockSpec((BNB, 512), lambda i: (i, 0))
    slab1w = pl.BlockSpec((BNB, 512), lambda i: (i + NBS, 0))
    nblk = pl.BlockSpec((BNB, 64), lambda i: (i, 0))
    phi = pl.pallas_call(
        _t2_body,
        grid=(N // BNB,),
        in_specs=[
            nblk, nblk, slab0w, slab1w,
            pl.BlockSpec((BNB, WIDTH), lambda i: (i, 0)),
            pl.BlockSpec((BNB, 8), lambda i: (i, 0)),
            _full((64, 512)), _full((8, 32)), _full((1, 32)),
            _full((WIDTH, 32)), _full((1, 32)),
        ],
        out_specs=pl.BlockSpec((BNB, 32), lambda i: (i, 0)),
        out_shape=jax.ShapeDtypeStruct((N, 32), f32),
        compiler_params=pltpu.CompilerParams(
            dimension_semantics=("parallel",)),
    )(beta0, beta1, hnbw, hnbw, hpre, r8,
      MGd, Rt8, R2, orb_W, row(orb_b))

    return phi

# --- scband reference (transcript-rebuilt; emitter-appended) ---
"""Pipeline reference for scband-sparse-wavefunction-31911607009438 (READ-ONLY COPY).

The authoritative reference and input builder live on the scoring server;
editing this copy changes nothing except your own understanding.
"""

import jax, jax.numpy as jnp
import numpy as np

N = 50000
K = 16
WIDTH = 64
N_ENV = 16
BW_H = 16
BW_O = 8
N_ORB = 32
CUTOFF = 3.0


def cutoff_function(d, p=4):
    a = -(p + 1) * (p + 2) * 0.5
    b = p * (p + 2)
    c = -p * (p + 1) * 0.5
    cut = 1 + a * d ** p + b * d ** (p + 1) + c * d ** (p + 2)
    return jnp.where(d < 1, cut, 0.0)


def setup_inputs(seed: int = 0):
    key = jax.random.key(seed)
    ks = jax.random.split(key, 32)
    r = jax.random.normal(ks[0], (N, 3), dtype=jnp.float32) * 2.0
    base = jax.random.randint(ks[1], (N, K), 0, N - 1)
    ind_neighbour = (jnp.arange(N)[:, None] + 1 + base) % N
    weight_neighbour = jax.random.uniform(ks[2], (N, K), dtype=jnp.float32)

    def dense(k, fi, fo):
        return jax.random.normal(k, (fi, fo), dtype=jnp.float32) / jnp.sqrt(float(fi))

    R_orb = jnp.stack([jnp.arange(N_ORB, dtype=jnp.float32) * 0.5 - 8.0,
                       jnp.zeros(N_ORB, jnp.float32),
                       jnp.zeros(N_ORB, jnp.float32)], axis=1)
    params = {
        'R_orb': R_orb,
        'beta_scales': CUTOFF * 0.5 * (1.0 + 0.25 * jax.random.normal(ks[3], (N_ENV,), dtype=jnp.float32)),
        'beta_env_W': dense(ks[4], N_ENV, BW_O), 'beta_env_b': jnp.zeros(BW_O, jnp.float32),
        'beta_d1_W': dense(ks[5], 3, BW_H), 'beta_d1_b': jnp.zeros(BW_H, jnp.float32),
        'beta_d2_W': dense(ks[6], BW_H, BW_O), 'beta_d2_b': jnp.zeros(BW_O, jnp.float32),
        'emb_W0': dense(ks[7], 4, WIDTH), 'emb_b0': jnp.zeros(WIDTH, jnp.float32),
        'emb_W1': dense(ks[8], WIDTH, WIDTH), 'emb_b1': jnp.zeros(WIDTH, jnp.float32),
        'emb_gamma_W': dense(ks[9], BW_O, WIDTH),
        'mlp_W0': dense(ks[10], WIDTH, WIDTH), 'mlp_b0': jnp.zeros(WIDTH, jnp.float32),
        'mlp_W1': dense(ks[11], WIDTH, WIDTH), 'mlp_b1': jnp.zeros(WIDTH, jnp.float32),
        'mlp_W2': dense(ks[12], WIDTH, WIDTH), 'mlp_b2': jnp.zeros(WIDTH, jnp.float32),
        'mp_proj_W': dense(ks[13], WIDTH, WIDTH), 'mp_proj_b': jnp.zeros(WIDTH, jnp.float32),
        'mp_gamma_W': dense(ks[14], BW_O, WIDTH),
        'orb_W': dense(ks[15], WIDTH, N_ORB), 'orb_b': jnp.zeros(N_ORB, jnp.float32),
    }
    return {'r': r, 'ind_neighbour': ind_neighbour, 'weight_neighbour': weight_neighbour, **params}


def _forward(r, weight_neighbour, R_orb, beta_scales, beta_env_W, beta_env_b,
             beta_d1_W, beta_d1_b, beta_d2_W, beta_d2_b,
             emb_W0, emb_b0, emb_W1, emb_b1, emb_gamma_W,
             mlp_W0, mlp_b0, mlp_W1, mlp_b1, mlp_W2, mlp_b2,
             mp_proj_W, mp_proj_b, mp_gamma_W, orb_W, orb_b, ind_neighbour):
    r_nb = r[ind_neighbour]                                  # gather [N,K,3]
    diff = r[:, None, :] - r_nb
    dist = jnp.linalg.norm(diff, axis=-1)                    # [N,K]
    # PairwiseFeatures (beta)
    scales = jax.nn.softplus(beta_scales)
    env = jnp.exp(-dist[:, :, None] ** 2 / scales)
    env = env @ beta_env_W + beta_env_b
    d = jax.nn.silu(diff @ beta_d1_W + beta_d1_b)
    d = d @ beta_d2_W + beta_d2_b
    beta = env * d * cutoff_function(dist / CUTOFF)[:, :, None]
    beta = beta * weight_neighbour[:, :, None]
    # InitialEmbeddings
    g = jnp.concatenate([diff, dist[:, :, None]], axis=-1)
    g = jax.nn.silu(g @ emb_W0 + emb_b0)
    g = jax.nn.silu(g @ emb_W1 + emb_b1)
    h0 = jnp.sum(g * (beta @ emb_gamma_W), axis=-2)          # [N,64]
    # MLP depth=3, no final activation
    h = jax.nn.silu(h0 @ mlp_W0 + mlp_b0)
    h = jax.nn.silu(h @ mlp_W1 + mlp_b1)
    h = h @ mlp_W2 + mlp_b2
    # MessagePassingLayer
    h_nb = h[ind_neighbour]                                  # gather [N,K,64]
    h_out = jax.nn.silu(h0 @ mp_proj_W + mp_proj_b + jnp.sum((beta @ mp_gamma_W) * h_nb, axis=-2))
    # OrbitalLayer
    dist_el_orb = jnp.linalg.norm(r[:, None, :] - R_orb[None, :, :], axis=-1)
    phi = (h_out @ orb_W + orb_b) * jnp.exp(-dist_el_orb * 0.2)
    return phi


def reference(r, ind_neighbour, weight_neighbour, R_orb, beta_scales, beta_env_W, beta_env_b,
              beta_d1_W, beta_d1_b, beta_d2_W, beta_d2_b,
              emb_W0, emb_b0, emb_W1, emb_b1, emb_gamma_W,
              mlp_W0, mlp_b0, mlp_W1, mlp_b1, mlp_W2, mlp_b2,
              mp_proj_W, mp_proj_b, mp_gamma_W, orb_W, orb_b):
    return _forward(r, weight_neighbour, R_orb, beta_scales, beta_env_W, beta_env_b,
                    beta_d1_W, beta_d1_b, beta_d2_W, beta_d2_b,
                    emb_W0, emb_b0, emb_W1, emb_b1, emb_gamma_W,
                    mlp_W0, mlp_b0, mlp_W1, mlp_b1, mlp_W2, mlp_b2,
                    mp_proj_W, mp_proj_b, mp_gamma_W, orb_W, orb_b, ind_neighbour)

if __name__ == "__main__":
    import jax
    _d = setup_inputs()
    print(jax.jit(kernel)(*tuple(_d.values())))

</pallas_src>

<mosaic_0001>
#map = affine_map<(d0, d1) -> (0, 0)>
module attributes {stable_mosaic.version = 14 : i64} {
  func.func @k(%arg0: i32, %arg1: i32, %arg2: memref<50000x8xf32, #tpu.memory_space<hbm>>, %arg3: memref<8x100000xi32, #tpu.memory_space<hbm>>, %arg4: memref<100000x64xf32, #tpu.memory_space<hbm>>, %arg5: memref<8x1000xi32, #tpu.memory_space<vmem>>, %arg6: memref<8x1000x8xf32, #tpu.memory_space<vmem>>, %arg7: memref<!tpu.dma_semaphore, #tpu.memory_space<semaphore_mem>>) attributes {dimension_semantics = [#tpu.dimension_semantics<core_parallel>, #tpu.dimension_semantics<subcore_parallel>], iteration_bounds = array<i64: 2, 16>, scalar_prefetch = 0 : i64, scratch_operands = 3 : i64, tpu.core_type = #tpu.core_type<sc_vector_subcore>, window_params = [{transform_indices = #map}, {transform_indices = #map}, {transform_indices = #map}]} {
    %mul3A = arith.constant 2 : i32
    %mul3A_0 = arith.muli %arg1, %mul3A : i32
    %add3A = arith.addi %mul3A_0, %arg0 : i32
    %scan3A = arith.constant 0 : i32
    %scan3A_1 = arith.constant 0 : i32
    %scan3A_2 = arith.constant 4 : i32
    %scan3A_3 = arith.addi %scan3A_1, %scan3A_2 : i32
    %scan3A_4 = arith.constant 1 : i32
    scf.for %scan3A_6 = %scan3A_1 to %scan3A_3 step %scan3A_4  : i32 {
      %mul3A_7 = arith.constant 32 : i32
      %mul3A_8 = arith.muli %scan3A_6, %mul3A_7 : i32
      %add3A_9 = arith.addi %mul3A_8, %add3A : i32
      %lt3A = arith.constant 100 : i32
      %lt3A_10 = arith.cmpi slt, %add3A_9, %lt3A : i32
      %convert_element_type3A = arith.extui %lt3A_10 : i1 to i32
      %cond3A = arith.constant 0 : i32
      %cond3A_11 = arith.cmpi ne, %convert_element_type3A, %cond3A : i32
      scf.if %cond3A_11 {
        %mul3A_12 = arith.constant 1000 : i32
        %mul3A_13 = arith.muli %add3A_9, %mul3A_12 : i32
        "tpu.region"() ({
          %run_scoped3A_211 = tpu.sem_alloc : memref<!tpu.dma_semaphore, #tpu.memory_space<semaphore_mem>>
          %dma_start3A_212 = arith.constant 0 : i32
          %dma_start3A_213 = tpu.memref_slice %arg3[%dma_start3A_212, %mul3A_13] : memref<8x100000xi32, #tpu.memory_space<hbm>> -> memref<8x1000xi32, #tpu.memory_space<hbm>>
          %dma_start3A_214 = arith.constant 0 : i32
          %dma_start3A_215 = tpu.memref_slice %arg3[%dma_start3A_214, %mul3A_13] : memref<8x100000xi32, #tpu.memory_space<hbm>> -> memref<8x1000xi32, #tpu.memory_space<hbm>>
          tpu.enqueue_dma source(%dma_start3A_215 : memref<8x1000xi32, #tpu.memory_space<hbm>>) target(%arg5 : memref<8x1000xi32, #tpu.memory_space<vmem>>) target_semaphore(%run_scoped3A_211 : memref<!tpu.dma_semaphore, #tpu.memory_space<semaphore_mem>>)
          %dma_wait3A_216 = arith.constant 0 : i32
          %dma_wait3A_217 = tpu.memref_slice %arg3[%dma_wait3A_216, %mul3A_13] : memref<8x100000xi32, #tpu.memory_space<hbm>> -> memref<8x1000xi32, #tpu.memory_space<hbm>>
          %dma_wait3A_218 = arith.constant 0 : i32
          %dma_wait3A_219 = tpu.memref_slice %arg3[%dma_wait3A_218, %mul3A_13] : memref<8x100000xi32, #tpu.memory_space<hbm>> -> memref<8x1000xi32, #tpu.memory_space<hbm>>
          tpu.wait_dma2 semaphore(%run_scoped3A_211 : memref<!tpu.dma_semaphore, #tpu.memory_space<semaphore_mem>>) src(%dma_wait3A_219 : memref<8x1000xi32, #tpu.memory_space<hbm>>) dst(%arg5 : memref<8x1000xi32, #tpu.memory_space<vmem>>)
          tpu.yield
        }) : () -> ()
        %dma_start3A = arith.constant 0 : i32
        %dma_start3A_14 = arith.constant 0 : i32
        %dma_start3A_15 = arith.constant 0 : i32
        %dma_start3A_16 = arith.constant 0 : i32
        %dma_start3A_17 = tpu.memref_slice %arg6[%dma_start3A_14, %dma_start3A_15, %dma_start3A_16] : memref<8x1000x8xf32, #tpu.memory_space<vmem>> -> memref<1x1000x8xf32, #tpu.memory_space<vmem>>
        %dma_start3A_18 = tpu.memref_squeeze %dma_start3A_17 : memref<1x1000x8xf32, #tpu.memory_space<vmem>> -> memref<1000x8xf32, #tpu.memory_space<vmem>>
        %dma_start3A_19 = arith.constant 0 : i32
        %dma_start3A_20 = tpu.memref_slice %arg5[%dma_start3A, %dma_start3A_19] : memref<8x1000xi32, #tpu.memory_space<vmem>> -> memref<1x1000xi32, #tpu.memory_space<vmem>>
        %dma_start3A_21 = tpu.memref_squeeze %dma_start3A_20 : memref<1x1000xi32, #tpu.memory_space<vmem>> -> memref<1000xi32, #tpu.memory_space<vmem>>
        %dma_start3A_22 = arith.constant 0 : i32
        %dma_start3A_23 = arith.constant 0 : i32
        %dma_start3A_24 = tpu.memref_slice %arg2[%dma_start3A_22, %dma_start3A_23] : memref<50000x8xf32, #tpu.memory_space<hbm>> -> memref<50000x8xf32, #tpu.memory_space<hbm>>
        tpu.enqueue_indirect_dma source(%dma_start3A_24 : memref<50000x8xf32, #tpu.memory_space<hbm>>) target(%dma_start3A_18 : memref<1000x8xf32, #tpu.memory_space<vmem>>) offsets(%dma_start3A_21 : memref<1000xi32, #tpu.memory_space<vmem>>) semaphore(%arg7 : memref<!tpu.dma_semaphore, #tpu.memory_space<semaphore_mem>>)
        %dma_start3A_25 = arith.constant 1 : i32
        %dma_start3A_26 = arith.constant 1 : i32
        %dma_start3A_27 = arith.constant 0 : i32
        %dma_start3A_28 = arith.constant 0 : i32
        %dma_start3A_29 = tpu.memref_slice %arg6[%dma_start3A_26, %dma_start3A_27, %dma_start3A_28] : memref<8x1000x8xf32, #tpu.memory_space<vmem>> -> memref<1x1000x8xf32, #tpu.memory_space<vmem>>
        %dma_start3A_30 = tpu.memref_squeeze %dma_start3A_29 : memref<1x1000x8xf32, #tpu.memory_space<vmem>> -> memref<1000x8xf32, #tpu.memory_space<vmem>>
        %dma_start3A_31 = arith.constant 0 : i32
        %dma_start3A_32 = tpu.memref_slice %arg5[%dma_start3A_25, %dma_start3A_31] : memref<8x1000xi32, #tpu.memory_space<vmem>> -> memref<1x1000xi32, #tpu.memory_space<vmem>>
        %dma_start3A_33 = tpu.memref_squeeze %dma_start3A_32 : memref<1x1000xi32, #tpu.memory_space<vmem>> -> memref<1000xi32, #tpu.memory_space<vmem>>
        %dma_start3A_34 = arith.constant 0 : i32
        %dma_start3A_35 = arith.constant 0 : i32
        %dma_start3A_36 = tpu.memref_slice %arg2[%dma_start3A_34, %dma_start3A_35] : memref<50000x8xf32, #tpu.memory_space<hbm>> -> memref<50000x8xf32, #tpu.memory_space<hbm>>
        tpu.enqueue_indirect_dma source(%dma_start3A_36 : memref<50000x8xf32, #tpu.memory_space<hbm>>) target(%dma_start3A_30 : memref<1000x8xf32, #tpu.memory_space<vmem>>) offsets(%dma_start3A_33 : memref<1000xi32, #tpu.memory_space<vmem>>) semaphore(%arg7 : memref<!tpu.dma_semaphore, #tpu.memory_space<semaphore_mem>>)
        %dma_start3A_37 = arith.constant 2 : i32
        %dma_start3A_38 = arith.constant 2 : i32
        %dma_start3A_39 = arith.constant 0 : i32
        %dma_start3A_40 = arith.constant 0 : i32
        %dma_start3A_41 = tpu.memref_slice %arg6[%dma_start3A_38, %dma_start3A_39, %dma_start3A_40] : memref<8x1000x8xf32, #tpu.memory_space<vmem>> -> memref<1x1000x8xf32, #tpu.memory_space<vmem>>
        %dma_start3A_42 = tpu.memref_squeeze %dma_start3A_41 : memref<1x1000x8xf32, #tpu.memory_space<vmem>> -> memref<1000x8xf32, #tpu.memory_space<vmem>>
        %dma_start3A_43 = arith.constant 0 : i32
        %dma_start3A_44 = tpu.memref_slice %arg5[%dma_start3A_37, %dma_start3A_43] : memref<8x1000xi32, #tpu.memory_space<vmem>> -> memref<1x1000xi32, #tpu.memory_space<vmem>>
        %dma_start3A_45 = tpu.memref_squeeze %dma_start3A_44 : memref<1x1000xi32, #tpu.memory_space<vmem>> -> memref<1000xi32, #tpu.memory_space<vmem>>
        %dma_start3A_46 = arith.constant 0 : i32
        %dma_start3A_47 = arith.constant 0 : i32
        %dma_start3A_48 = tpu.memref_slice %arg2[%dma_start3A_46, %dma_start3A_47] : memref<50000x8xf32, #tpu.memory_space<hbm>> -> memref<50000x8xf32, #tpu.memory_space<hbm>>
        tpu.enqueue_indirect_dma source(%dma_start3A_48 : memref<50000x8xf32, #tpu.memory_space<hbm>>) target(%dma_start3A_42 : memref<1000x8xf32, #tpu.memory_space<vmem>>) offsets(%dma_start3A_45 : memref<1000xi32, #tpu.memory_space<vmem>>) semaphore(%arg7 : memref<!tpu.dma_semaphore, #tpu.memory_space<semaphore_mem>>)
        %dma_start3A_49 = arith.constant 3 : i32
        %dma_start3A_50 = arith.constant 3 : i32
        %dma_start3A_51 = arith.constant 0 : i32
        %dma_start3A_52 = arith.constant 0 : i32
        %dma_start3A_53 = tpu.memref_slice %arg6[%dma_start3A_50, %dma_start3A_51, %dma_start3A_52] : memref<8x1000x8xf32, #tpu.memory_space<vmem>> -> memref<1x1000x8xf32, #tpu.memory_space<vmem>>
        %dma_start3A_54 = tpu.memref_squeeze %dma_start3A_53 : memref<1x1000x8xf32, #tpu.memory_space<vmem>> -> memref<1000x8xf32, #tpu.memory_space<vmem>>
        %dma_start3A_55 = arith.constant 0 : i32
        %dma_start3A_56 = tpu.memref_slice %arg5[%dma_start3A_49, %dma_start3A_55] : memref<8x1000xi32, #tpu.memory_space<vmem>> -> memref<1x1000xi32, #tpu.memory_space<vmem>>
        %dma_start3A_57 = tpu.memref_squeeze %dma_start3A_56 : memref<1x1000xi32, #tpu.memory_space<vmem>> -> memref<1000xi32, #tpu.memory_space<vmem>>
        %dma_start3A_58 = arith.constant 0 : i32
        %dma_start3A_59 = arith.constant 0 : i32
        %dma_start3A_60 = tpu.memref_slice %arg2[%dma_start3A_58, %dma_start3A_59] : memref<50000x8xf32, #tpu.memory_space<hbm>> -> memref<50000x8xf32, #tpu.memory_space<hbm>>
        tpu.enqueue_indirect_dma source(%dma_start3A_60 : memref<50000x8xf32, #tpu.memory_space<hbm>>) target(%dma_start3A_54 : memref<1000x8xf32, #tpu.memory_space<vmem>>) offsets(%dma_start3A_57 : memref<1000xi32, #tpu.memory_space<vmem>>) semaphore(%arg7 : memref<!tpu.dma_semaphore, #tpu.memory_space<semaphore_mem>>)
        %dma_start3A_61 = arith.constant 4 : i32
        %dma_start3A_62 = arith.constant 4 : i32
        %dma_start3A_63 = arith.constant 0 : i32
        %dma_start3A_64 = arith.constant 0 : i32
        %dma_start3A_65 = tpu.memref_slice %arg6[%dma_start3A_62, %dma_start3A_63, %dma_start3A_64] : memref<8x1000x8xf32, #tpu.memory_space<vmem>> -> memref<1x1000x8xf32, #tpu.memory_space<vmem>>
        %dma_start3A_66 = tpu.memref_squeeze %dma_start3A_65 : memref<1x1000x8xf32, #tpu.memory_space<vmem>> -> memref<1000x8xf32, #tpu.memory_space<vmem>>
        %dma_start3A_67 = arith.constant 0 : i32
        %dma_start3A_68 = tpu.memref_slice %arg5[%dma_start3A_61, %dma_start3A_67] : memref<8x1000xi32, #tpu.memory_space<vmem>> -> memref<1x1000xi32, #tpu.memory_space<vmem>>
        %dma_start3A_69 = tpu.memref_squeeze %dma_start3A_68 : memref<1x1000xi32, #tpu.memory_space<vmem>> -> memref<1000xi32, #tpu.memory_space<vmem>>
        %dma_start3A_70 = arith.constant 0 : i32
        %dma_start3A_71 = arith.constant 0 : i32
        %dma_start3A_72 = tpu.memref_slice %arg2[%dma_start3A_70, %dma_start3A_71] : memref<50000x8xf32, #tpu.memory_space<hbm>> -> memref<50000x8xf32, #tpu.memory_space<hbm>>
        tpu.enqueue_indirect_dma source(%dma_start3A_72 : memref<50000x8xf32, #tpu.memory_space<hbm>>) target(%dma_start3A_66 : memref<1000x8xf32, #tpu.memory_space<vmem>>) offsets(%dma_start3A_69 : memref<1000xi32, #tpu.memory_space<vmem>>) semaphore(%arg7 : memref<!tpu.dma_semaphore, #tpu.memory_space<semaphore_mem>>)
        %dma_start3A_73 = arith.constant 5 : i32
        %dma_start3A_74 = arith.constant 5 : i32
        %dma_start3A_75 = arith.constant 0 : i32
        %dma_start3A_76 = arith.constant 0 : i32
        %dma_start3A_77 = tpu.memref_slice %arg6[%dma_start3A_74, %dma_start3A_75, %dma_start3A_76] : memref<8x1000x8xf32, #tpu.memory_space<vmem>> -> memref<1x1000x8xf32, #tpu.memory_space<vmem>>
        %dma_start3A_78 = tpu.memref_squeeze %dma_start3A_77 : memref<1x1000x8xf32, #tpu.memory_space<vmem>> -> memref<1000x8xf32, #tpu.memory_space<vmem>>
        %dma_start3A_79 = arith.constant 0 : i32
        %dma_start3A_80 = tpu.memref_slice %arg5[%dma_start3A_73, %dma_start3A_79] : memref<8x1000xi32, #tpu.memory_space<vmem>> -> memref<1x1000xi32, #tpu.memory_space<vmem>>
        %dma_start3A_81 = tpu.memref_squeeze %dma_start3A_80 : memref<1x1000xi32, #tpu.memory_space<vmem>> -> memref<1000xi32, #tpu.memory_space<vmem>>
        %dma_start3A_82 = arith.constant 0 : i32
        %dma_start3A_83 = arith.constant 0 : i32
        %dma_start3A_84 = tpu.memref_slice %arg2[%dma_start3A_82, %dma_start3A_83] : memref<50000x8xf32, #tpu.memory_space<hbm>> -> memref<50000x8xf32, #tpu.memory_space<hbm>>
        tpu.enqueue_indirect_dma source(%dma_start3A_84 : memref<50000x8xf32, #tpu.memory_space<hbm>>) target(%dma_start3A_78 : memref<1000x8xf32, #tpu.memory_space<vmem>>) offsets(%dma_start3A_81 : memref<1000xi32, #tpu.memory_space<vmem>>) semaphore(%arg7 : memref<!tpu.dma_semaphore, #tpu.memory_space<semaphore_mem>>)
        %dma_start3A_85 = arith.constant 6 : i32
        %dma_start3A_86 = arith.constant 6 : i32
        %dma_start3A_87 = arith.constant 0 : i32
        %dma_start3A_88 = arith.constant 0 : i32
        %dma_start3A_89 = tpu.memref_slice %arg6[%dma_start3A_86, %dma_start3A_87, %dma_start3A_88] : memref<8x1000x8xf32, #tpu.memory_space<vmem>> -> memref<1x1000x8xf32, #tpu.memory_space<vmem>>
        %dma_start3A_90 = tpu.memref_squeeze %dma_start3A_89 : memref<1x1000x8xf32, #tpu.memory_space<vmem>> -> memref<1000x8xf32, #tpu.memory_space<vmem>>
        %dma_start3A_91 = arith.constant 0 : i32
        %dma_start3A_92 = tpu.memref_slice %arg5[%dma_start3A_85, %dma_start3A_91] : memref<8x1000xi32, #tpu.memory_space<vmem>> -> memref<1x1000xi32, #tpu.memory_space<vmem>>
        %dma_start3A_93 = tpu.memref_squeeze %dma_start3A_92 : memref<1x1000xi32, #tpu.memory_space<vmem>> -> memref<1000xi32, #tpu.memory_space<vmem>>
        %dma_start3A_94 = arith.constant 0 : i32
        %dma_start3A_95 = arith.constant 0 : i32
        %dma_start3A_96 = tpu.memref_slice %arg2[%dma_start3A_94, %dma_start3A_95] : memref<50000x8xf32, #tpu.memory_space<hbm>> -> memref<50000x8xf32, #tpu.memory_space<hbm>>
        tpu.enqueue_indirect_dma source(%dma_start3A_96 : memref<50000x8xf32, #tpu.memory_space<hbm>>) target(%dma_start3A_90 : memref<1000x8xf32, #tpu.memory_space<vmem>>) offsets(%dma_start3A_93 : memref<1000xi32, #tpu.memory_space<vmem>>) semaphore(%arg7 : memref<!tpu.dma_semaphore, #tpu.memory_space<semaphore_mem>>)
        %dma_start3A_97 = arith.constant 7 : i32
        %dma_start3A_98 = arith.constant 7 : i32
        %dma_start3A_99 = arith.constant 0 : i32
        %dma_start3A_100 = arith.constant 0 : i32
        %dma_start3A_101 = tpu.memref_slice %arg6[%dma_start3A_98, %dma_start3A_99, %dma_start3A_100] : memref<8x1000x8xf32, #tpu.memory_space<vmem>> -> memref<1x1000x8xf32, #tpu.memory_space<vmem>>
        %dma_start3A_102 = tpu.memref_squeeze %dma_start3A_101 : memref<1x1000x8xf32, #tpu.memory_space<vmem>> -> memref<1000x8xf32, #tpu.memory_space<vmem>>
        %dma_start3A_103 = arith.constant 0 : i32
        %dma_start3A_104 = tpu.memref_slice %arg5[%dma_start3A_97, %dma_start3A_103] : memref<8x1000xi32, #tpu.memory_space<vmem>> -> memref<1x1000xi32, #tpu.memory_space<vmem>>
        %dma_start3A_105 = tpu.memref_squeeze %dma_start3A_104 : memref<1x1000xi32, #tpu.memory_space<vmem>> -> memref<1000xi32, #tpu.memory_space<vmem>>
        %dma_start3A_106 = arith.constant 0 : i32
        %dma_start3A_107 = arith.constant 0 : i32
        %dma_start3A_108 = tpu.memref_slice %arg2[%dma_start3A_106, %dma_start3A_107] : memref<50000x8xf32, #tpu.memory_space<hbm>> -> memref<50000x8xf32, #tpu.memory_space<hbm>>
        tpu.enqueue_indirect_dma source(%dma_start3A_108 : memref<50000x8xf32, #tpu.memory_space<hbm>>) target(%dma_start3A_102 : memref<1000x8xf32, #tpu.memory_space<vmem>>) offsets(%dma_start3A_105 : memref<1000xi32, #tpu.memory_space<vmem>>) semaphore(%arg7 : memref<!tpu.dma_semaphore, #tpu.memory_space<semaphore_mem>>)
        %dma_wait3A = arith.constant 0 : i32
        %dma_wait3A_109 = arith.constant 0 : i32
        %dma_wait3A_110 = arith.constant 0 : i32
        %dma_wait3A_111 = arith.constant 0 : i32
        %dma_wait3A_112 = tpu.memref_slice %arg6[%dma_wait3A_109, %dma_wait3A_110, %dma_wait3A_111] : memref<8x1000x8xf32, #tpu.memory_space<vmem>> -> memref<1x1000x8xf32, #tpu.memory_space<vmem>>
        %dma_wait3A_113 = tpu.memref_squeeze %dma_wait3A_112 : memref<1x1000x8xf32, #tpu.memory_space<vmem>> -> memref<1000x8xf32, #tpu.memory_space<vmem>>
        %dma_wait3A_114 = arith.constant 0 : i32
        %dma_wait3A_115 = tpu.memref_slice %arg5[%dma_wait3A, %dma_wait3A_114] : memref<8x1000xi32, #tpu.memory_space<vmem>> -> memref<1x1000xi32, #tpu.memory_space<vmem>>
        %dma_wait3A_116 = tpu.memref_squeeze %dma_wait3A_115 : memref<1x1000xi32, #tpu.memory_space<vmem>> -> memref<1000xi32, #tpu.memory_space<vmem>>
        %dma_wait3A_117 = arith.constant 0 : i32
        %dma_wait3A_118 = arith.constant 0 : i32
        %dma_wait3A_119 = tpu.memref_slice %arg2[%dma_wait3A_117, %dma_wait3A_118] : memref<50000x8xf32, #tpu.memory_space<hbm>> -> memref<50000x8xf32, #tpu.memory_space<hbm>>
        tpu.wait_indirect_dma semaphore(%arg7 : memref<!tpu.dma_semaphore, #tpu.memory_space<semaphore_mem>>) src(%dma_wait3A_119 : memref<50000x8xf32, #tpu.memory_space<hbm>>) dst(%dma_wait3A_113 : memref<1000x8xf32, #tpu.memory_space<vmem>>)
        %dma_wait3A_120 = arith.constant 1 : i32
        %dma_wait3A_121 = arith.constant 1 : i32
        %dma_wait3A_122 = arith.constant 0 : i32
        %dma_wait3A_123 = arith.constant 0 : i32
        %dma_wait3A_124 = tpu.memref_slice %arg6[%dma_wait3A_121, %dma_wait3A_122, %dma_wait3A_123] : memref<8x1000x8xf32, #tpu.memory_space<vmem>> -> memref<1x1000x8xf32, #tpu.memory_space<vmem>>
        %dma_wait3A_125 = tpu.memref_squeeze %dma_wait3A_124 : memref<1x1000x8xf32, #tpu.memory_space<vmem>> -> memref<1000x8xf32, #tpu.memory_space<vmem>>
        %dma_wait3A_126 = arith.constant 0 : i32
        %dma_wait3A_127 = tpu.memref_slice %arg5[%dma_wait3A_120, %dma_wait3A_126] : memref<8x1000xi32, #tpu.memory_space<vmem>> -> memref<1x1000xi32, #tpu.memory_space<vmem>>
        %dma_wait3A_128 = tpu.memref_squeeze %dma_wait3A_127 : memref<1x1000xi32, #tpu.memory_space<vmem>> -> memref<1000xi32, #tpu.memory_space<vmem>>
        %dma_wait3A_129 = arith.constant 0 : i32
        %dma_wait3A_130 = arith.constant 0 : i32
        %dma_wait3A_131 = tpu.memref_slice %arg2[%dma_wait3A_129, %dma_wait3A_130] : memref<50000x8xf32, #tpu.memory_space<hbm>> -> memref<50000x8xf32, #tpu.memory_space<hbm>>
        tpu.wait_indirect_dma semaphore(%arg7 : memref<!tpu.dma_semaphore, #tpu.memory_space<semaphore_mem>>) src(%dma_wait3A_131 : memref<50000x8xf32, #tpu.memory_space<hbm>>) dst(%dma_wait3A_125 : memref<1000x8xf32, #tpu.memory_space<vmem>>)
        %dma_wait3A_132 = arith.constant 2 : i32
        %dma_wait3A_133 = arith.constant 2 : i32
        %dma_wait3A_134 = arith.constant 0 : i32
        %dma_wait3A_135 = arith.constant 0 : i32
        %dma_wait3A_136 = tpu.memref_slice %arg6[%dma_wait3A_133, %dma_wait3A_134, %dma_wait3A_135] : memref<8x1000x8xf32, #tpu.memory_space<vmem>> -> memref<1x1000x8xf32, #tpu.memory_space<vmem>>
        %dma_wait3A_137 = tpu.memref_squeeze %dma_wait3A_136 : memref<1x1000x8xf32, #tpu.memory_space<vmem>> -> memref<1000x8xf32, #tpu.memory_space<vmem>>
        %dma_wait3A_138 = arith.constant 0 : i32
        %dma_wait3A_139 = tpu.memref_slice %arg5[%dma_wait3A_132, %dma_wait3A_138] : memref<8x1000xi32, #tpu.memory_space<vmem>> -> memref<1x1000xi32, #tpu.memory_space<vmem>>
        %dma_wait3A_140 = tpu.memref_squeeze %dma_wait3A_139 : memref<1x1000xi32, #tpu.memory_space<vmem>> -> memref<1000xi32, #tpu.memory_space<vmem>>
        %dma_wait3A_141 = arith.constant 0 : i32
        %dma_wait3A_142 = arith.constant 0 : i32
        %dma_wait3A_143 = tpu.memref_slice %arg2[%dma_wait3A_141, %dma_wait3A_142] : memref<50000x8xf32, #tpu.memory_space<hbm>> -> memref<50000x8xf32, #tpu.memory_space<hbm>>
        tpu.wait_indirect_dma semaphore(%arg7 : memref<!tpu.dma_semaphore, #tpu.memory_space<semaphore_mem>>) src(%dma_wait3A_143 : memref<50000x8xf32, #tpu.memory_space<hbm>>) dst(%dma_wait3A_137 : memref<1000x8xf32, #tpu.memory_space<vmem>>)
        %dma_wait3A_144 = arith.constant 3 : i32
        %dma_wait3A_145 = arith.constant 3 : i32
        %dma_wait3A_146 = arith.constant 0 : i32
        %dma_wait3A_147 = arith.constant 0 : i32
        %dma_wait3A_148 = tpu.memref_slice %arg6[%dma_wait3A_145, %dma_wait3A_146, %dma_wait3A_147] : memref<8x1000x8xf32, #tpu.memory_space<vmem>> -> memref<1x1000x8xf32, #tpu.memory_space<vmem>>
        %dma_wait3A_149 = tpu.memref_squeeze %dma_wait3A_148 : memref<1x1000x8xf32, #tpu.memory_space<vmem>> -> memref<1000x8xf32, #tpu.memory_space<vmem>>
        %dma_wait3A_150 = arith.constant 0 : i32
        %dma_wait3A_151 = tpu.memref_slice %arg5[%dma_wait3A_144, %dma_wait3A_150] : memref<8x1000xi32, #tpu.memory_space<vmem>> -> memref<1x1000xi32, #tpu.memory_space<vmem>>
        %dma_wait3A_152 = tpu.memref_squeeze %dma_wait3A_151 : memref<1x1000xi32, #tpu.memory_space<vmem>> -> memref<1000xi32, #tpu.memory_space<vmem>>
        %dma_wait3A_153 = arith.constant 0 : i32
        %dma_wait3A_154 = arith.constant 0 : i32
        %dma_wait3A_155 = tpu.memref_slice %arg2[%dma_wait3A_153, %dma_wait3A_154] : memref<50000x8xf32, #tpu.memory_space<hbm>> -> memref<50000x8xf32, #tpu.memory_space<hbm>>
        tpu.wait_indirect_dma semaphore(%arg7 : memref<!tpu.dma_semaphore, #tpu.memory_space<semaphore_mem>>) src(%dma_wait3A_155 : memref<50000x8xf32, #tpu.memory_space<hbm>>) dst(%dma_wait3A_149 : memref<1000x8xf32, #tpu.memory_space<vmem>>)
        %dma_wait3A_156 = arith.constant 4 : i32
        %dma_wait3A_157 = arith.constant 4 : i32
        %dma_wait3A_158 = arith.constant 0 : i32
        %dma_wait3A_159 = arith.constant 0 : i32
        %dma_wait3A_160 = tpu.memref_slice %arg6[%dma_wait3A_157, %dma_wait3A_158, %dma_wait3A_159] : memref<8x1000x8xf32, #tpu.memory_space<vmem>> -> memref<1x1000x8xf32, #tpu.memory_space<vmem>>
        %dma_wait3A_161 = tpu.memref_squeeze %dma_wait3A_160 : memref<1x1000x8xf32, #tpu.memory_space<vmem>> -> memref<1000x8xf32, #tpu.memory_space<vmem>>
        %dma_wait3A_162 = arith.constant 0 : i32
        %dma_wait3A_163 = tpu.memref_slice %arg5[%dma_wait3A_156, %dma_wait3A_162] : memref<8x1000xi32, #tpu.memory_space<vmem>> -> memref<1x1000xi32, #tpu.memory_space<vmem>>
        %dma_wait3A_164 = tpu.memref_squeeze %dma_wait3A_163 : memref<1x1000xi32, #tpu.memory_space<vmem>> -> memref<1000xi32, #tpu.memory_space<vmem>>
        %dma_wait3A_165 = arith.constant 0 : i32
        %dma_wait3A_166 = arith.constant 0 : i32
        %dma_wait3A_167 = tpu.memref_slice %arg2[%dma_wait3A_165, %dma_wait3A_166] : memref<50000x8xf32, #tpu.memory_space<hbm>> -> memref<50000x8xf32, #tpu.memory_space<hbm>>
        tpu.wait_indirect_dma semaphore(%arg7 : memref<!tpu.dma_semaphore, #tpu.memory_space<semaphore_mem>>) src(%dma_wait3A_167 : memref<50000x8xf32, #tpu.memory_space<hbm>>) dst(%dma_wait3A_161 : memref<1000x8xf32, #tpu.memory_space<vmem>>)
        %dma_wait3A_168 = arith.constant 5 : i32
        %dma_wait3A_169 = arith.constant 5 : i32
        %dma_wait3A_170 = arith.constant 0 : i32
        %dma_wait3A_171 = arith.constant 0 : i32
        %dma_wait3A_172 = tpu.memref_slice %arg6[%dma_wait3A_169, %dma_wait3A_170, %dma_wait3A_171] : memref<8x1000x8xf32, #tpu.memory_space<vmem>> -> memref<1x1000x8xf32, #tpu.memory_space<vmem>>
        %dma_wait3A_173 = tpu.memref_squeeze %dma_wait3A_172 : memref<1x1000x8xf32, #tpu.memory_space<vmem>> -> memref<1000x8xf32, #tpu.memory_space<vmem>>
        %dma_wait3A_174 = arith.constant 0 : i32
        %dma_wait3A_175 = tpu.memref_slice %arg5[%dma_wait3A_168, %dma_wait3A_174] : memref<8x1000xi32, #tpu.memory_space<vmem>> -> memref<1x1000xi32, #tpu.memory_space<vmem>>
        %dma_wait3A_176 = tpu.memref_squeeze %dma_wait3A_175 : memref<1x1000xi32, #tpu.memory_space<vmem>> -> memref<1000xi32, #tpu.memory_space<vmem>>
        %dma_wait3A_177 = arith.constant 0 : i32
        %dma_wait3A_178 = arith.constant 0 : i32
        %dma_wait3A_179 = tpu.memref_slice %arg2[%dma_wait3A_177, %dma_wait3A_178] : memref<50000x8xf32, #tpu.memory_space<hbm>> -> memref<50000x8xf32, #tpu.memory_space<hbm>>
        tpu.wait_indirect_dma semaphore(%arg7 : memref<!tpu.dma_semaphore, #tpu.memory_space<semaphore_mem>>) src(%dma_wait3A_179 : memref<50000x8xf32, #tpu.memory_space<hbm>>) dst(%dma_wait3A_173 : memref<1000x8xf32, #tpu.memory_space<vmem>>)
        %dma_wait3A_180 = arith.constant 6 : i32
        %dma_wait3A_181 = arith.constant 6 : i32
        %dma_wait3A_182 = arith.constant 0 : i32
        %dma_wait3A_183 = arith.constant 0 : i32
        %dma_wait3A_184 = tpu.memref_slice %arg6[%dma_wait3A_181, %dma_wait3A_182, %dma_wait3A_183] : memref<8x1000x8xf32, #tpu.memory_space<vmem>> -> memref<1x1000x8xf32, #tpu.memory_space<vmem>>
        %dma_wait3A_185 = tpu.memref_squeeze %dma_wait3A_184 : memref<1x1000x8xf32, #tpu.memory_space<vmem>> -> memref<1000x8xf32, #tpu.memory_space<vmem>>
        %dma_wait3A_186 = arith.constant 0 : i32
        %dma_wait3A_187 = tpu.memref_slice %arg5[%dma_wait3A_180, %dma_wait3A_186] : memref<8x1000xi32, #tpu.memory_space<vmem>> -> memref<1x1000xi32, #tpu.memory_space<vmem>>
        %dma_wait3A_188 = tpu.memref_squeeze %dma_wait3A_187 : memref<1x1000xi32, #tpu.memory_space<vmem>> -> memref<1000xi32, #tpu.memory_space<vmem>>
        %dma_wait3A_189 = arith.constant 0 : i32
        %dma_wait3A_190 = arith.constant 0 : i32
        %dma_wait3A_191 = tpu.memref_slice %arg2[%dma_wait3A_189, %dma_wait3A_190] : memref<50000x8xf32, #tpu.memory_space<hbm>> -> memref<50000x8xf32, #tpu.memory_space<hbm>>
        tpu.wait_indirect_dma semaphore(%arg7 : memref<!tpu.dma_semaphore, #tpu.memory_space<semaphore_mem>>) src(%dma_wait3A_191 : memref<50000x8xf32, #tpu.memory_space<hbm>>) dst(%dma_wait3A_185 : memref<1000x8xf32, #tpu.memory_space<vmem>>)
        %dma_wait3A_192 = arith.constant 7 : i32
        %dma_wait3A_193 = arith.constant 7 : i32
        %dma_wait3A_194 = arith.constant 0 : i32
        %dma_wait3A_195 = arith.constant 0 : i32
        %dma_wait3A_196 = tpu.memref_slice %arg6[%dma_wait3A_193, %dma_wait3A_194, %dma_wait3A_195] : memref<8x1000x8xf32, #tpu.memory_space<vmem>> -> memref<1x1000x8xf32, #tpu.memory_space<vmem>>
        %dma_wait3A_197 = tpu.memref_squeeze %dma_wait3A_196 : memref<1x1000x8xf32, #tpu.memory_space<vmem>> -> memref<1000x8xf32, #tpu.memory_space<vmem>>
        %dma_wait3A_198 = arith.constant 0 : i32
        %dma_wait3A_199 = tpu.memref_slice %arg5[%dma_wait3A_192, %dma_wait3A_198] : memref<8x1000xi32, #tpu.memory_space<vmem>> -> memref<1x1000xi32, #tpu.memory_space<vmem>>
        %dma_wait3A_200 = tpu.memref_squeeze %dma_wait3A_199 : memref<1x1000xi32, #tpu.memory_space<vmem>> -> memref<1000xi32, #tpu.memory_space<vmem>>
        %dma_wait3A_201 = arith.constant 0 : i32
        %dma_wait3A_202 = arith.constant 0 : i32
        %dma_wait3A_203 = tpu.memref_slice %arg2[%dma_wait3A_201, %dma_wait3A_202] : memref<50000x8xf32, #tpu.memory_space<hbm>> -> memref<50000x8xf32, #tpu.memory_space<hbm>>
        tpu.wait_indirect_dma semaphore(%arg7 : memref<!tpu.dma_semaphore, #tpu.memory_space<semaphore_mem>>) src(%dma_wait3A_203 : memref<50000x8xf32, #tpu.memory_space<hbm>>) dst(%dma_wait3A_197 : memref<1000x8xf32, #tpu.memory_space<vmem>>)
        %run_scoped3A = arith.constant 0 : i32
        "tpu.region"() ({
          %run_scoped3A_211 = tpu.sem_alloc : memref<!tpu.dma_semaphore, #tpu.memory_space<semaphore_mem>>
          %dma_start3A_212 = arith.constant 0 : i32
          %dma_start3A_213 = arith.constant 0 : i32
          %dma_start3A_214 = tpu.memref_slice %arg6[%run_scoped3A, %dma_start3A_212, %dma_start3A_213] : memref<8x1000x8xf32, #tpu.memory_space<vmem>> -> memref<1x1000x8xf32, #tpu.memory_space<vmem>>
          %dma_start3A_215 = tpu.memref_squeeze %dma_start3A_214 : memref<1x1000x8xf32, #tpu.memory_space<vmem>> -> memref<1000x8xf32, #tpu.memory_space<vmem>>
          %dma_start3A_216 = arith.constant 0 : i32
          %dma_start3A_217 = tpu.memref_slice %arg4[%mul3A_13, %dma_start3A_216] : memref<100000x64xf32, #tpu.memory_space<hbm>> -> memref<1000x8xf32, #tpu.memory_space<hbm>>
          %dma_start3A_218 = arith.constant 0 : i32
          %dma_start3A_219 = tpu.memref_slice %arg4[%mul3A_13, %dma_start3A_218] : memref<100000x64xf32, #tpu.memory_space<hbm>> -> memref<1000x8xf32, #tpu.memory_space<hbm>>
          %dma_start3A_220 = arith.constant 0 : i32
          %dma_start3A_221 = arith.constant 0 : i32
          %dma_start3A_222 = tpu.memref_slice %arg6[%run_scoped3A, %dma_start3A_220, %dma_start3A_221] : memref<8x1000x8xf32, #tpu.memory_space<vmem>> -> memref<1x1000x8xf32, #tpu.memory_space<vmem>>
          %dma_start3A_223 = tpu.memref_squeeze %dma_start3A_222 : memref<1x1000x8xf32, #tpu.memory_space<vmem>> -> memref<1000x8xf32, #tpu.memory_space<vmem>>
          tpu.enqueue_dma source(%dma_start3A_223 : memref<1000x8xf32, #tpu.memory_space<vmem>>) target(%dma_start3A_219 : memref<1000x8xf32, #tpu.memory_space<hbm>>) target_semaphore(%run_scoped3A_211 : memref<!tpu.dma_semaphore, #tpu.memory_space<semaphore_mem>>)
          %dma_wait3A_224 = arith.constant 0 : i32
          %dma_wait3A_225 = arith.constant 0 : i32
          %dma_wait3A_226 = tpu.memref_slice %arg6[%run_scoped3A, %dma_wait3A_224, %dma_wait3A_225] : memref<8x1000x8xf32, #tpu.memory_space<vmem>> -> memref<1x1000x8xf32, #tpu.memory_space<vmem>>
          %dma_wait3A_227 = tpu.memref_squeeze %dma_wait3A_226 : memref<1x1000x8xf32, #tpu.memory_space<vmem>> -> memref<1000x8xf32, #tpu.memory_space<vmem>>
          %dma_wait3A_228 = arith.constant 0 : i32
          %dma_wait3A_229 = tpu.memref_slice %arg4[%mul3A_13, %dma_wait3A_228] : memref<100000x64xf32, #tpu.memory_space<hbm>> -> memref<1000x8xf32, #tpu.memory_space<hbm>>
          %dma_wait3A_230 = arith.constant 0 : i32
          %dma_wait3A_231 = tpu.memref_slice %arg4[%mul3A_13, %dma_wait3A_230] : memref<100000x64xf32, #tpu.memory_space<hbm>> -> memref<1000x8xf32, #tpu.memory_space<hbm>>
          %dma_wait3A_232 = arith.constant 0 : i32
          %dma_wait3A_233 = arith.constant 0 : i32
          %dma_wait3A_234 = tpu.memref_slice %arg6[%run_scoped3A, %dma_wait3A_232, %dma_wait3A_233] : memref<8x1000x8xf32, #tpu.memory_space<vmem>> -> memref<1x1000x8xf32, #tpu.memory_space<vmem>>
          %dma_wait3A_235 = tpu.memref_squeeze %dma_wait3A_234 : memref<1x1000x8xf32, #tpu.memory_space<vmem>> -> memref<1000x8xf32, #tpu.memory_space<vmem>>
          tpu.wait_dma2 semaphore(%run_scoped3A_211 : memref<!tpu.dma_semaphore, #tpu.memory_space<semaphore_mem>>) src(%dma_wait3A_235 : memref<1000x8xf32, #tpu.memory_space<vmem>>) dst(%dma_wait3A_231 : memref<1000x8xf32, #tpu.memory_space<hbm>>)
          tpu.yield
        }) : () -> ()
        %run_scoped3A_204 = arith.constant 1 : i32
        "tpu.region"() ({
          %run_scoped3A_211 = tpu.sem_alloc : memref<!tpu.dma_semaphore, #tpu.memory_space<semaphore_mem>>
          %dma_start3A_212 = arith.constant 0 : i32
          %dma_start3A_213 = arith.constant 0 : i32
          %dma_start3A_214 = tpu.memref_slice %arg6[%run_scoped3A_204, %dma_start3A_212, %dma_start3A_213] : memref<8x1000x8xf32, #tpu.memory_space<vmem>> -> memref<1x1000x8xf32, #tpu.memory_space<vmem>>
          %dma_start3A_215 = tpu.memref_squeeze %dma_start3A_214 : memref<1x1000x8xf32, #tpu.memory_space<vmem>> -> memref<1000x8xf32, #tpu.memory_space<vmem>>
          %dma_start3A_216 = arith.constant 8 : i32
          %dma_start3A_217 = tpu.memref_slice %arg4[%mul3A_13, %dma_start3A_216] : memref<100000x64xf32, #tpu.memory_space<hbm>> -> memref<1000x8xf32, #tpu.memory_space<hbm>>
          %dma_start3A_218 = arith.constant 8 : i32
          %dma_start3A_219 = tpu.memref_slice %arg4[%mul3A_13, %dma_start3A_218] : memref<100000x64xf32, #tpu.memory_space<hbm>> -> memref<1000x8xf32, #tpu.memory_space<hbm>>
          %dma_start3A_220 = arith.constant 0 : i32
          %dma_start3A_221 = arith.constant 0 : i32
          %dma_start3A_222 = tpu.memref_slice %arg6[%run_scoped3A_204, %dma_start3A_220, %dma_start3A_221] : memref<8x1000x8xf32, #tpu.memory_space<vmem>> -> memref<1x1000x8xf32, #tpu.memory_space<vmem>>
          %dma_start3A_223 = tpu.memref_squeeze %dma_start3A_222 : memref<1x1000x8xf32, #tpu.memory_space<vmem>> -> memref<1000x8xf32, #tpu.memory_space<vmem>>
          tpu.enqueue_dma source(%dma_start3A_223 : memref<1000x8xf32, #tpu.memory_space<vmem>>) target(%dma_start3A_219 : memref<1000x8xf32, #tpu.memory_space<hbm>>) target_semaphore(%run_scoped3A_211 : memref<!tpu.dma_semaphore, #tpu.memory_space<semaphore_mem>>)
          %dma_wait3A_224 = arith.constant 0 : i32
          %dma_wait3A_225 = arith.constant 0 : i32
          %dma_wait3A_226 = tpu.memref_slice %arg6[%run_scoped3A_204, %dma_wait3A_224, %dma_wait3A_225] : memref<8x1000x8xf32, #tpu.memory_space<vmem>> -> memref<1x1000x8xf32, #tpu.memory_space<vmem>>
          %dma_wait3A_227 = tpu.memref_squeeze %dma_wait3A_226 : memref<1x1000x8xf32, #tpu.memory_space<vmem>> -> memref<1000x8xf32, #tpu.memory_space<vmem>>
          %dma_wait3A_228 = arith.constant 8 : i32
          %dma_wait3A_229 = tpu.memref_slice %arg4[%mul3A_13, %dma_wait3A_228] : memref<100000x64xf32, #tpu.memory_space<hbm>> -> memref<1000x8xf32, #tpu.memory_space<hbm>>
          %dma_wait3A_230 = arith.constant 8 : i32
          %dma_wait3A_231 = tpu.memref_slice %arg4[%mul3A_13, %dma_wait3A_230] : memref<100000x64xf32, #tpu.memory_space<hbm>> -> memref<1000x8xf32, #tpu.memory_space<hbm>>
          %dma_wait3A_232 = arith.constant 0 : i32
          %dma_wait3A_233 = arith.constant 0 : i32
          %dma_wait3A_234 = tpu.memref_slice %arg6[%run_scoped3A_204, %dma_wait3A_232, %dma_wait3A_233] : memref<8x1000x8xf32, #tpu.memory_space<vmem>> -> memref<1x1000x8xf32, #tpu.memory_space<vmem>>
          %dma_wait3A_235 = tpu.memref_squeeze %dma_wait3A_234 : memref<1x1000x8xf32, #tpu.memory_space<vmem>> -> memref<1000x8xf32, #tpu.memory_space<vmem>>
          tpu.wait_dma2 semaphore(%run_scoped3A_211 : memref<!tpu.dma_semaphore, #tpu.memory_space<semaphore_mem>>) src(%dma_wait3A_235 : memref<1000x8xf32, #tpu.memory_space<vmem>>) dst(%dma_wait3A_231 : memref<1000x8xf32, #tpu.memory_space<hbm>>)
          tpu.yield
        }) : () -> ()
        %run_scoped3A_205 = arith.constant 2 : i32
        "tpu.region"() ({
          %run_scoped3A_211 = tpu.sem_alloc : memref<!tpu.dma_semaphore, #tpu.memory_space<semaphore_mem>>
          %dma_start3A_212 = arith.constant 0 : i32
          %dma_start3A_213 = arith.constant 0 : i32
          %dma_start3A_214 = tpu.memref_slice %arg6[%run_scoped3A_205, %dma_start3A_212, %dma_start3A_213] : memref<8x1000x8xf32, #tpu.memory_space<vmem>> -> memref<1x1000x8xf32, #tpu.memory_space<vmem>>
          %dma_start3A_215 = tpu.memref_squeeze %dma_start3A_214 : memref<1x1000x8xf32, #tpu.memory_space<vmem>> -> memref<1000x8xf32, #tpu.memory_space<vmem>>
          %dma_start3A_216 = arith.constant 16 : i32
          %dma_start3A_217 = tpu.memref_slice %arg4[%mul3A_13, %dma_start3A_216] : memref<100000x64xf32, #tpu.memory_space<hbm>> -> memref<1000x8xf32, #tpu.memory_space<hbm>>
          %dma_start3A_218 = arith.constant 16 : i32
          %dma_start3A_219 = tpu.memref_slice %arg4[%mul3A_13, %dma_start3A_218] : memref<100000x64xf32, #tpu.memory_space<hbm>> -> memref<1000x8xf32, #tpu.memory_space<hbm>>
          %dma_start3A_220 = arith.constant 0 : i32
          %dma_start3A_221 = arith.constant 0 : i32
          %dma_start3A_222 = tpu.memref_slice %arg6[%run_scoped3A_205, %dma_start3A_220, %dma_start3A_221] : memref<8x1000x8xf32, #tpu.memory_space<vmem>> -> memref<1x1000x8xf32, #tpu.memory_space<vmem>>
          %dma_start3A_223 = tpu.memref_squeeze %dma_start3A_222 : memref<1x1000x8xf32, #tpu.memory_space<vmem>> -> memref<1000x8xf32, #tpu.memory_space<vmem>>
          tpu.enqueue_dma source(%dma_start3A_223 : memref<1000x8xf32, #tpu.memory_space<vmem>>) target(%dma_start3A_219 : memref<1000x8xf32, #tpu.memory_space<hbm>>) target_semaphore(%run_scoped3A_211 : memref<!tpu.dma_semaphore, #tpu.memory_space<semaphore_mem>>)
          %dma_wait3A_224 = arith.constant 0 : i32
          %dma_wait3A_225 = arith.constant 0 : i32
          %dma_wait3A_226 = tpu.memref_slice %arg6[%run_scoped3A_205, %dma_wait3A_224, %dma_wait3A_225] : memref<8x1000x8xf32, #tpu.memory_space<vmem>> -> memref<1x1000x8xf32, #tpu.memory_space<vmem>>
          %dma_wait3A_227 = tpu.memref_squeeze %dma_wait3A_226 : memref<1x1000x8xf32, #tpu.memory_space<vmem>> -> memref<1000x8xf32, #tpu.memory_space<vmem>>
          %dma_wait3A_228 = arith.constant 16 : i32
          %dma_wait3A_229 = tpu.memref_slice %arg4[%mul3A_13, %dma_wait3A_228] : memref<100000x64xf32, #tpu.memory_space<hbm>> -> memref<1000x8xf32, #tpu.memory_space<hbm>>
          %dma_wait3A_230 = arith.constant 16 : i32
          %dma_wait3A_231 = tpu.memref_slice %arg4[%mul3A_13, %dma_wait3A_230] : memref<100000x64xf32, #tpu.memory_space<hbm>> -> memref<1000x8xf32, #tpu.memory_space<hbm>>
          %dma_wait3A_232 = arith.constant 0 : i32
          %dma_wait3A_233 = arith.constant 0 : i32
          %dma_wait3A_234 = tpu.memref_slice %arg6[%run_scoped3A_205, %dma_wait3A_232, %dma_wait3A_233] : memref<8x1000x8xf32, #tpu.memory_space<vmem>> -> memref<1x1000x8xf32, #tpu.memory_space<vmem>>
          %dma_wait3A_235 = tpu.memref_squeeze %dma_wait3A_234 : memref<1x1000x8xf32, #tpu.memory_space<vmem>> -> memref<1000x8xf32, #tpu.memory_space<vmem>>
          tpu.wait_dma2 semaphore(%run_scoped3A_211 : memref<!tpu.dma_semaphore, #tpu.memory_space<semaphore_mem>>) src(%dma_wait3A_235 : memref<1000x8xf32, #tpu.memory_space<vmem>>) dst(%dma_wait3A_231 : memref<1000x8xf32, #tpu.memory_space<hbm>>)
          tpu.yield
        }) : () -> ()
        %run_scoped3A_206 = arith.constant 3 : i32
        "tpu.region"() ({
          %run_scoped3A_211 = tpu.sem_alloc : memref<!tpu.dma_semaphore, #tpu.memory_space<semaphore_mem>>
          %dma_start3A_212 = arith.constant 0 : i32
          %dma_start3A_213 = arith.constant 0 : i32
          %dma_start3A_214 = tpu.memref_slice %arg6[%run_scoped3A_206, %dma_start3A_212, %dma_start3A_213] : memref<8x1000x8xf32, #tpu.memory_space<vmem>> -> memref<1x1000x8xf32, #tpu.memory_space<vmem>>
          %dma_start3A_215 = tpu.memref_squeeze %dma_start3A_214 : memref<1x1000x8xf32, #tpu.memory_space<vmem>> -> memref<1000x8xf32, #tpu.memory_space<vmem>>
          %dma_start3A_216 = arith.constant 24 : i32
          %dma_start3A_217 = tpu.memref_slice %arg4[%mul3A_13, %dma_start3A_216] : memref<100000x64xf32, #tpu.memory_space<hbm>> -> memref<1000x8xf32, #tpu.memory_space<hbm>>
          %dma_start3A_218 = arith.constant 24 : i32
          %dma_start3A_219 = tpu.memref_slice %arg4[%mul3A_13, %dma_start3A_218] : memref<100000x64xf32, #tpu.memory_space<hbm>> -> memref<1000x8xf32, #tpu.memory_space<hbm>>
          %dma_start3A_220 = arith.constant 0 : i32
          %dma_start3A_221 = arith.constant 0 : i32
          %dma_start3A_222 = tpu.memref_slice %arg6[%run_scoped3A_206, %dma_start3A_220, %dma_start3A_221] : memref<8x1000x8xf32, #tpu.memory_space<vmem>> -> memref<1x1000x8xf32, #tpu.memory_space<vmem>>
          %dma_start3A_223 = tpu.memref_squeeze %dma_start3A_222 : memref<1x1000x8xf32, #tpu.memory_space<vmem>> -> memref<1000x8xf32, #tpu.memory_space<vmem>>
          tpu.enqueue_dma source(%dma_start3A_223 : memref<1000x8xf32, #tpu.memory_space<vmem>>) target(%dma_start3A_219 : memref<1000x8xf32, #tpu.memory_space<hbm>>) target_semaphore(%run_scoped3A_211 : memref<!tpu.dma_semaphore, #tpu.memory_space<semaphore_mem>>)
          %dma_wait3A_224 = arith.constant 0 : i32
          %dma_wait3A_225 = arith.constant 0 : i32
          %dma_wait3A_226 = tpu.memref_slice %arg6[%run_scoped3A_206, %dma_wait3A_224, %dma_wait3A_225] : memref<8x1000x8xf32, #tpu.memory_space<vmem>> -> memref<1x1000x8xf32, #tpu.memory_space<vmem>>
          %dma_wait3A_227 = tpu.memref_squeeze %dma_wait3A_226 : memref<1x1000x8xf32, #tpu.memory_space<vmem>> -> memref<1000x8xf32, #tpu.memory_space<vmem>>
          %dma_wait3A_228 = arith.constant 24 : i32
          %dma_wait3A_229 = tpu.memref_slice %arg4[%mul3A_13, %dma_wait3A_228] : memref<100000x64xf32, #tpu.memory_space<hbm>> -> memref<1000x8xf32, #tpu.memory_space<hbm>>
          %dma_wait3A_230 = arith.constant 24 : i32
          %dma_wait3A_231 = tpu.memref_slice %arg4[%mul3A_13, %dma_wait3A_230] : memref<100000x64xf32, #tpu.memory_space<hbm>> -> memref<1000x8xf32, #tpu.memory_space<hbm>>
          %dma_wait3A_232 = arith.constant 0 : i32
          %dma_wait3A_233 = arith.constant 0 : i32
          %dma_wait3A_234 = tpu.memref_slice %arg6[%run_scoped3A_206, %dma_wait3A_232, %dma_wait3A_233] : memref<8x1000x8xf32, #tpu.memory_space<vmem>> -> memref<1x1000x8xf32, #tpu.memory_space<vmem>>
          %dma_wait3A_235 = tpu.memref_squeeze %dma_wait3A_234 : memref<1x1000x8xf32, #tpu.memory_space<vmem>> -> memref<1000x8xf32, #tpu.memory_space<vmem>>
          tpu.wait_dma2 semaphore(%run_scoped3A_211 : memref<!tpu.dma_semaphore, #tpu.memory_space<semaphore_mem>>) src(%dma_wait3A_235 : memref<1000x8xf32, #tpu.memory_space<vmem>>) dst(%dma_wait3A_231 : memref<1000x8xf32, #tpu.memory_space<hbm>>)
          tpu.yield
        }) : () -> ()
        %run_scoped3A_207 = arith.constant 4 : i32
        "tpu.region"() ({
          %run_scoped3A_211 = tpu.sem_alloc : memref<!tpu.dma_semaphore, #tpu.memory_space<semaphore_mem>>
          %dma_start3A_212 = arith.constant 0 : i32
          %dma_start3A_213 = arith.constant 0 : i32
          %dma_start3A_214 = tpu.memref_slice %arg6[%run_scoped3A_207, %dma_start3A_212, %dma_start3A_213] : memref<8x1000x8xf32, #tpu.memory_space<vmem>> -> memref<1x1000x8xf32, #tpu.memory_space<vmem>>
          %dma_start3A_215 = tpu.memref_squeeze %dma_start3A_214 : memref<1x1000x8xf32, #tpu.memory_space<vmem>> -> memref<1000x8xf32, #tpu.memory_space<vmem>>
          %dma_start3A_216 = arith.constant 32 : i32
          %dma_start3A_217 = tpu.memref_slice %arg4[%mul3A_13, %dma_start3A_216] : memref<100000x64xf32, #tpu.memory_space<hbm>> -> memref<1000x8xf32, #tpu.memory_space<hbm>>
          %dma_start3A_218 = arith.constant 32 : i32
          %dma_start3A_219 = tpu.memref_slice %arg4[%mul3A_13, %dma_start3A_218] : memref<100000x64xf32, #tpu.memory_space<hbm>> -> memref<1000x8xf32, #tpu.memory_space<hbm>>
          %dma_start3A_220 = arith.constant 0 : i32
          %dma_start3A_221 = arith.constant 0 : i32
          %dma_start3A_222 = tpu.memref_slice %arg6[%run_scoped3A_207, %dma_start3A_220, %dma_start3A_221] : memref<8x1000x8xf32, #tpu.memory_space<vmem>> -> memref<1x1000x8xf32, #tpu.memory_space<vmem>>
          %dma_start3A_223 = tpu.memref_squeeze %dma_start3A_222 : memref<1x1000x8xf32, #tpu.memory_space<vmem>> -> memref<1000x8xf32, #tpu.memory_space<vmem>>
          tpu.enqueue_dma source(%dma_start3A_223 : memref<1000x8xf32, #tpu.memory_space<vmem>>) target(%dma_start3A_219 : memref<1000x8xf32, #tpu.memory_space<hbm>>) target_semaphore(%run_scoped3A_211 : memref<!tpu.dma_semaphore, #tpu.memory_space<semaphore_mem>>)
          %dma_wait3A_224 = arith.constant 0 : i32
          %dma_wait3A_225 = arith.constant 0 : i32
          %dma_wait3A_226 = tpu.memref_slice %arg6[%run_scoped3A_207, %dma_wait3A_224, %dma_wait3A_225] : memref<8x1000x8xf32, #tpu.memory_space<vmem>> -> memref<1x1000x8xf32, #tpu.memory_space<vmem>>
          %dma_wait3A_227 = tpu.memref_squeeze %dma_wait3A_226 : memref<1x1000x8xf32, #tpu.memory_space<vmem>> -> memref<1000x8xf32, #tpu.memory_space<vmem>>
          %dma_wait3A_228 = arith.constant 32 : i32
          %dma_wait3A_229 = tpu.memref_slice %arg4[%mul3A_13, %dma_wait3A_228] : memref<100000x64xf32, #tpu.memory_space<hbm>> -> memref<1000x8xf32, #tpu.memory_space<hbm>>
          %dma_wait3A_230 = arith.constant 32 : i32
          %dma_wait3A_231 = tpu.memref_slice %arg4[%mul3A_13, %dma_wait3A_230] : memref<100000x64xf32, #tpu.memory_space<hbm>> -> memref<1000x8xf32, #tpu.memory_space<hbm>>
          %dma_wait3A_232 = arith.constant 0 : i32
          %dma_wait3A_233 = arith.constant 0 : i32
          %dma_wait3A_234 = tpu.memref_slice %arg6[%run_scoped3A_207, %dma_wait3A_232, %dma_wait3A_233] : memref<8x1000x8xf32, #tpu.memory_space<vmem>> -> memref<1x1000x8xf32, #tpu.memory_space<vmem>>
          %dma_wait3A_235 = tpu.memref_squeeze %dma_wait3A_234 : memref<1x1000x8xf32, #tpu.memory_space<vmem>> -> memref<1000x8xf32, #tpu.memory_space<vmem>>
          tpu.wait_dma2 semaphore(%run_scoped3A_211 : memref<!tpu.dma_semaphore, #tpu.memory_space<semaphore_mem>>) src(%dma_wait3A_235 : memref<1000x8xf32, #tpu.memory_space<vmem>>) dst(%dma_wait3A_231 : memref<1000x8xf32, #tpu.memory_space<hbm>>)
          tpu.yield
        }) : () -> ()
        %run_scoped3A_208 = arith.constant 5 : i32
        "tpu.region"() ({
          %run_scoped3A_211 = tpu.sem_alloc : memref<!tpu.dma_semaphore, #tpu.memory_space<semaphore_mem>>
          %dma_start3A_212 = arith.constant 0 : i32
          %dma_start3A_213 = arith.constant 0 : i32
          %dma_start3A_214 = tpu.memref_slice %arg6[%run_scoped3A_208, %dma_start3A_212, %dma_start3A_213] : memref<8x1000x8xf32, #tpu.memory_space<vmem>> -> memref<1x1000x8xf32, #tpu.memory_space<vmem>>
          %dma_start3A_215 = tpu.memref_squeeze %dma_start3A_214 : memref<1x1000x8xf32, #tpu.memory_space<vmem>> -> memref<1000x8xf32, #tpu.memory_space<vmem>>
          %dma_start3A_216 = arith.constant 40 : i32
          %dma_start3A_217 = tpu.memref_slice %arg4[%mul3A_13, %dma_start3A_216] : memref<100000x64xf32, #tpu.memory_space<hbm>> -> memref<1000x8xf32, #tpu.memory_space<hbm>>
          %dma_start3A_218 = arith.constant 40 : i32
          %dma_start3A_219 = tpu.memref_slice %arg4[%mul3A_13, %dma_start3A_218] : memref<100000x64xf32, #tpu.memory_space<hbm>> -> memref<1000x8xf32, #tpu.memory_space<hbm>>
          %dma_start3A_220 = arith.constant 0 : i32
          %dma_start3A_221 = arith.constant 0 : i32
          %dma_start3A_222 = tpu.memref_slice %arg6[%run_scoped3A_208, %dma_start3A_220, %dma_start3A_221] : memref<8x1000x8xf32, #tpu.memory_space<vmem>> -> memref<1x1000x8xf32, #tpu.memory_space<vmem>>
          %dma_start3A_223 = tpu.memref_squeeze %dma_start3A_222 : memref<1x1000x8xf32, #tpu.memory_space<vmem>> -> memref<1000x8xf32, #tpu.memory_space<vmem>>
          tpu.enqueue_dma source(%dma_start3A_223 : memref<1000x8xf32, #tpu.memory_space<vmem>>) target(%dma_start3A_219 : memref<1000x8xf32, #tpu.memory_space<hbm>>) target_semaphore(%run_scoped3A_211 : memref<!tpu.dma_semaphore, #tpu.memory_space<semaphore_mem>>)
          %dma_wait3A_224 = arith.constant 0 : i32
          %dma_wait3A_225 = arith.constant 0 : i32
          %dma_wait3A_226 = tpu.memref_slice %arg6[%run_scoped3A_208, %dma_wait3A_224, %dma_wait3A_225] : memref<8x1000x8xf32, #tpu.memory_space<vmem>> -> memref<1x1000x8xf32, #tpu.memory_space<vmem>>
          %dma_wait3A_227 = tpu.memref_squeeze %dma_wait3A_226 : memref<1x1000x8xf32, #tpu.memory_space<vmem>> -> memref<1000x8xf32, #tpu.memory_space<vmem>>
          %dma_wait3A_228 = arith.constant 40 : i32
          %dma_wait3A_229 = tpu.memref_slice %arg4[%mul3A_13, %dma_wait3A_228] : memref<100000x64xf32, #tpu.memory_space<hbm>> -> memref<1000x8xf32, #tpu.memory_space<hbm>>
          %dma_wait3A_230 = arith.constant 40 : i32
          %dma_wait3A_231 = tpu.memref_slice %arg4[%mul3A_13, %dma_wait3A_230] : memref<100000x64xf32, #tpu.memory_space<hbm>> -> memref<1000x8xf32, #tpu.memory_space<hbm>>
          %dma_wait3A_232 = arith.constant 0 : i32
          %dma_wait3A_233 = arith.constant 0 : i32
          %dma_wait3A_234 = tpu.memref_slice %arg6[%run_scoped3A_208, %dma_wait3A_232, %dma_wait3A_233] : memref<8x1000x8xf32, #tpu.memory_space<vmem>> -> memref<1x1000x8xf32, #tpu.memory_space<vmem>>
          %dma_wait3A_235 = tpu.memref_squeeze %dma_wait3A_234 : memref<1x1000x8xf32, #tpu.memory_space<vmem>> -> memref<1000x8xf32, #tpu.memory_space<vmem>>
          tpu.wait_dma2 semaphore(%run_scoped3A_211 : memref<!tpu.dma_semaphore, #tpu.memory_space<semaphore_mem>>) src(%dma_wait3A_235 : memref<1000x8xf32, #tpu.memory_space<vmem>>) dst(%dma_wait3A_231 : memref<1000x8xf32, #tpu.memory_space<hbm>>)
          tpu.yield
        }) : () -> ()
        %run_scoped3A_209 = arith.constant 6 : i32
        "tpu.region"() ({
          %run_scoped3A_211 = tpu.sem_alloc : memref<!tpu.dma_semaphore, #tpu.memory_space<semaphore_mem>>
          %dma_start3A_212 = arith.constant 0 : i32
          %dma_start3A_213 = arith.constant 0 : i32
          %dma_start3A_214 = tpu.memref_slice %arg6[%run_scoped3A_209, %dma_start3A_212, %dma_start3A_213] : memref<8x1000x8xf32, #tpu.memory_space<vmem>> -> memref<1x1000x8xf32, #tpu.memory_space<vmem>>
          %dma_start3A_215 = tpu.memref_squeeze %dma_start3A_214 : memref<1x1000x8xf32, #tpu.memory_space<vmem>> -> memref<1000x8xf32, #tpu.memory_space<vmem>>
          %dma_start3A_216 = arith.constant 48 : i32
          %dma_start3A_217 = tpu.memref_slice %arg4[%mul3A_13, %dma_start3A_216] : memref<100000x64xf32, #tpu.memory_space<hbm>> -> memref<1000x8xf32, #tpu.memory_space<hbm>>
          %dma_start3A_218 = arith.constant 48 : i32
          %dma_start3A_219 = tpu.memref_slice %arg4[%mul3A_13, %dma_start3A_218] : memref<100000x64xf32, #tpu.memory_space<hbm>> -> memref<1000x8xf32, #tpu.memory_space<hbm>>
          %dma_start3A_220 = arith.constant 0 : i32
          %dma_start3A_221 = arith.constant 0 : i32
          %dma_start3A_222 = tpu.memref_slice %arg6[%run_scoped3A_209, %dma_start3A_220, %dma_start3A_221] : memref<8x1000x8xf32, #tpu.memory_space<vmem>> -> memref<1x1000x8xf32, #tpu.memory_space<vmem>>
          %dma_start3A_223 = tpu.memref_squeeze %dma_start3A_222 : memref<1x1000x8xf32, #tpu.memory_space<vmem>> -> memref<1000x8xf32, #tpu.memory_space<vmem>>
          tpu.enqueue_dma source(%dma_start3A_223 : memref<1000x8xf32, #tpu.memory_space<vmem>>) target(%dma_start3A_219 : memref<1000x8xf32, #tpu.memory_space<hbm>>) target_semaphore(%run_scoped3A_211 : memref<!tpu.dma_semaphore, #tpu.memory_space<semaphore_mem>>)
          %dma_wait3A_224 = arith.constant 0 : i32
          %dma_wait3A_225 = arith.constant 0 : i32
          %dma_wait3A_226 = tpu.memref_slice %arg6[%run_scoped3A_209, %dma_wait3A_224, %dma_wait3A_225] : memref<8x1000x8xf32, #tpu.memory_space<vmem>> -> memref<1x1000x8xf32, #tpu.memory_space<vmem>>
          %dma_wait3A_227 = tpu.memref_squeeze %dma_wait3A_226 : memref<1x1000x8xf32, #tpu.memory_space<vmem>> -> memref<1000x8xf32, #tpu.memory_space<vmem>>
          %dma_wait3A_228 = arith.constant 48 : i32
          %dma_wait3A_229 = tpu.memref_slice %arg4[%mul3A_13, %dma_wait3A_228] : memref<100000x64xf32, #tpu.memory_space<hbm>> -> memref<1000x8xf32, #tpu.memory_space<hbm>>
          %dma_wait3A_230 = arith.constant 48 : i32
          %dma_wait3A_231 = tpu.memref_slice %arg4[%mul3A_13, %dma_wait3A_230] : memref<100000x64xf32, #tpu.memory_space<hbm>> -> memref<1000x8xf32, #tpu.memory_space<hbm>>
          %dma_wait3A_232 = arith.constant 0 : i32
          %dma_wait3A_233 = arith.constant 0 : i32
          %dma_wait3A_234 = tpu.memref_slice %arg6[%run_scoped3A_209, %dma_wait3A_232, %dma_wait3A_233] : memref<8x1000x8xf32, #tpu.memory_space<vmem>> -> memref<1x1000x8xf32, #tpu.memory_space<vmem>>
          %dma_wait3A_235 = tpu.memref_squeeze %dma_wait3A_234 : memref<1x1000x8xf32, #tpu.memory_space<vmem>> -> memref<1000x8xf32, #tpu.memory_space<vmem>>
          tpu.wait_dma2 semaphore(%run_scoped3A_211 : memref<!tpu.dma_semaphore, #tpu.memory_space<semaphore_mem>>) src(%dma_wait3A_235 : memref<1000x8xf32, #tpu.memory_space<vmem>>) dst(%dma_wait3A_231 : memref<1000x8xf32, #tpu.memory_space<hbm>>)
          tpu.yield
        }) : () -> ()
        %run_scoped3A_210 = arith.constant 7 : i32
        "tpu.region"() ({
          %run_scoped3A_211 = tpu.sem_alloc : memref<!tpu.dma_semaphore, #tpu.memory_space<semaphore_mem>>
          %dma_start3A_212 = arith.constant 0 : i32
          %dma_start3A_213 = arith.constant 0 : i32
          %dma_start3A_214 = tpu.memref_slice %arg6[%run_scoped3A_210, %dma_start3A_212, %dma_start3A_213] : memref<8x1000x8xf32, #tpu.memory_space<vmem>> -> memref<1x1000x8xf32, #tpu.memory_space<vmem>>
          %dma_start3A_215 = tpu.memref_squeeze %dma_start3A_214 : memref<1x1000x8xf32, #tpu.memory_space<vmem>> -> memref<1000x8xf32, #tpu.memory_space<vmem>>
          %dma_start3A_216 = arith.constant 56 : i32
          %dma_start3A_217 = tpu.memref_slice %arg4[%mul3A_13, %dma_start3A_216] : memref<100000x64xf32, #tpu.memory_space<hbm>> -> memref<1000x8xf32, #tpu.memory_space<hbm>>
          %dma_start3A_218 = arith.constant 56 : i32
          %dma_start3A_219 = tpu.memref_slice %arg4[%mul3A_13, %dma_start3A_218] : memref<100000x64xf32, #tpu.memory_space<hbm>> -> memref<1000x8xf32, #tpu.memory_space<hbm>>
          %dma_start3A_220 = arith.constant 0 : i32
          %dma_start3A_221 = arith.constant 0 : i32
          %dma_start3A_222 = tpu.memref_slice %arg6[%run_scoped3A_210, %dma_start3A_220, %dma_start3A_221] : memref<8x1000x8xf32, #tpu.memory_space<vmem>> -> memref<1x1000x8xf32, #tpu.memory_space<vmem>>
          %dma_start3A_223 = tpu.memref_squeeze %dma_start3A_222 : memref<1x1000x8xf32, #tpu.memory_space<vmem>> -> memref<1000x8xf32, #tpu.memory_space<vmem>>
          tpu.enqueue_dma source(%dma_start3A_223 : memref<1000x8xf32, #tpu.memory_space<vmem>>) target(%dma_start3A_219 : memref<1000x8xf32, #tpu.memory_space<hbm>>) target_semaphore(%run_scoped3A_211 : memref<!tpu.dma_semaphore, #tpu.memory_space<semaphore_mem>>)
          %dma_wait3A_224 = arith.constant 0 : i32
          %dma_wait3A_225 = arith.constant 0 : i32
          %dma_wait3A_226 = tpu.memref_slice %arg6[%run_scoped3A_210, %dma_wait3A_224, %dma_wait3A_225] : memref<8x1000x8xf32, #tpu.memory_space<vmem>> -> memref<1x1000x8xf32, #tpu.memory_space<vmem>>
          %dma_wait3A_227 = tpu.memref_squeeze %dma_wait3A_226 : memref<1x1000x8xf32, #tpu.memory_space<vmem>> -> memref<1000x8xf32, #tpu.memory_space<vmem>>
          %dma_wait3A_228 = arith.constant 56 : i32
          %dma_wait3A_229 = tpu.memref_slice %arg4[%mul3A_13, %dma_wait3A_228] : memref<100000x64xf32, #tpu.memory_space<hbm>> -> memref<1000x8xf32, #tpu.memory_space<hbm>>
          %dma_wait3A_230 = arith.constant 56 : i32
          %dma_wait3A_231 = tpu.memref_slice %arg4[%mul3A_13, %dma_wait3A_230] : memref<100000x64xf32, #tpu.memory_space<hbm>> -> memref<1000x8xf32, #tpu.memory_space<hbm>>
          %dma_wait3A_232 = arith.constant 0 : i32
          %dma_wait3A_233 = arith.constant 0 : i32
          %dma_wait3A_234 = tpu.memref_slice %arg6[%run_scoped3A_210, %dma_wait3A_232, %dma_wait3A_233] : memref<8x1000x8xf32, #tpu.memory_space<vmem>> -> memref<1x1000x8xf32, #tpu.memory_space<vmem>>
          %dma_wait3A_235 = tpu.memref_squeeze %dma_wait3A_234 : memref<1x1000x8xf32, #tpu.memory_space<vmem>> -> memref<1000x8xf32, #tpu.memory_space<vmem>>
          tpu.wait_dma2 semaphore(%run_scoped3A_211 : memref<!tpu.dma_semaphore, #tpu.memory_space<semaphore_mem>>) src(%dma_wait3A_235 : memref<1000x8xf32, #tpu.memory_space<vmem>>) dst(%dma_wait3A_231 : memref<1000x8xf32, #tpu.memory_space<hbm>>)
          tpu.yield
        }) : () -> ()
      } else {
      }
    }
    %scan3A_5 = arith.constant 4 : i32
    return
  }
}

#map = affine_map<(d0, d1) -> (0, 0)>
module attributes {stable_mosaic.version = 14 : i64} {
  func.func @k(%arg0: i32, %arg1: i32, %arg2: memref<50000x64xf32, #tpu.memory_space<hbm>>, %arg3: memref<8x100000xi32, #tpu.memory_space<hbm>>, %arg4: memref<100000x512xf32, #tpu.memory_space<hbm>>, %arg5: memref<8x200xi32, #tpu.memory_space<vmem>>, %arg6: memref<8x200x64xf32, #tpu.memory_space<vmem>>, %arg7: memref<!tpu.dma_semaphore, #tpu.memory_space<semaphore_mem>>) attributes {dimension_semantics = [#tpu.dimension_semantics<core_parallel>, #tpu.dimension_semantics<subcore_parallel>], iteration_bounds = array<i64: 2, 16>, scalar_prefetch = 0 : i64, scratch_operands = 3 : i64, tpu.core_type = #tpu.core_type<sc_vector_subcore>, window_params = [{transform_indices = #map}, {transform_indices = #map}, {transform_indices = #map}]} {
    %mul3A = arith.constant 2 : i32
    %mul3A_0 = arith.muli %arg1, %mul3A : i32
    %add3A = arith.addi %mul3A_0, %arg0 : i32
    %scan3A = arith.constant 0 : i32
    %scan3A_1 = arith.constant 0 : i32
    %scan3A_2 = arith.constant 16 : i32
    %scan3A_3 = arith.addi %scan3A_1, %scan3A_2 : i32
    %scan3A_4 = arith.constant 1 : i32
    scf.for %scan3A_6 = %scan3A_1 to %scan3A_3 step %scan3A_4  : i32 {
      %mul3A_7 = arith.constant 32 : i32
      %mul3A_8 = arith.muli %scan3A_6, %mul3A_7 : i32
      %add3A_9 = arith.addi %mul3A_8, %add3A : i32
      %lt3A = arith.constant 500 : i32
      %lt3A_10 = arith.cmpi slt, %add3A_9, %lt3A : i32
      %convert_element_type3A = arith.extui %lt3A_10 : i1 to i32
      %cond3A = arith.constant 0 : i32
      %cond3A_11 = arith.cmpi ne, %convert_element_type3A, %cond3A : i32
      scf.if %cond3A_11 {
        %mul3A_12 = arith.constant 200 : i32
        %mul3A_13 = arith.muli %add3A_9, %mul3A_12 : i32
        "tpu.region"() ({
          %run_scoped3A_211 = tpu.sem_alloc : memref<!tpu.dma_semaphore, #tpu.memory_space<semaphore_mem>>
          %dma_start3A_212 = arith.constant 0 : i32
          %dma_start3A_213 = tpu.memref_slice %arg3[%dma_start3A_212, %mul3A_13] : memref<8x100000xi32, #tpu.memory_space<hbm>> -> memref<8x200xi32, #tpu.memory_space<hbm>>
          %dma_start3A_214 = arith.constant 0 : i32
          %dma_start3A_215 = tpu.memref_slice %arg3[%dma_start3A_214, %mul3A_13] : memref<8x100000xi32, #tpu.memory_space<hbm>> -> memref<8x200xi32, #tpu.memory_space<hbm>>
          tpu.enqueue_dma source(%dma_start3A_215 : memref<8x200xi32, #tpu.memory_space<hbm>>) target(%arg5 : memref<8x200xi32, #tpu.memory_space<vmem>>) target_semaphore(%run_scoped3A_211 : memref<!tpu.dma_semaphore, #tpu.memory_space<semaphore_mem>>)
          %dma_wait3A_216 = arith.constant 0 : i32
          %dma_wait3A_217 = tpu.memref_slice %arg3[%dma_wait3A_216, %mul3A_13] : memref<8x100000xi32, #tpu.memory_space<hbm>> -> memref<8x200xi32, #tpu.memory_space<hbm>>
          %dma_wait3A_218 = arith.constant 0 : i32
          %dma_wait3A_219 = tpu.memref_slice %arg3[%dma_wait3A_218, %mul3A_13] : memref<8x100000xi32, #tpu.memory_space<hbm>> -> memref<8x200xi32, #tpu.memory_space<hbm>>
          tpu.wait_dma2 semaphore(%run_scoped3A_211 : memref<!tpu.dma_semaphore, #tpu.memory_space<semaphore_mem>>) src(%dma_wait3A_219 : memref<8x200xi32, #tpu.memory_space<hbm>>) dst(%arg5 : memref<8x200xi32, #tpu.memory_space<vmem>>)
          tpu.yield
        }) : () -> ()
        %dma_start3A = arith.constant 0 : i32
        %dma_start3A_14 = arith.constant 0 : i32
        %dma_start3A_15 = arith.constant 0 : i32
        %dma_start3A_16 = arith.constant 0 : i32
        %dma_start3A_17 = tpu.memref_slice %arg6[%dma_start3A_14, %dma_start3A_15, %dma_start3A_16] : memref<8x200x64xf32, #tpu.memory_space<vmem>> -> memref<1x200x64xf32, #tpu.memory_space<vmem>>
        %dma_start3A_18 = tpu.memref_squeeze %dma_start3A_17 : memref<1x200x64xf32, #tpu.memory_space<vmem>> -> memref<200x64xf32, #tpu.memory_space<vmem>>
        %dma_start3A_19 = arith.constant 0 : i32
        %dma_start3A_20 = tpu.memref_slice %arg5[%dma_start3A, %dma_start3A_19] : memref<8x200xi32, #tpu.memory_space<vmem>> -> memref<1x200xi32, #tpu.memory_space<vmem>>
        %dma_start3A_21 = tpu.memref_squeeze %dma_start3A_20 : memref<1x200xi32, #tpu.memory_space<vmem>> -> memref<200xi32, #tpu.memory_space<vmem>>
        %dma_start3A_22 = arith.constant 0 : i32
        %dma_start3A_23 = arith.constant 0 : i32
        %dma_start3A_24 = tpu.memref_slice %arg2[%dma_start3A_22, %dma_start3A_23] : memref<50000x64xf32, #tpu.memory_space<hbm>> -> memref<50000x64xf32, #tpu.memory_space<hbm>>
        tpu.enqueue_indirect_dma source(%dma_start3A_24 : memref<50000x64xf32, #tpu.memory_space<hbm>>) target(%dma_start3A_18 : memref<200x64xf32, #tpu.memory_space<vmem>>) offsets(%dma_start3A_21 : memref<200xi32, #tpu.memory_space<vmem>>) semaphore(%arg7 : memref<!tpu.dma_semaphore, #tpu.memory_space<semaphore_mem>>)
        %dma_start3A_25 = arith.constant 1 : i32
        %dma_start3A_26 = arith.constant 1 : i32
        %dma_start3A_27 = arith.constant 0 : i32
        %dma_start3A_28 = arith.constant 0 : i32
        %dma_start3A_29 = tpu.memref_slice %arg6[%dma_start3A_26, %dma_start3A_27, %dma_start3A_28] : memref<8x200x64xf32, #tpu.memory_space<vmem>> -> memref<1x200x64xf32, #tpu.memory_space<vmem>>
        %dma_start3A_30 = tpu.memref_squeeze %dma_start3A_29 : memref<1x200x64xf32, #tpu.memory_space<vmem>> -> memref<200x64xf32, #tpu.memory_space<vmem>>
        %dma_start3A_31 = arith.constant 0 : i32
        %dma_start3A_32 = tpu.memref_slice %arg5[%dma_start3A_25, %dma_start3A_31] : memref<8x200xi32, #tpu.memory_space<vmem>> -> memref<1x200xi32, #tpu.memory_space<vmem>>
        %dma_start3A_33 = tpu.memref_squeeze %dma_start3A_32 : memref<1x200xi32, #tpu.memory_space<vmem>> -> memref<200xi32, #tpu.memory_space<vmem>>
        %dma_start3A_34 = arith.constant 0 : i32
        %dma_start3A_35 = arith.constant 0 : i32
        %dma_start3A_36 = tpu.memref_slice %arg2[%dma_start3A_34, %dma_start3A_35] : memref<50000x64xf32, #tpu.memory_space<hbm>> -> memref<50000x64xf32, #tpu.memory_space<hbm>>
        tpu.enqueue_indirect_dma source(%dma_start3A_36 : memref<50000x64xf32, #tpu.memory_space<hbm>>) target(%dma_start3A_30 : memref<200x64xf32, #tpu.memory_space<vmem>>) offsets(%dma_start3A_33 : memref<200xi32, #tpu.memory_space<vmem>>) semaphore(%arg7 : memref<!tpu.dma_semaphore, #tpu.memory_space<semaphore_mem>>)
        %dma_start3A_37 = arith.constant 2 : i32
        %dma_start3A_38 = arith.constant 2 : i32
        %dma_start3A_39 = arith.constant 0 : i32
        %dma_start3A_40 = arith.constant 0 : i32
        %dma_start3A_41 = tpu.memref_slice %arg6[%dma_start3A_38, %dma_start3A_39, %dma_start3A_40] : memref<8x200x64xf32, #tpu.memory_space<vmem>> -> memref<1x200x64xf32, #tpu.memory_space<vmem>>
        %dma_start3A_42 = tpu.memref_squeeze %dma_start3A_41 : memref<1x200x64xf32, #tpu.memory_space<vmem>> -> memref<200x64xf32, #tpu.memory_space<vmem>>
        %dma_start3A_43 = arith.constant 0 : i32
        %dma_start3A_44 = tpu.memref_slice %arg5[%dma_start3A_37, %dma_start3A_43] : memref<8x200xi32, #tpu.memory_space<vmem>> -> memref<1x200xi32, #tpu.memory_space<vmem>>
        %dma_start3A_45 = tpu.memref_squeeze %dma_start3A_44 : memref<1x200xi32, #tpu.memory_space<vmem>> -> memref<200xi32, #tpu.memory_space<vmem>>
        %dma_start3A_46 = arith.constant 0 : i32
        %dma_start3A_47 = arith.constant 0 : i32
        %dma_start3A_48 = tpu.memref_slice %arg2[%dma_start3A_46, %dma_start3A_47] : memref<50000x64xf32, #tpu.memory_space<hbm>> -> memref<50000x64xf32, #tpu.memory_space<hbm>>
        tpu.enqueue_indirect_dma source(%dma_start3A_48 : memref<50000x64xf32, #tpu.memory_space<hbm>>) target(%dma_start3A_42 : memref<200x64xf32, #tpu.memory_space<vmem>>) offsets(%dma_start3A_45 : memref<200xi32, #tpu.memory_space<vmem>>) semaphore(%arg7 : memref<!tpu.dma_semaphore, #tpu.memory_space<semaphore_mem>>)
        %dma_start3A_49 = arith.constant 3 : i32
        %dma_start3A_50 = arith.constant 3 : i32
        %dma_start3A_51 = arith.constant 0 : i32
        %dma_start3A_52 = arith.constant 0 : i32
        %dma_start3A_53 = tpu.memref_slice %arg6[%dma_start3A_50, %dma_start3A_51, %dma_start3A_52] : memref<8x200x64xf32, #tpu.memory_space<vmem>> -> memref<1x200x64xf32, #tpu.memory_space<vmem>>
        %dma_start3A_54 = tpu.memref_squeeze %dma_start3A_53 : memref<1x200x64xf32, #tpu.memory_space<vmem>> -> memref<200x64xf32, #tpu.memory_space<vmem>>
        %dma_start3A_55 = arith.constant 0 : i32
        %dma_start3A_56 = tpu.memref_slice %arg5[%dma_start3A_49, %dma_start3A_55] : memref<8x200xi32, #tpu.memory_space<vmem>> -> memref<1x200xi32, #tpu.memory_space<vmem>>
        %dma_start3A_57 = tpu.memref_squeeze %dma_start3A_56 : memref<1x200xi32, #tpu.memory_space<vmem>> -> memref<200xi32, #tpu.memory_space<vmem>>
        %dma_start3A_58 = arith.constant 0 : i32
        %dma_start3A_59 = arith.constant 0 : i32
        %dma_start3A_60 = tpu.memref_slice %arg2[%dma_start3A_58, %dma_start3A_59] : memref<50000x64xf32, #tpu.memory_space<hbm>> -> memref<50000x64xf32, #tpu.memory_space<hbm>>
        tpu.enqueue_indirect_dma source(%dma_start3A_60 : memref<50000x64xf32, #tpu.memory_space<hbm>>) target(%dma_start3A_54 : memref<200x64xf32, #tpu.memory_space<vmem>>) offsets(%dma_start3A_57 : memref<200xi32, #tpu.memory_space<vmem>>) semaphore(%arg7 : memref<!tpu.dma_semaphore, #tpu.memory_space<semaphore_mem>>)
        %dma_start3A_61 = arith.constant 4 : i32
        %dma_start3A_62 = arith.constant 4 : i32
        %dma_start3A_63 = arith.constant 0 : i32
        %dma_start3A_64 = arith.constant 0 : i32
        %dma_start3A_65 = tpu.memref_slice %arg6[%dma_start3A_62, %dma_start3A_63, %dma_start3A_64] : memref<8x200x64xf32, #tpu.memory_space<vmem>> -> memref<1x200x64xf32, #tpu.memory_space<vmem>>
        %dma_start3A_66 = tpu.memref_squeeze %dma_start3A_65 : memref<1x200x64xf32, #tpu.memory_space<vmem>> -> memref<200x64xf32, #tpu.memory_space<vmem>>
        %dma_start3A_67 = arith.constant 0 : i32
        %dma_start3A_68 = tpu.memref_slice %arg5[%dma_start3A_61, %dma_start3A_67] : memref<8x200xi32, #tpu.memory_space<vmem>> -> memref<1x200xi32, #tpu.memory_space<vmem>>
        %dma_start3A_69 = tpu.memref_squeeze %dma_start3A_68 : memref<1x200xi32, #tpu.memory_space<vmem>> -> memref<200xi32, #tpu.memory_space<vmem>>
        %dma_start3A_70 = arith.constant 0 : i32
        %dma_start3A_71 = arith.constant 0 : i32
        %dma_start3A_72 = tpu.memref_slice %arg2[%dma_start3A_70, %dma_start3A_71] : memref<50000x64xf32, #tpu.memory_space<hbm>> -> memref<50000x64xf32, #tpu.memory_space<hbm>>
        tpu.enqueue_indirect_dma source(%dma_start3A_72 : memref<50000x64xf32, #tpu.memory_space<hbm>>) target(%dma_start3A_66 : memref<200x64xf32, #tpu.memory_space<vmem>>) offsets(%dma_start3A_69 : memref<200xi32, #tpu.memory_space<vmem>>) semaphore(%arg7 : memref<!tpu.dma_semaphore, #tpu.memory_space<semaphore_mem>>)
        %dma_start3A_73 = arith.constant 5 : i32
        %dma_start3A_74 = arith.constant 5 : i32
        %dma_start3A_75 = arith.constant 0 : i32
        %dma_start3A_76 = arith.constant 0 : i32
        %dma_start3A_77 = tpu.memref_slice %arg6[%dma_start3A_74, %dma_start3A_75, %dma_start3A_76] : memref<8x200x64xf32, #tpu.memory_space<vmem>> -> memref<1x200x64xf32, #tpu.memory_space<vmem>>
        %dma_start3A_78 = tpu.memref_squeeze %dma_start3A_77 : memref<1x200x64xf32, #tpu.memory_space<vmem>> -> memref<200x64xf32, #tpu.memory_space<vmem>>
        %dma_start3A_79 = arith.constant 0 : i32
        %dma_start3A_80 = tpu.memref_slice %arg5[%dma_start3A_73, %dma_start3A_79] : memref<8x200xi32, #tpu.memory_space<vmem>> -> memref<1x200xi32, #tpu.memory_space<vmem>>
        %dma_start3A_81 = tpu.memref_squeeze %dma_start3A_80 : memref<1x200xi32, #tpu.memory_space<vmem>> -> memref<200xi32, #tpu.memory_space<vmem>>
        %dma_start3A_82 = arith.constant 0 : i32
        %dma_start3A_83 = arith.constant 0 : i32
        %dma_start3A_84 = tpu.memref_slice %arg2[%dma_start3A_82, %dma_start3A_83] : memref<50000x64xf32, #tpu.memory_space<hbm>> -> memref<50000x64xf32, #tpu.memory_space<hbm>>
        tpu.enqueue_indirect_dma source(%dma_start3A_84 : memref<50000x64xf32, #tpu.memory_space<hbm>>) target(%dma_start3A_78 : memref<200x64xf32, #tpu.memory_space<vmem>>) offsets(%dma_start3A_81 : memref<200xi32, #tpu.memory_space<vmem>>) semaphore(%arg7 : memref<!tpu.dma_semaphore, #tpu.memory_space<semaphore_mem>>)
        %dma_start3A_85 = arith.constant 6 : i32
        %dma_start3A_86 = arith.constant 6 : i32
        %dma_start3A_87 = arith.constant 0 : i32
        %dma_start3A_88 = arith.constant 0 : i32
        %dma_start3A_89 = tpu.memref_slice %arg6[%dma_start3A_86, %dma_start3A_87, %dma_start3A_88] : memref<8x200x64xf32, #tpu.memory_space<vmem>> -> memref<1x200x64xf32, #tpu.memory_space<vmem>>
        %dma_start3A_90 = tpu.memref_squeeze %dma_start3A_89 : memref<1x200x64xf32, #tpu.memory_space<vmem>> -> memref<200x64xf32, #tpu.memory_space<vmem>>
        %dma_start3A_91 = arith.constant 0 : i32
        %dma_start3A_92 = tpu.memref_slice %arg5[%dma_start3A_85, %dma_start3A_91] : memref<8x200xi32, #tpu.memory_space<vmem>> -> memref<1x200xi32, #tpu.memory_space<vmem>>
        %dma_start3A_93 = tpu.memref_squeeze %dma_start3A_92 : memref<1x200xi32, #tpu.memory_space<vmem>> -> memref<200xi32, #tpu.memory_space<vmem>>
        %dma_start3A_94 = arith.constant 0 : i32
        %dma_start3A_95 = arith.constant 0 : i32
        %dma_start3A_96 = tpu.memref_slice %arg2[%dma_start3A_94, %dma_start3A_95] : memref<50000x64xf32, #tpu.memory_space<hbm>> -> memref<50000x64xf32, #tpu.memory_space<hbm>>
        tpu.enqueue_indirect_dma source(%dma_start3A_96 : memref<50000x64xf32, #tpu.memory_space<hbm>>) target(%dma_start3A_90 : memref<200x64xf32, #tpu.memory_space<vmem>>) offsets(%dma_start3A_93 : memref<200xi32, #tpu.memory_space<vmem>>) semaphore(%arg7 : memref<!tpu.dma_semaphore, #tpu.memory_space<semaphore_mem>>)
        %dma_start3A_97 = arith.constant 7 : i32
        %dma_start3A_98 = arith.constant 7 : i32
        %dma_start3A_99 = arith.constant 0 : i32
        %dma_start3A_100 = arith.constant 0 : i32
        %dma_start3A_101 = tpu.memref_slice %arg6[%dma_start3A_98, %dma_start3A_99, %dma_start3A_100] : memref<8x200x64xf32, #tpu.memory_space<vmem>> -> memref<1x200x64xf32, #tpu.memory_space<vmem>>
        %dma_start3A_102 = tpu.memref_squeeze %dma_start3A_101 : memref<1x200x64xf32, #tpu.memory_space<vmem>> -> memref<200x64xf32, #tpu.memory_space<vmem>>
        %dma_start3A_103 = arith.constant 0 : i32
        %dma_start3A_104 = tpu.memref_slice %arg5[%dma_start3A_97, %dma_start3A_103] : memref<8x200xi32, #tpu.memory_space<vmem>> -> memref<1x200xi32, #tpu.memory_space<vmem>>
        %dma_start3A_105 = tpu.memref_squeeze %dma_start3A_104 : memref<1x200xi32, #tpu.memory_space<vmem>> -> memref<200xi32, #tpu.memory_space<vmem>>
        %dma_start3A_106 = arith.constant 0 : i32
        %dma_start3A_107 = arith.constant 0 : i32
        %dma_start3A_108 = tpu.memref_slice %arg2[%dma_start3A_106, %dma_start3A_107] : memref<50000x64xf32, #tpu.memory_space<hbm>> -> memref<50000x64xf32, #tpu.memory_space<hbm>>
        tpu.enqueue_indirect_dma source(%dma_start3A_108 : memref<50000x64xf32, #tpu.memory_space<hbm>>) target(%dma_start3A_102 : memref<200x64xf32, #tpu.memory_space<vmem>>) offsets(%dma_start3A_105 : memref<200xi32, #tpu.memory_space<vmem>>) semaphore(%arg7 : memref<!tpu.dma_semaphore, #tpu.memory_space<semaphore_mem>>)
        %dma_wait3A = arith.constant 0 : i32
        %dma_wait3A_109 = arith.constant 0 : i32
        %dma_wait3A_110 = arith.constant 0 : i32
        %dma_wait3A_111 = arith.constant 0 : i32
        %dma_wait3A_112 = tpu.memref_slice %arg6[%dma_wait3A_109, %dma_wait3A_110, %dma_wait3A_111] : memref<8x200x64xf32, #tpu.memory_space<vmem>> -> memref<1x200x64xf32, #tpu.memory_space<vmem>>
        %dma_wait3A_113 = tpu.memref_squeeze %dma_wait3A_112 : memref<1x200x64xf32, #tpu.memory_space<vmem>> -> memref<200x64xf32, #tpu.memory_space<vmem>>
        %dma_wait3A_114 = arith.constant 0 : i32
        %dma_wait3A_115 = tpu.memref_slice %arg5[%dma_wait3A, %dma_wait3A_114] : memref<8x200xi32, #tpu.memory_space<vmem>> -> memref<1x200xi32, #tpu.memory_space<vmem>>
        %dma_wait3A_116 = tpu.memref_squeeze %dma_wait3A_115 : memref<1x200xi32, #tpu.memory_space<vmem>> -> memref<200xi32, #tpu.memory_space<vmem>>
        %dma_wait3A_117 = arith.constant 0 : i32
        %dma_wait3A_118 = arith.constant 0 : i32
        %dma_wait3A_119 = tpu.memref_slice %arg2[%dma_wait3A_117, %dma_wait3A_118] : memref<50000x64xf32, #tpu.memory_space<hbm>> -> memref<50000x64xf32, #tpu.memory_space<hbm>>
        tpu.wait_indirect_dma semaphore(%arg7 : memref<!tpu.dma_semaphore, #tpu.memory_space<semaphore_mem>>) src(%dma_wait3A_119 : memref<50000x64xf32, #tpu.memory_space<hbm>>) dst(%dma_wait3A_113 : memref<200x64xf32, #tpu.memory_space<vmem>>)
        %dma_wait3A_120 = arith.constant 1 : i32
        %dma_wait3A_121 = arith.constant 1 : i32
        %dma_wait3A_122 = arith.constant 0 : i32
        %dma_wait3A_123 = arith.constant 0 : i32
        %dma_wait3A_124 = tpu.memref_slice %arg6[%dma_wait3A_121, %dma_wait3A_122, %dma_wait3A_123] : memref<8x200x64xf32, #tpu.memory_space<vmem>> -> memref<1x200x64xf32, #tpu.memory_space<vmem>>
        %dma_wait3A_125 = tpu.memref_squeeze %dma_wait3A_124 : memref<1x200x64xf32, #tpu.memory_space<vmem>> -> memref<200x64xf32, #tpu.memory_space<vmem>>
        %dma_wait3A_126 = arith.constant 0 : i32
        %dma_wait3A_127 = tpu.memref_slice %arg5[%dma_wait3A_120, %dma_wait3A_126] : memref<8x200xi32, #tpu.memory_space<vmem>> -> memref<1x200xi32, #tpu.memory_space<vmem>>
        %dma_wait3A_128 = tpu.memref_squeeze %dma_wait3A_127 : memref<1x200xi32, #tpu.memory_space<vmem>> -> memref<200xi32, #tpu.memory_space<vmem>>
        %dma_wait3A_129 = arith.constant 0 : i32
        %dma_wait3A_130 = arith.constant 0 : i32
        %dma_wait3A_131 = tpu.memref_slice %arg2[%dma_wait3A_129, %dma_wait3A_130] : memref<50000x64xf32, #tpu.memory_space<hbm>> -> memref<50000x64xf32, #tpu.memory_space<hbm>>
        tpu.wait_indirect_dma semaphore(%arg7 : memref<!tpu.dma_semaphore, #tpu.memory_space<semaphore_mem>>) src(%dma_wait3A_131 : memref<50000x64xf32, #tpu.memory_space<hbm>>) dst(%dma_wait3A_125 : memref<200x64xf32, #tpu.memory_space<vmem>>)
        %dma_wait3A_132 = arith.constant 2 : i32
        %dma_wait3A_133 = arith.constant 2 : i32
        %dma_wait3A_134 = arith.constant 0 : i32
        %dma_wait3A_135 = arith.constant 0 : i32
        %dma_wait3A_136 = tpu.memref_slice %arg6[%dma_wait3A_133, %dma_wait3A_134, %dma_wait3A_135] : memref<8x200x64xf32, #tpu.memory_space<vmem>> -> memref<1x200x64xf32, #tpu.memory_space<vmem>>
        %dma_wait3A_137 = tpu.memref_squeeze %dma_wait3A_136 : memref<1x200x64xf32, #tpu.memory_space<vmem>> -> memref<200x64xf32, #tpu.memory_space<vmem>>
        %dma_wait3A_138 = arith.constant 0 : i32
        %dma_wait3A_139 = tpu.memref_slice %arg5[%dma_wait3A_132, %dma_wait3A_138] : memref<8x200xi32, #tpu.memory_space<vmem>> -> memref<1x200xi32, #tpu.memory_space<vmem>>
        %dma_wait3A_140 = tpu.memref_squeeze %dma_wait3A_139 : memref<1x200xi32, #tpu.memory_space<vmem>> -> memref<200xi32, #tpu.memory_space<vmem>>
        %dma_wait3A_141 = arith.constant 0 : i32
        %dma_wait3A_142 = arith.constant 0 : i32
        %dma_wait3A_143 = tpu.memref_slice %arg2[%dma_wait3A_141, %dma_wait3A_142] : memref<50000x64xf32, #tpu.memory_space<hbm>> -> memref<50000x64xf32, #tpu.memory_space<hbm>>
        tpu.wait_indirect_dma semaphore(%arg7 : memref<!tpu.dma_semaphore, #tpu.memory_space<semaphore_mem>>) src(%dma_wait3A_143 : memref<50000x64xf32, #tpu.memory_space<hbm>>) dst(%dma_wait3A_137 : memref<200x64xf32, #tpu.memory_space<vmem>>)
        %dma_wait3A_144 = arith.constant 3 : i32
        %dma_wait3A_145 = arith.constant 3 : i32
        %dma_wait3A_146 = arith.constant 0 : i32
        %dma_wait3A_147 = arith.constant 0 : i32
        %dma_wait3A_148 = tpu.memref_slice %arg6[%dma_wait3A_145, %dma_wait3A_146, %dma_wait3A_147] : memref<8x200x64xf32, #tpu.memory_space<vmem>> -> memref<1x200x64xf32, #tpu.memory_space<vmem>>
        %dma_wait3A_149 = tpu.memref_squeeze %dma_wait3A_148 : memref<1x200x64xf32, #tpu.memory_space<vmem>> -> memref<200x64xf32, #tpu.memory_space<vmem>>
        %dma_wait3A_150 = arith.constant 0 : i32
        %dma_wait3A_151 = tpu.memref_slice %arg5[%dma_wait3A_144, %dma_wait3A_150] : memref<8x200xi32, #tpu.memory_space<vmem>> -> memref<1x200xi32, #tpu.memory_space<vmem>>
        %dma_wait3A_152 = tpu.memref_squeeze %dma_wait3A_151 : memref<1x200xi32, #tpu.memory_space<vmem>> -> memref<200xi32, #tpu.memory_space<vmem>>
        %dma_wait3A_153 = arith.constant 0 : i32
        %dma_wait3A_154 = arith.constant 0 : i32
        %dma_wait3A_155 = tpu.memref_slice %arg2[%dma_wait3A_153, %dma_wait3A_154] : memref<50000x64xf32, #tpu.memory_space<hbm>> -> memref<50000x64xf32, #tpu.memory_space<hbm>>
        tpu.wait_indirect_dma semaphore(%arg7 : memref<!tpu.dma_semaphore, #tpu.memory_space<semaphore_mem>>) src(%dma_wait3A_155 : memref<50000x64xf32, #tpu.memory_space<hbm>>) dst(%dma_wait3A_149 : memref<200x64xf32, #tpu.memory_space<vmem>>)
        %dma_wait3A_156 = arith.constant 4 : i32
        %dma_wait3A_157 = arith.constant 4 : i32
        %dma_wait3A_158 = arith.constant 0 : i32
        %dma_wait3A_159 = arith.constant 0 : i32
        %dma_wait3A_160 = tpu.memref_slice %arg6[%dma_wait3A_157, %dma_wait3A_158, %dma_wait3A_159] : memref<8x200x64xf32, #tpu.memory_space<vmem>> -> memref<1x200x64xf32, #tpu.memory_space<vmem>>
        %dma_wait3A_161 = tpu.memref_squeeze %dma_wait3A_160 : memref<1x200x64xf32, #tpu.memory_space<vmem>> -> memref<200x64xf32, #tpu.memory_space<vmem>>
        %dma_wait3A_162 = arith.constant 0 : i32
        %dma_wait3A_163 = tpu.memref_slice %arg5[%dma_wait3A_156, %dma_wait3A_162] : memref<8x200xi32, #tpu.memory_space<vmem>> -> memref<1x200xi32, #tpu.memory_space<vmem>>
        %dma_wait3A_164 = tpu.memref_squeeze %dma_wait3A_163 : memref<1x200xi32, #tpu.memory_space<vmem>> -> memref<200xi32, #tpu.memory_space<vmem>>
        %dma_wait3A_165 = arith.constant 0 : i32
        %dma_wait3A_166 = arith.constant 0 : i32
        %dma_wait3A_167 = tpu.memref_slice %arg2[%dma_wait3A_165, %dma_wait3A_166] : memref<50000x64xf32, #tpu.memory_space<hbm>> -> memref<50000x64xf32, #tpu.memory_space<hbm>>
        tpu.wait_indirect_dma semaphore(%arg7 : memref<!tpu.dma_semaphore, #tpu.memory_space<semaphore_mem>>) src(%dma_wait3A_167 : memref<50000x64xf32, #tpu.memory_space<hbm>>) dst(%dma_wait3A_161 : memref<200x64xf32, #tpu.memory_space<vmem>>)
        %dma_wait3A_168 = arith.constant 5 : i32
        %dma_wait3A_169 = arith.constant 5 : i32
        %dma_wait3A_170 = arith.constant 0 : i32
        %dma_wait3A_171 = arith.constant 0 : i32
        %dma_wait3A_172 = tpu.memref_slice %arg6[%dma_wait3A_169, %dma_wait3A_170, %dma_wait3A_171] : memref<8x200x64xf32, #tpu.memory_space<vmem>> -> memref<1x200x64xf32, #tpu.memory_space<vmem>>
        %dma_wait3A_173 = tpu.memref_squeeze %dma_wait3A_172 : memref<1x200x64xf32, #tpu.memory_space<vmem>> -> memref<200x64xf32, #tpu.memory_space<vmem>>
        %dma_wait3A_174 = arith.constant 0 : i32
        %dma_wait3A_175 = tpu.memref_slice %arg5[%dma_wait3A_168, %dma_wait3A_174] : memref<8x200xi32, #tpu.memory_space<vmem>> -> memref<1x200xi32, #tpu.memory_space<vmem>>
        %dma_wait3A_176 = tpu.memref_squeeze %dma_wait3A_175 : memref<1x200xi32, #tpu.memory_space<vmem>> -> memref<200xi32, #tpu.memory_space<vmem>>
        %dma_wait3A_177 = arith.constant 0 : i32
        %dma_wait3A_178 = arith.constant 0 : i32
        %dma_wait3A_179 = tpu.memref_slice %arg2[%dma_wait3A_177, %dma_wait3A_178] : memref<50000x64xf32, #tpu.memory_space<hbm>> -> memref<50000x64xf32, #tpu.memory_space<hbm>>
        tpu.wait_indirect_dma semaphore(%arg7 : memref<!tpu.dma_semaphore, #tpu.memory_space<semaphore_mem>>) src(%dma_wait3A_179 : memref<50000x64xf32, #tpu.memory_space<hbm>>) dst(%dma_wait3A_173 : memref<200x64xf32, #tpu.memory_space<vmem>>)
        %dma_wait3A_180 = arith.constant 6 : i32
        %dma_wait3A_181 = arith.constant 6 : i32
        %dma_wait3A_182 = arith.constant 0 : i32
        %dma_wait3A_183 = arith.constant 0 : i32
        %dma_wait3A_184 = tpu.memref_slice %arg6[%dma_wait3A_181, %dma_wait3A_182, %dma_wait3A_183] : memref<8x200x64xf32, #tpu.memory_space<vmem>> -> memref<1x200x64xf32, #tpu.memory_space<vmem>>
        %dma_wait3A_185 = tpu.memref_squeeze %dma_wait3A_184 : memref<1x200x64xf32, #tpu.memory_space<vmem>> -> memref<200x64xf32, #tpu.memory_space<vmem>>
        %dma_wait3A_186 = arith.constant 0 : i32
        %dma_wait3A_187 = tpu.memref_slice %arg5[%dma_wait3A_180, %dma_wait3A_186] : memref<8x200xi32, #tpu.memory_space<vmem>> -> memref<1x200xi32, #tpu.memory_space<vmem>>
        %dma_wait3A_188 = tpu.memref_squeeze %dma_wait3A_187 : memref<1x200xi32, #tpu.memory_space<vmem>> -> memref<200xi32, #tpu.memory_space<vmem>>
        %dma_wait3A_189 = arith.constant 0 : i32
        %dma_wait3A_190 = arith.constant 0 : i32
        %dma_wait3A_191 = tpu.memref_slice %arg2[%dma_wait3A_189, %dma_wait3A_190] : memref<50000x64xf32, #tpu.memory_space<hbm>> -> memref<50000x64xf32, #tpu.memory_space<hbm>>
        tpu.wait_indirect_dma semaphore(%arg7 : memref<!tpu.dma_semaphore, #tpu.memory_space<semaphore_mem>>) src(%dma_wait3A_191 : memref<50000x64xf32, #tpu.memory_space<hbm>>) dst(%dma_wait3A_185 : memref<200x64xf32, #tpu.memory_space<vmem>>)
        %dma_wait3A_192 = arith.constant 7 : i32
        %dma_wait3A_193 = arith.constant 7 : i32
        %dma_wait3A_194 = arith.constant 0 : i32
        %dma_wait3A_195 = arith.constant 0 : i32
        %dma_wait3A_196 = tpu.memref_slice %arg6[%dma_wait3A_193, %dma_wait3A_194, %dma_wait3A_195] : memref<8x200x64xf32, #tpu.memory_space<vmem>> -> memref<1x200x64xf32, #tpu.memory_space<vmem>>
        %dma_wait3A_197 = tpu.memref_squeeze %dma_wait3A_196 : memref<1x200x64xf32, #tpu.memory_space<vmem>> -> memref<200x64xf32, #tpu.memory_space<vmem>>
        %dma_wait3A_198 = arith.constant 0 : i32
        %dma_wait3A_199 = tpu.memref_slice %arg5[%dma_wait3A_192, %dma_wait3A_198] : memref<8x200xi32, #tpu.memory_space<vmem>> -> memref<1x200xi32, #tpu.memory_space<vmem>>
        %dma_wait3A_200 = tpu.memref_squeeze %dma_wait3A_199 : memref<1x200xi32, #tpu.memory_space<vmem>> -> memref<200xi32, #tpu.memory_space<vmem>>
        %dma_wait3A_201 = arith.constant 0 : i32
        %dma_wait3A_202 = arith.constant 0 : i32
        %dma_wait3A_203 = tpu.memref_slice %arg2[%dma_wait3A_201, %dma_wait3A_202] : memref<50000x64xf32, #tpu.memory_space<hbm>> -> memref<50000x64xf32, #tpu.memory_space<hbm>>
        tpu.wait_indirect_dma semaphore(%arg7 : memref<!tpu.dma_semaphore, #tpu.memory_space<semaphore_mem>>) src(%dma_wait3A_203 : memref<50000x64xf32, #tpu.memory_space<hbm>>) dst(%dma_wait3A_197 : memref<200x64xf32, #tpu.memory_space<vmem>>)
        %run_scoped3A = arith.constant 0 : i32
        "tpu.region"() ({
          %run_scoped3A_211 = tpu.sem_alloc : memref<!tpu.dma_semaphore, #tpu.memory_space<semaphore_mem>>
          %dma_start3A_212 = arith.constant 0 : i32
          %dma_start3A_213 = arith.constant 0 : i32
          %dma_start3A_214 = tpu.memref_slice %arg6[%run_scoped3A, %dma_start3A_212, %dma_start3A_213] : memref<8x200x64xf32, #tpu.memory_space<vmem>> -> memref<1x200x64xf32, #tpu.memory_space<vmem>>
          %dma_start3A_215 = tpu.memref_squeeze %dma_start3A_214 : memref<1x200x64xf32, #tpu.memory_space<vmem>> -> memref<200x64xf32, #tpu.memory_space<vmem>>
          %dma_start3A_216 = arith.constant 0 : i32
          %dma_start3A_217 = tpu.memref_slice %arg4[%mul3A_13, %dma_start3A_216] : memref<100000x512xf32, #tpu.memory_space<hbm>> -> memref<200x64xf32, #tpu.memory_space<hbm>>
          %dma_start3A_218 = arith.constant 0 : i32
          %dma_start3A_219 = tpu.memref_slice %arg4[%mul3A_13, %dma_start3A_218] : memref<100000x512xf32, #tpu.memory_space<hbm>> -> memref<200x64xf32, #tpu.memory_space<hbm>>
          %dma_start3A_220 = arith.constant 0 : i32
          %dma_start3A_221 = arith.constant 0 : i32
          %dma_start3A_222 = tpu.memref_slice %arg6[%run_scoped3A, %dma_start3A_220, %dma_start3A_221] : memref<8x200x64xf32, #tpu.memory_space<vmem>> -> memref<1x200x64xf32, #tpu.memory_space<vmem>>
          %dma_start3A_223 = tpu.memref_squeeze %dma_start3A_222 : memref<1x200x64xf32, #tpu.memory_space<vmem>> -> memref<200x64xf32, #tpu.memory_space<vmem>>
          tpu.enqueue_dma source(%dma_start3A_223 : memref<200x64xf32, #tpu.memory_space<vmem>>) target(%dma_start3A_219 : memref<200x64xf32, #tpu.memory_space<hbm>>) target_semaphore(%run_scoped3A_211 : memref<!tpu.dma_semaphore, #tpu.memory_space<semaphore_mem>>)
          %dma_wait3A_224 = arith.constant 0 : i32
          %dma_wait3A_225 = arith.constant 0 : i32
          %dma_wait3A_226 = tpu.memref_slice %arg6[%run_scoped3A, %dma_wait3A_224, %dma_wait3A_225] : memref<8x200x64xf32, #tpu.memory_space<vmem>> -> memref<1x200x64xf32, #tpu.memory_space<vmem>>
          %dma_wait3A_227 = tpu.memref_squeeze %dma_wait3A_226 : memref<1x200x64xf32, #tpu.memory_space<vmem>> -> memref<200x64xf32, #tpu.memory_space<vmem>>
          %dma_wait3A_228 = arith.constant 0 : i32
          %dma_wait3A_229 = tpu.memref_slice %arg4[%mul3A_13, %dma_wait3A_228] : memref<100000x512xf32, #tpu.memory_space<hbm>> -> memref<200x64xf32, #tpu.memory_space<hbm>>
          %dma_wait3A_230 = arith.constant 0 : i32
          %dma_wait3A_231 = tpu.memref_slice %arg4[%mul3A_13, %dma_wait3A_230] : memref<100000x512xf32, #tpu.memory_space<hbm>> -> memref<200x64xf32, #tpu.memory_space<hbm>>
          %dma_wait3A_232 = arith.constant 0 : i32
          %dma_wait3A_233 = arith.constant 0 : i32
          %dma_wait3A_234 = tpu.memref_slice %arg6[%run_scoped3A, %dma_wait3A_232, %dma_wait3A_233] : memref<8x200x64xf32, #tpu.memory_space<vmem>> -> memref<1x200x64xf32, #tpu.memory_space<vmem>>
          %dma_wait3A_235 = tpu.memref_squeeze %dma_wait3A_234 : memref<1x200x64xf32, #tpu.memory_space<vmem>> -> memref<200x64xf32, #tpu.memory_space<vmem>>
          tpu.wait_dma2 semaphore(%run_scoped3A_211 : memref<!tpu.dma_semaphore, #tpu.memory_space<semaphore_mem>>) src(%dma_wait3A_235 : memref<200x64xf32, #tpu.memory_space<vmem>>) dst(%dma_wait3A_231 : memref<200x64xf32, #tpu.memory_space<hbm>>)
          tpu.yield
        }) : () -> ()
        %run_scoped3A_204 = arith.constant 1 : i32
        "tpu.region"() ({
          %run_scoped3A_211 = tpu.sem_alloc : memref<!tpu.dma_semaphore, #tpu.memory_space<semaphore_mem>>
          %dma_start3A_212 = arith.constant 0 : i32
          %dma_start3A_213 = arith.constant 0 : i32
          %dma_start3A_214 = tpu.memref_slice %arg6[%run_scoped3A_204, %dma_start3A_212, %dma_start3A_213] : memref<8x200x64xf32, #tpu.memory_space<vmem>> -> memref<1x200x64xf32, #tpu.memory_space<vmem>>
          %dma_start3A_215 = tpu.memref_squeeze %dma_start3A_214 : memref<1x200x64xf32, #tpu.memory_space<vmem>> -> memref<200x64xf32, #tpu.memory_space<vmem>>
          %dma_start3A_216 = arith.constant 64 : i32
          %dma_start3A_217 = tpu.memref_slice %arg4[%mul3A_13, %dma_start3A_216] : memref<100000x512xf32, #tpu.memory_space<hbm>> -> memref<200x64xf32, #tpu.memory_space<hbm>>
          %dma_start3A_218 = arith.constant 64 : i32
          %dma_start3A_219 = tpu.memref_slice %arg4[%mul3A_13, %dma_start3A_218] : memref<100000x512xf32, #tpu.memory_space<hbm>> -> memref<200x64xf32, #tpu.memory_space<hbm>>
          %dma_start3A_220 = arith.constant 0 : i32
          %dma_start3A_221 = arith.constant 0 : i32
          %dma_start3A_222 = tpu.memref_slice %arg6[%run_scoped3A_204, %dma_start3A_220, %dma_start3A_221] : memref<8x200x64xf32, #tpu.memory_space<vmem>> -> memref<1x200x64xf32, #tpu.memory_space<vmem>>
          %dma_start3A_223 = tpu.memref_squeeze %dma_start3A_222 : memref<1x200x64xf32, #tpu.memory_space<vmem>> -> memref<200x64xf32, #tpu.memory_space<vmem>>
          tpu.enqueue_dma source(%dma_start3A_223 : memref<200x64xf32, #tpu.memory_space<vmem>>) target(%dma_start3A_219 : memref<200x64xf32, #tpu.memory_space<hbm>>) target_semaphore(%run_scoped3A_211 : memref<!tpu.dma_semaphore, #tpu.memory_space<semaphore_mem>>)
          %dma_wait3A_224 = arith.constant 0 : i32
          %dma_wait3A_225 = arith.constant 0 : i32
          %dma_wait3A_226 = tpu.memref_slice %arg6[%run_scoped3A_204, %dma_wait3A_224, %dma_wait3A_225] : memref<8x200x64xf32, #tpu.memory_space<vmem>> -> memref<1x200x64xf32, #tpu.memory_space<vmem>>
          %dma_wait3A_227 = tpu.memref_squeeze %dma_wait3A_226 : memref<1x200x64xf32, #tpu.memory_space<vmem>> -> memref<200x64xf32, #tpu.memory_space<vmem>>
          %dma_wait3A_228 = arith.constant 64 : i32
          %dma_wait3A_229 = tpu.memref_slice %arg4[%mul3A_13, %dma_wait3A_228] : memref<100000x512xf32, #tpu.memory_space<hbm>> -> memref<200x64xf32, #tpu.memory_space<hbm>>
          %dma_wait3A_230 = arith.constant 64 : i32
          %dma_wait3A_231 = tpu.memref_slice %arg4[%mul3A_13, %dma_wait3A_230] : memref<100000x512xf32, #tpu.memory_space<hbm>> -> memref<200x64xf32, #tpu.memory_space<hbm>>
          %dma_wait3A_232 = arith.constant 0 : i32
          %dma_wait3A_233 = arith.constant 0 : i32
          %dma_wait3A_234 = tpu.memref_slice %arg6[%run_scoped3A_204, %dma_wait3A_232, %dma_wait3A_233] : memref<8x200x64xf32, #tpu.memory_space<vmem>> -> memref<1x200x64xf32, #tpu.memory_space<vmem>>
          %dma_wait3A_235 = tpu.memref_squeeze %dma_wait3A_234 : memref<1x200x64xf32, #tpu.memory_space<vmem>> -> memref<200x64xf32, #tpu.memory_space<vmem>>
          tpu.wait_dma2 semaphore(%run_scoped3A_211 : memref<!tpu.dma_semaphore, #tpu.memory_space<semaphore_mem>>) src(%dma_wait3A_235 : memref<200x64xf32, #tpu.memory_space<vmem>>) dst(%dma_wait3A_231 : memref<200x64xf32, #tpu.memory_space<hbm>>)
          tpu.yield
        }) : () -> ()
        %run_scoped3A_205 = arith.constant 2 : i32
        "tpu.region"() ({
          %run_scoped3A_211 = tpu.sem_alloc : memref<!tpu.dma_semaphore, #tpu.memory_space<semaphore_mem>>
          %dma_start3A_212 = arith.constant 0 : i32
          %dma_start3A_213 = arith.constant 0 : i32
          %dma_start3A_214 = tpu.memref_slice %arg6[%run_scoped3A_205, %dma_start3A_212, %dma_start3A_213] : memref<8x200x64xf32, #tpu.memory_space<vmem>> -> memref<1x200x64xf32, #tpu.memory_space<vmem>>
          %dma_start3A_215 = tpu.memref_squeeze %dma_start3A_214 : memref<1x200x64xf32, #tpu.memory_space<vmem>> -> memref<200x64xf32, #tpu.memory_space<vmem>>
          %dma_start3A_216 = arith.constant 128 : i32
          %dma_start3A_217 = tpu.memref_slice %arg4[%mul3A_13, %dma_start3A_216] : memref<100000x512xf32, #tpu.memory_space<hbm>> -> memref<200x64xf32, #tpu.memory_space<hbm>>
          %dma_start3A_218 = arith.constant 128 : i32
          %dma_start3A_219 = tpu.memref_slice %arg4[%mul3A_13, %dma_start3A_218] : memref<100000x512xf32, #tpu.memory_space<hbm>> -> memref<200x64xf32, #tpu.memory_space<hbm>>
          %dma_start3A_220 = arith.constant 0 : i32
          %dma_start3A_221 = arith.constant 0 : i32
          %dma_start3A_222 = tpu.memref_slice %arg6[%run_scoped3A_205, %dma_start3A_220, %dma_start3A_221] : memref<8x200x64xf32, #tpu.memory_space<vmem>> -> memref<1x200x64xf32, #tpu.memory_space<vmem>>
          %dma_start3A_223 = tpu.memref_squeeze %dma_start3A_222 : memref<1x200x64xf32, #tpu.memory_space<vmem>> -> memref<200x64xf32, #tpu.memory_space<vmem>>
          tpu.enqueue_dma source(%dma_start3A_223 : memref<200x64xf32, #tpu.memory_space<vmem>>) target(%dma_start3A_219 : memref<200x64xf32, #tpu.memory_space<hbm>>) target_semaphore(%run_scoped3A_211 : memref<!tpu.dma_semaphore, #tpu.memory_space<semaphore_mem>>)
          %dma_wait3A_224 = arith.constant 0 : i32
          %dma_wait3A_225 = arith.constant 0 : i32
          %dma_wait3A_226 = tpu.memref_slice %arg6[%run_scoped3A_205, %dma_wait3A_224, %dma_wait3A_225] : memref<8x200x64xf32, #tpu.memory_space<vmem>> -> memref<1x200x64xf32, #tpu.memory_space<vmem>>
          %dma_wait3A_227 = tpu.memref_squeeze %dma_wait3A_226 : memref<1x200x64xf32, #tpu.memory_space<vmem>> -> memref<200x64xf32, #tpu.memory_space<vmem>>
          %dma_wait3A_228 = arith.constant 128 : i32
          %dma_wait3A_229 = tpu.memref_slice %arg4[%mul3A_13, %dma_wait3A_228] : memref<100000x512xf32, #tpu.memory_space<hbm>> -> memref<200x64xf32, #tpu.memory_space<hbm>>
          %dma_wait3A_230 = arith.constant 128 : i32
          %dma_wait3A_231 = tpu.memref_slice %arg4[%mul3A_13, %dma_wait3A_230] : memref<100000x512xf32, #tpu.memory_space<hbm>> -> memref<200x64xf32, #tpu.memory_space<hbm>>
          %dma_wait3A_232 = arith.constant 0 : i32
          %dma_wait3A_233 = arith.constant 0 : i32
          %dma_wait3A_234 = tpu.memref_slice %arg6[%run_scoped3A_205, %dma_wait3A_232, %dma_wait3A_233] : memref<8x200x64xf32, #tpu.memory_space<vmem>> -> memref<1x200x64xf32, #tpu.memory_space<vmem>>
          %dma_wait3A_235 = tpu.memref_squeeze %dma_wait3A_234 : memref<1x200x64xf32, #tpu.memory_space<vmem>> -> memref<200x64xf32, #tpu.memory_space<vmem>>
          tpu.wait_dma2 semaphore(%run_scoped3A_211 : memref<!tpu.dma_semaphore, #tpu.memory_space<semaphore_mem>>) src(%dma_wait3A_235 : memref<200x64xf32, #tpu.memory_space<vmem>>) dst(%dma_wait3A_231 : memref<200x64xf32, #tpu.memory_space<hbm>>)
          tpu.yield
        }) : () -> ()
        %run_scoped3A_206 = arith.constant 3 : i32
        "tpu.region"() ({
          %run_scoped3A_211 = tpu.sem_alloc : memref<!tpu.dma_semaphore, #tpu.memory_space<semaphore_mem>>
          %dma_start3A_212 = arith.constant 0 : i32
          %dma_start3A_213 = arith.constant 0 : i32
          %dma_start3A_214 = tpu.memref_slice %arg6[%run_scoped3A_206, %dma_start3A_212, %dma_start3A_213] : memref<8x200x64xf32, #tpu.memory_space<vmem>> -> memref<1x200x64xf32, #tpu.memory_space<vmem>>
          %dma_start3A_215 = tpu.memref_squeeze %dma_start3A_214 : memref<1x200x64xf32, #tpu.memory_space<vmem>> -> memref<200x64xf32, #tpu.memory_space<vmem>>
          %dma_start3A_216 = arith.constant 192 : i32
          %dma_start3A_217 = tpu.memref_slice %arg4[%mul3A_13, %dma_start3A_216] : memref<100000x512xf32, #tpu.memory_space<hbm>> -> memref<200x64xf32, #tpu.memory_space<hbm>>
          %dma_start3A_218 = arith.constant 192 : i32
          %dma_start3A_219 = tpu.memref_slice %arg4[%mul3A_13, %dma_start3A_218] : memref<100000x512xf32, #tpu.memory_space<hbm>> -> memref<200x64xf32, #tpu.memory_space<hbm>>
          %dma_start3A_220 = arith.constant 0 : i32
          %dma_start3A_221 = arith.constant 0 : i32
          %dma_start3A_222 = tpu.memref_slice %arg6[%run_scoped3A_206, %dma_start3A_220, %dma_start3A_221] : memref<8x200x64xf32, #tpu.memory_space<vmem>> -> memref<1x200x64xf32, #tpu.memory_space<vmem>>
          %dma_start3A_223 = tpu.memref_squeeze %dma_start3A_222 : memref<1x200x64xf32, #tpu.memory_space<vmem>> -> memref<200x64xf32, #tpu.memory_space<vmem>>
          tpu.enqueue_dma source(%dma_start3A_223 : memref<200x64xf32, #tpu.memory_space<vmem>>) target(%dma_start3A_219 : memref<200x64xf32, #tpu.memory_space<hbm>>) target_semaphore(%run_scoped3A_211 : memref<!tpu.dma_semaphore, #tpu.memory_space<semaphore_mem>>)
          %dma_wait3A_224 = arith.constant 0 : i32
          %dma_wait3A_225 = arith.constant 0 : i32
          %dma_wait3A_226 = tpu.memref_slice %arg6[%run_scoped3A_206, %dma_wait3A_224, %dma_wait3A_225] : memref<8x200x64xf32, #tpu.memory_space<vmem>> -> memref<1x200x64xf32, #tpu.memory_space<vmem>>
          %dma_wait3A_227 = tpu.memref_squeeze %dma_wait3A_226 : memref<1x200x64xf32, #tpu.memory_space<vmem>> -> memref<200x64xf32, #tpu.memory_space<vmem>>
          %dma_wait3A_228 = arith.constant 192 : i32
          %dma_wait3A_229 = tpu.memref_slice %arg4[%mul3A_13, %dma_wait3A_228] : memref<100000x512xf32, #tpu.memory_space<hbm>> -> memref<200x64xf32, #tpu.memory_space<hbm>>
          %dma_wait3A_230 = arith.constant 192 : i32
          %dma_wait3A_231 = tpu.memref_slice %arg4[%mul3A_13, %dma_wait3A_230] : memref<100000x512xf32, #tpu.memory_space<hbm>> -> memref<200x64xf32, #tpu.memory_space<hbm>>
          %dma_wait3A_232 = arith.constant 0 : i32
          %dma_wait3A_233 = arith.constant 0 : i32
          %dma_wait3A_234 = tpu.memref_slice %arg6[%run_scoped3A_206, %dma_wait3A_232, %dma_wait3A_233] : memref<8x200x64xf32, #tpu.memory_space<vmem>> -> memref<1x200x64xf32, #tpu.memory_space<vmem>>
          %dma_wait3A_235 = tpu.memref_squeeze %dma_wait3A_234 : memref<1x200x64xf32, #tpu.memory_space<vmem>> -> memref<200x64xf32, #tpu.memory_space<vmem>>
          tpu.wait_dma2 semaphore(%run_scoped3A_211 : memref<!tpu.dma_semaphore, #tpu.memory_space<semaphore_mem>>) src(%dma_wait3A_235 : memref<200x64xf32, #tpu.memory_space<vmem>>) dst(%dma_wait3A_231 : memref<200x64xf32, #tpu.memory_space<hbm>>)
          tpu.yield
        }) : () -> ()
        %run_scoped3A_207 = arith.constant 4 : i32
        "tpu.region"() ({
          %run_scoped3A_211 = tpu.sem_alloc : memref<!tpu.dma_semaphore, #tpu.memory_space<semaphore_mem>>
          %dma_start3A_212 = arith.constant 0 : i32
          %dma_start3A_213 = arith.constant 0 : i32
          %dma_start3A_214 = tpu.memref_slice %arg6[%run_scoped3A_207, %dma_start3A_212, %dma_start3A_213] : memref<8x200x64xf32, #tpu.memory_space<vmem>> -> memref<1x200x64xf32, #tpu.memory_space<vmem>>
          %dma_start3A_215 = tpu.memref_squeeze %dma_start3A_214 : memref<1x200x64xf32, #tpu.memory_space<vmem>> -> memref<200x64xf32, #tpu.memory_space<vmem>>
          %dma_start3A_216 = arith.constant 256 : i32
          %dma_start3A_217 = tpu.memref_slice %arg4[%mul3A_13, %dma_start3A_216] : memref<100000x512xf32, #tpu.memory_space<hbm>> -> memref<200x64xf32, #tpu.memory_space<hbm>>
          %dma_start3A_218 = arith.constant 256 : i32
          %dma_start3A_219 = tpu.memref_slice %arg4[%mul3A_13, %dma_start3A_218] : memref<100000x512xf32, #tpu.memory_space<hbm>> -> memref<200x64xf32, #tpu.memory_space<hbm>>
          %dma_start3A_220 = arith.constant 0 : i32
          %dma_start3A_221 = arith.constant 0 : i32
          %dma_start3A_222 = tpu.memref_slice %arg6[%run_scoped3A_207, %dma_start3A_220, %dma_start3A_221] : memref<8x200x64xf32, #tpu.memory_space<vmem>> -> memref<1x200x64xf32, #tpu.memory_space<vmem>>
          %dma_start3A_223 = tpu.memref_squeeze %dma_start3A_222 : memref<1x200x64xf32, #tpu.memory_space<vmem>> -> memref<200x64xf32, #tpu.memory_space<vmem>>
          tpu.enqueue_dma source(%dma_start3A_223 : memref<200x64xf32, #tpu.memory_space<vmem>>) target(%dma_start3A_219 : memref<200x64xf32, #tpu.memory_space<hbm>>) target_semaphore(%run_scoped3A_211 : memref<!tpu.dma_semaphore, #tpu.memory_space<semaphore_mem>>)
          %dma_wait3A_224 = arith.constant 0 : i32
          %dma_wait3A_225 = arith.constant 0 : i32
          %dma_wait3A_226 = tpu.memref_slice %arg6[%run_scoped3A_207, %dma_wait3A_224, %dma_wait3A_225] : memref<8x200x64xf32, #tpu.memory_space<vmem>> -> memref<1x200x64xf32, #tpu.memory_space<vmem>>
          %dma_wait3A_227 = tpu.memref_squeeze %dma_wait3A_226 : memref<1x200x64xf32, #tpu.memory_space<vmem>> -> memref<200x64xf32, #tpu.memory_space<vmem>>
          %dma_wait3A_228 = arith.constant 256 : i32
          %dma_wait3A_229 = tpu.memref_slice %arg4[%mul3A_13, %dma_wait3A_228] : memref<100000x512xf32, #tpu.memory_space<hbm>> -> memref<200x64xf32, #tpu.memory_space<hbm>>
          %dma_wait3A_230 = arith.constant 256 : i32
          %dma_wait3A_231 = tpu.memref_slice %arg4[%mul3A_13, %dma_wait3A_230] : memref<100000x512xf32, #tpu.memory_space<hbm>> -> memref<200x64xf32, #tpu.memory_space<hbm>>
          %dma_wait3A_232 = arith.constant 0 : i32
          %dma_wait3A_233 = arith.constant 0 : i32
          %dma_wait3A_234 = tpu.memref_slice %arg6[%run_scoped3A_207, %dma_wait3A_232, %dma_wait3A_233] : memref<8x200x64xf32, #tpu.memory_space<vmem>> -> memref<1x200x64xf32, #tpu.memory_space<vmem>>
          %dma_wait3A_235 = tpu.memref_squeeze %dma_wait3A_234 : memref<1x200x64xf32, #tpu.memory_space<vmem>> -> memref<200x64xf32, #tpu.memory_space<vmem>>
          tpu.wait_dma2 semaphore(%run_scoped3A_211 : memref<!tpu.dma_semaphore, #tpu.memory_space<semaphore_mem>>) src(%dma_wait3A_235 : memref<200x64xf32, #tpu.memory_space<vmem>>) dst(%dma_wait3A_231 : memref<200x64xf32, #tpu.memory_space<hbm>>)
          tpu.yield
        }) : () -> ()
        %run_scoped3A_208 = arith.constant 5 : i32
        "tpu.region"() ({
          %run_scoped3A_211 = tpu.sem_alloc : memref<!tpu.dma_semaphore, #tpu.memory_space<semaphore_mem>>
          %dma_start3A_212 = arith.constant 0 : i32
          %dma_start3A_213 = arith.constant 0 : i32
          %dma_start3A_214 = tpu.memref_slice %arg6[%run_scoped3A_208, %dma_start3A_212, %dma_start3A_213] : memref<8x200x64xf32, #tpu.memory_space<vmem>> -> memref<1x200x64xf32, #tpu.memory_space<vmem>>
          %dma_start3A_215 = tpu.memref_squeeze %dma_start3A_214 : memref<1x200x64xf32, #tpu.memory_space<vmem>> -> memref<200x64xf32, #tpu.memory_space<vmem>>
          %dma_start3A_216 = arith.constant 320 : i32
          %dma_start3A_217 = tpu.memref_slice %arg4[%mul3A_13, %dma_start3A_216] : memref<100000x512xf32, #tpu.memory_space<hbm>> -> memref<200x64xf32, #tpu.memory_space<hbm>>
          %dma_start3A_218 = arith.constant 320 : i32
          %dma_start3A_219 = tpu.memref_slice %arg4[%mul3A_13, %dma_start3A_218] : memref<100000x512xf32, #tpu.memory_space<hbm>> -> memref<200x64xf32, #tpu.memory_space<hbm>>
          %dma_start3A_220 = arith.constant 0 : i32
          %dma_start3A_221 = arith.constant 0 : i32
          %dma_start3A_222 = tpu.memref_slice %arg6[%run_scoped3A_208, %dma_start3A_220, %dma_start3A_221] : memref<8x200x64xf32, #tpu.memory_space<vmem>> -> memref<1x200x64xf32, #tpu.memory_space<vmem>>
          %dma_start3A_223 = tpu.memref_squeeze %dma_start3A_222 : memref<1x200x64xf32, #tpu.memory_space<vmem>> -> memref<200x64xf32, #tpu.memory_space<vmem>>
          tpu.enqueue_dma source(%dma_start3A_223 : memref<200x64xf32, #tpu.memory_space<vmem>>) target(%dma_start3A_219 : memref<200x64xf32, #tpu.memory_space<hbm>>) target_semaphore(%run_scoped3A_211 : memref<!tpu.dma_semaphore, #tpu.memory_space<semaphore_mem>>)
          %dma_wait3A_224 = arith.constant 0 : i32
          %dma_wait3A_225 = arith.constant 0 : i32
          %dma_wait3A_226 = tpu.memref_slice %arg6[%run_scoped3A_208, %dma_wait3A_224, %dma_wait3A_225] : memref<8x200x64xf32, #tpu.memory_space<vmem>> -> memref<1x200x64xf32, #tpu.memory_space<vmem>>
          %dma_wait3A_227 = tpu.memref_squeeze %dma_wait3A_226 : memref<1x200x64xf32, #tpu.memory_space<vmem>> -> memref<200x64xf32, #tpu.memory_space<vmem>>
          %dma_wait3A_228 = arith.constant 320 : i32
          %dma_wait3A_229 = tpu.memref_slice %arg4[%mul3A_13, %dma_wait3A_228] : memref<100000x512xf32, #tpu.memory_space<hbm>> -> memref<200x64xf32, #tpu.memory_space<hbm>>
          %dma_wait3A_230 = arith.constant 320 : i32
          %dma_wait3A_231 = tpu.memref_slice %arg4[%mul3A_13, %dma_wait3A_230] : memref<100000x512xf32, #tpu.memory_space<hbm>> -> memref<200x64xf32, #tpu.memory_space<hbm>>
          %dma_wait3A_232 = arith.constant 0 : i32
          %dma_wait3A_233 = arith.constant 0 : i32
          %dma_wait3A_234 = tpu.memref_slice %arg6[%run_scoped3A_208, %dma_wait3A_232, %dma_wait3A_233] : memref<8x200x64xf32, #tpu.memory_space<vmem>> -> memref<1x200x64xf32, #tpu.memory_space<vmem>>
          %dma_wait3A_235 = tpu.memref_squeeze %dma_wait3A_234 : memref<1x200x64xf32, #tpu.memory_space<vmem>> -> memref<200x64xf32, #tpu.memory_space<vmem>>
          tpu.wait_dma2 semaphore(%run_scoped3A_211 : memref<!tpu.dma_semaphore, #tpu.memory_space<semaphore_mem>>) src(%dma_wait3A_235 : memref<200x64xf32, #tpu.memory_space<vmem>>) dst(%dma_wait3A_231 : memref<200x64xf32, #tpu.memory_space<hbm>>)
          tpu.yield
        }) : () -> ()
        %run_scoped3A_209 = arith.constant 6 : i32
        "tpu.region"() ({
          %run_scoped3A_211 = tpu.sem_alloc : memref<!tpu.dma_semaphore, #tpu.memory_space<semaphore_mem>>
          %dma_start3A_212 = arith.constant 0 : i32
          %dma_start3A_213 = arith.constant 0 : i32
          %dma_start3A_214 = tpu.memref_slice %arg6[%run_scoped3A_209, %dma_start3A_212, %dma_start3A_213] : memref<8x200x64xf32, #tpu.memory_space<vmem>> -> memref<1x200x64xf32, #tpu.memory_space<vmem>>
          %dma_start3A_215 = tpu.memref_squeeze %dma_start3A_214 : memref<1x200x64xf32, #tpu.memory_space<vmem>> -> memref<200x64xf32, #tpu.memory_space<vmem>>
          %dma_start3A_216 = arith.constant 384 : i32
          %dma_start3A_217 = tpu.memref_slice %arg4[%mul3A_13, %dma_start3A_216] : memref<100000x512xf32, #tpu.memory_space<hbm>> -> memref<200x64xf32, #tpu.memory_space<hbm>>
          %dma_start3A_218 = arith.constant 384 : i32
          %dma_start3A_219 = tpu.memref_slice %arg4[%mul3A_13, %dma_start3A_218] : memref<100000x512xf32, #tpu.memory_space<hbm>> -> memref<200x64xf32, #tpu.memory_space<hbm>>
          %dma_start3A_220 = arith.constant 0 : i32
          %dma_start3A_221 = arith.constant 0 : i32
          %dma_start3A_222 = tpu.memref_slice %arg6[%run_scoped3A_209, %dma_start3A_220, %dma_start3A_221] : memref<8x200x64xf32, #tpu.memory_space<vmem>> -> memref<1x200x64xf32, #tpu.memory_space<vmem>>
          %dma_start3A_223 = tpu.memref_squeeze %dma_start3A_222 : memref<1x200x64xf32, #tpu.memory_space<vmem>> -> memref<200x64xf32, #tpu.memory_space<vmem>>
          tpu.enqueue_dma source(%dma_start3A_223 : memref<200x64xf32, #tpu.memory_space<vmem>>) target(%dma_start3A_219 : memref<200x64xf32, #tpu.memory_space<hbm>>) target_semaphore(%run_scoped3A_211 : memref<!tpu.dma_semaphore, #tpu.memory_space<semaphore_mem>>)
          %dma_wait3A_224 = arith.constant 0 : i32
          %dma_wait3A_225 = arith.constant 0 : i32
          %dma_wait3A_226 = tpu.memref_slice %arg6[%run_scoped3A_209, %dma_wait3A_224, %dma_wait3A_225] : memref<8x200x64xf32, #tpu.memory_space<vmem>> -> memref<1x200x64xf32, #tpu.memory_space<vmem>>
          %dma_wait3A_227 = tpu.memref_squeeze %dma_wait3A_226 : memref<1x200x64xf32, #tpu.memory_space<vmem>> -> memref<200x64xf32, #tpu.memory_space<vmem>>
          %dma_wait3A_228 = arith.constant 384 : i32
          %dma_wait3A_229 = tpu.memref_slice %arg4[%mul3A_13, %dma_wait3A_228] : memref<100000x512xf32, #tpu.memory_space<hbm>> -> memref<200x64xf32, #tpu.memory_space<hbm>>
          %dma_wait3A_230 = arith.constant 384 : i32
          %dma_wait3A_231 = tpu.memref_slice %arg4[%mul3A_13, %dma_wait3A_230] : memref<100000x512xf32, #tpu.memory_space<hbm>> -> memref<200x64xf32, #tpu.memory_space<hbm>>
          %dma_wait3A_232 = arith.constant 0 : i32
          %dma_wait3A_233 = arith.constant 0 : i32
          %dma_wait3A_234 = tpu.memref_slice %arg6[%run_scoped3A_209, %dma_wait3A_232, %dma_wait3A_233] : memref<8x200x64xf32, #tpu.memory_space<vmem>> -> memref<1x200x64xf32, #tpu.memory_space<vmem>>
          %dma_wait3A_235 = tpu.memref_squeeze %dma_wait3A_234 : memref<1x200x64xf32, #tpu.memory_space<vmem>> -> memref<200x64xf32, #tpu.memory_space<vmem>>
          tpu.wait_dma2 semaphore(%run_scoped3A_211 : memref<!tpu.dma_semaphore, #tpu.memory_space<semaphore_mem>>) src(%dma_wait3A_235 : memref<200x64xf32, #tpu.memory_space<vmem>>) dst(%dma_wait3A_231 : memref<200x64xf32, #tpu.memory_space<hbm>>)
          tpu.yield
        }) : () -> ()
        %run_scoped3A_210 = arith.constant 7 : i32
        "tpu.region"() ({
          %run_scoped3A_211 = tpu.sem_alloc : memref<!tpu.dma_semaphore, #tpu.memory_space<semaphore_mem>>
          %dma_start3A_212 = arith.constant 0 : i32
          %dma_start3A_213 = arith.constant 0 : i32
          %dma_start3A_214 = tpu.memref_slice %arg6[%run_scoped3A_210, %dma_start3A_212, %dma_start3A_213] : memref<8x200x64xf32, #tpu.memory_space<vmem>> -> memref<1x200x64xf32, #tpu.memory_space<vmem>>
          %dma_start3A_215 = tpu.memref_squeeze %dma_start3A_214 : memref<1x200x64xf32, #tpu.memory_space<vmem>> -> memref<200x64xf32, #tpu.memory_space<vmem>>
          %dma_start3A_216 = arith.constant 448 : i32
          %dma_start3A_217 = tpu.memref_slice %arg4[%mul3A_13, %dma_start3A_216] : memref<100000x512xf32, #tpu.memory_space<hbm>> -> memref<200x64xf32, #tpu.memory_space<hbm>>
          %dma_start3A_218 = arith.constant 448 : i32
          %dma_start3A_219 = tpu.memref_slice %arg4[%mul3A_13, %dma_start3A_218] : memref<100000x512xf32, #tpu.memory_space<hbm>> -> memref<200x64xf32, #tpu.memory_space<hbm>>
          %dma_start3A_220 = arith.constant 0 : i32
          %dma_start3A_221 = arith.constant 0 : i32
          %dma_start3A_222 = tpu.memref_slice %arg6[%run_scoped3A_210, %dma_start3A_220, %dma_start3A_221] : memref<8x200x64xf32, #tpu.memory_space<vmem>> -> memref<1x200x64xf32, #tpu.memory_space<vmem>>
          %dma_start3A_223 = tpu.memref_squeeze %dma_start3A_222 : memref<1x200x64xf32, #tpu.memory_space<vmem>> -> memref<200x64xf32, #tpu.memory_space<vmem>>
          tpu.enqueue_dma source(%dma_start3A_223 : memref<200x64xf32, #tpu.memory_space<vmem>>) target(%dma_start3A_219 : memref<200x64xf32, #tpu.memory_space<hbm>>) target_semaphore(%run_scoped3A_211 : memref<!tpu.dma_semaphore, #tpu.memory_space<semaphore_mem>>)
          %dma_wait3A_224 = arith.constant 0 : i32
          %dma_wait3A_225 = arith.constant 0 : i32
          %dma_wait3A_226 = tpu.memref_slice %arg6[%run_scoped3A_210, %dma_wait3A_224, %dma_wait3A_225] : memref<8x200x64xf32, #tpu.memory_space<vmem>> -> memref<1x200x64xf32, #tpu.memory_space<vmem>>
          %dma_wait3A_227 = tpu.memref_squeeze %dma_wait3A_226 : memref<1x200x64xf32, #tpu.memory_space<vmem>> -> memref<200x64xf32, #tpu.memory_space<vmem>>
          %dma_wait3A_228 = arith.constant 448 : i32
          %dma_wait3A_229 = tpu.memref_slice %arg4[%mul3A_13, %dma_wait3A_228] : memref<100000x512xf32, #tpu.memory_space<hbm>> -> memref<200x64xf32, #tpu.memory_space<hbm>>
          %dma_wait3A_230 = arith.constant 448 : i32
          %dma_wait3A_231 = tpu.memref_slice %arg4[%mul3A_13, %dma_wait3A_230] : memref<100000x512xf32, #tpu.memory_space<hbm>> -> memref<200x64xf32, #tpu.memory_space<hbm>>
          %dma_wait3A_232 = arith.constant 0 : i32
          %dma_wait3A_233 = arith.constant 0 : i32
          %dma_wait3A_234 = tpu.memref_slice %arg6[%run_scoped3A_210, %dma_wait3A_232, %dma_wait3A_233] : memref<8x200x64xf32, #tpu.memory_space<vmem>> -> memref<1x200x64xf32, #tpu.memory_space<vmem>>
          %dma_wait3A_235 = tpu.memref_squeeze %dma_wait3A_234 : memref<1x200x64xf32, #tpu.memory_space<vmem>> -> memref<200x64xf32, #tpu.memory_space<vmem>>
          tpu.wait_dma2 semaphore(%run_scoped3A_211 : memref<!tpu.dma_semaphore, #tpu.memory_space<semaphore_mem>>) src(%dma_wait3A_235 : memref<200x64xf32, #tpu.memory_space<vmem>>) dst(%dma_wait3A_231 : memref<200x64xf32, #tpu.memory_space<hbm>>)
          tpu.yield
        }) : () -> ()
      } else {
      }
    }
    %scan3A_5 = arith.constant 16 : i32
    return
  }
}

module attributes {stable_mosaic.version = 14 : i64} {
  func.func @_t1_body(%arg0: i32, %arg1: memref<2000x64xf32, #tpu.memory_space<vmem>>, %arg2: memref<2000x64xf32, #tpu.memory_space<vmem>>, %arg3: memref<2000x64xf32, #tpu.memory_space<vmem>>, %arg4: memref<2000x8xf32, #tpu.memory_space<vmem>>, %arg5: memref<2000x8xf32, #tpu.memory_space<vmem>>, %arg6: memref<8x64xf32, #tpu.memory_space<vmem>>, %arg7: memref<1x16xf32, #tpu.memory_space<vmem>>, %arg8: memref<64x64xf32, #tpu.memory_space<vmem>>, %arg9: memref<64x128xf32, #tpu.memory_space<vmem>>, %arg10: memref<1x64xf32, #tpu.memory_space<vmem>>, %arg11: memref<128x64xf32, #tpu.memory_space<vmem>>, %arg12: memref<1x64xf32, #tpu.memory_space<vmem>>, %arg13: memref<64x128xf32, #tpu.memory_space<vmem>>, %arg14: memref<1x128xf32, #tpu.memory_space<vmem>>, %arg15: memref<128x64xf32, #tpu.memory_space<vmem>>, %arg16: memref<1x64xf32, #tpu.memory_space<vmem>>, %arg17: memref<64x512xf32, #tpu.memory_space<vmem>>, %arg18: memref<1x512xf32, #tpu.memory_space<vmem>>, %arg19: memref<128x128xf32, #tpu.memory_space<vmem>>, %arg20: memref<1x128xf32, #tpu.memory_space<vmem>>, %arg21: memref<64x512xf32, #tpu.memory_space<vmem>>, %arg22: memref<64x128xf32, #tpu.memory_space<vmem>>, %arg23: memref<1x128xf32, #tpu.memory_space<vmem>>, %arg24: memref<64x64xf32, #tpu.memory_space<vmem>>, %arg25: memref<1x64xf32, #tpu.memory_space<vmem>>, %arg26: memref<64x64xf32, #tpu.memory_space<vmem>>, %arg27: memref<1x64xf32, #tpu.memory_space<vmem>>, %arg28: memref<2000x64xf32, #tpu.memory_space<vmem>>, %arg29: memref<2000x64xf32, #tpu.memory_space<vmem>>, %arg30: memref<2000x64xf32, #tpu.memory_space<vmem>>, %arg31: memref<2000x64xf32, #tpu.memory_space<vmem>>) attributes {dimension_semantics = [#tpu.dimension_semantics<parallel>], iteration_bounds = array<i64: 25>, scalar_prefetch = 0 : i64, scratch_operands = 0 : i64, tpu.core_type = #tpu.core_type<tc>, window_params = [{transform_indices = @transform_0, window_bounds = array<i64: 2000, 64>}, {transform_indices = @transform_1, window_bounds = array<i64: 2000, 64>}, {transform_indices = @transform_2, window_bounds = array<i64: 2000, 64>}, {transform_indices = @transform_3, window_bounds = array<i64: 2000, 8>}, {transform_indices = @transform_4, window_bounds = array<i64: 2000, 8>}, {pipeline_mode = #tpu.pipeline_mode<synchronous>, transform_indices = @transform_5, window_bounds = array<i64: 8, 64>}, {pipeline_mode = #tpu.pipeline_mode<synchronous>, transform_indices = @transform_6, window_bounds = array<i64: 1, 16>}, {pipeline_mode = #tpu.pipeline_mode<synchronous>, transform_indices = @transform_7, window_bounds = array<i64: 64, 64>}, {pipeline_mode = #tpu.pipeline_mode<synchronous>, transform_indices = @transform_8, window_bounds = array<i64: 64, 128>}, {pipeline_mode = #tpu.pipeline_mode<synchronous>, transform_indices = @transform_9, window_bounds = array<i64: 1, 64>}, {pipeline_mode = #tpu.pipeline_mode<synchronous>, transform_indices = @transform_10, window_bounds = array<i64: 128, 64>}, {pipeline_mode = #tpu.pipeline_mode<synchronous>, transform_indices = @transform_11, window_bounds = array<i64: 1, 64>}, {pipeline_mode = #tpu.pipeline_mode<synchronous>, transform_indices = @transform_12, window_bounds = array<i64: 64, 128>}, {pipeline_mode = #tpu.pipeline_mode<synchronous>, transform_indices = @transform_13, window_bounds = array<i64: 1, 128>}, {pipeline_mode = #tpu.pipeline_mode<synchronous>, transform_indices = @transform_14, window_bounds = array<i64: 128, 64>}, {pipeline_mode = #tpu.pipeline_mode<synchronous>, transform_indices = @transform_15, window_bounds = array<i64: 1, 64>}, {pipeline_mode = #tpu.pipeline_mode<synchronous>, transform_indices = @transform_16, window_bounds = array<i64: 64, 512>}, {pipeline_mode = #tpu.pipeline_mode<synchronous>, transform_indices = @transform_17, window_bounds = array<i64: 1, 512>}, {pipeline_mode = #tpu.pipeline_mode<synchronous>, transform_indices = @transform_18, window_bounds = array<i64: 128, 128>}, {pipeline_mode = #tpu.pipeline_mode<synchronous>, transform_indices = @transform_19, window_bounds = array<i64: 1, 128>}, {pipeline_mode = #tpu.pipeline_mode<synchronous>, transform_indices = @transform_20, window_bounds = array<i64: 64, 512>}, {pipeline_mode = #tpu.pipeline_mode<synchronous>, transform_indices = @transform_21, window_bounds = array<i64: 64, 128>}, {pipeline_mode = #tpu.pipeline_mode<synchronous>, transform_indices = @transform_22, window_bounds = array<i64: 1, 128>}, {pipeline_mode = #tpu.pipeline_mode<synchronous>, transform_indices = @transform_23, window_bounds = array<i64: 64, 64>}, {pipeline_mode = #tpu.pipeline_mode<synchronous>, transform_indices = @transform_24, window_bounds = array<i64: 1, 64>}, {pipeline_mode = #tpu.pipeline_mode<synchronous>, transform_indices = @transform_25, window_bounds = array<i64: 64, 64>}, {pipeline_mode = #tpu.pipeline_mode<synchronous>, transform_indices = @transform_26, window_bounds = array<i64: 1, 64>}, {transform_indices = @transform_27, window_bounds = array<i64: 2000, 64>}, {transform_indices = @transform_28, window_bounds = array<i64: 2000, 64>}, {transform_indices = @transform_29, window_bounds = array<i64: 2000, 64>}, {transform_indices = @transform_30, window_bounds = array<i64: 2000, 64>}]} {
    %get3A = arith.constant 0 : index
    %get3A_0 = arith.constant 0 : index
    %get3A_1 = vector.load %arg7[%get3A, %get3A_0] : memref<1x16xf32, #tpu.memory_space<vmem>>, vector<1x16xf32>
    %exp3A = math.exp %get3A_1 : vector<1x16xf32>
    %log1p3A = math.log1p %exp3A : vector<1x16xf32>
    %div3A = arith.constant 1.000000e+00 : f32
    %div3A_2 = vector.broadcast %div3A : f32 to vector<1x16xf32>
    %div3A_3 = arith.divf %div3A_2, %log1p3A : vector<1x16xf32>
    %concatenate3A = tpu.concatenate %div3A_3, %div3A_3, %div3A_3, %div3A_3, %div3A_3, %div3A_3, %div3A_3, %div3A_3 in 1 : vector<1x16xf32>, vector<1x16xf32>, vector<1x16xf32>, vector<1x16xf32>, vector<1x16xf32>, vector<1x16xf32>, vector<1x16xf32>, vector<1x16xf32> -> vector<1x128xf32>
    %get3A_4 = arith.constant 0 : index
    %get3A_5 = arith.constant 0 : index
    %get3A_6 = vector.load %arg8[%get3A_4, %get3A_5] : memref<64x64xf32, #tpu.memory_space<vmem>>, vector<64x64xf32>
    %get3A_7 = arith.constant 0 : index
    %get3A_8 = arith.constant 0 : index
    %get3A_9 = vector.load %arg9[%get3A_7, %get3A_8] : memref<64x128xf32, #tpu.memory_space<vmem>>, vector<64x128xf32>
    %mul3A = vector.broadcast %concatenate3A : vector<1x128xf32> to vector<64x128xf32>
    %mul3A_10 = arith.mulf %get3A_9, %mul3A : vector<64x128xf32>
    %concatenate3A_11 = tpu.concatenate %get3A_6, %mul3A_10 in 1 : vector<64x64xf32>, vector<64x128xf32> -> vector<64x192xf32>
    %get3A_12 = arith.constant 0 : index
    %get3A_13 = arith.constant 0 : index
    %get3A_14 = vector.load %arg1[%get3A_12, %get3A_13] : memref<2000x64xf32, #tpu.memory_space<vmem>>, vector<2000x64xf32>
    %get3A_15 = arith.constant 0 : index
    %get3A_16 = arith.constant 0 : index
    %get3A_17 = vector.load %arg2[%get3A_15, %get3A_16] : memref<2000x64xf32, #tpu.memory_space<vmem>>, vector<2000x64xf32>
    %sub3A = arith.subf %get3A_14, %get3A_17 : vector<2000x64xf32>
    %mul3A_18 = arith.mulf %sub3A, %sub3A : vector<2000x64xf32>
    %dot_general3A = arith.constant dense<0.000000e+00> : vector<2000x192xf32>
    %dot_general3A_19 = tpu.matmul %mul3A_18, %concatenate3A_11, %dot_general3A {dimension_numbers = #tpu.dot_dimension_numbers<[1], [0], [0], [1], [0, 0, 1, 1], [], []>, transpose_lhs_hint = false} : vector<2000x64xf32>, vector<64x192xf32>, vector<2000x192xf32> -> vector<2000x192xf32>
    %slice3A = vector.extract_strided_slice %dot_general3A_19 {offsets = [0, 0], sizes = [2000, 64], strides = [1, 1]} : vector<2000x192xf32> to vector<2000x64xf32>
    %sqrt3A = math.sqrt %slice3A : vector<2000x64xf32>
    %slice3A_20 = vector.extract_strided_slice %dot_general3A_19 {offsets = [0, 64], sizes = [2000, 128], strides = [1, 1]} : vector<2000x192xf32> to vector<2000x128xf32>
    %neg3A = arith.constant 0.000000e+00 : f32
    %neg3A_21 = vector.broadcast %neg3A : f32 to vector<2000x128xf32>
    %neg3A_22 = arith.subf %neg3A_21, %slice3A_20 : vector<2000x128xf32>
    %exp3A_23 = math.exp %neg3A_22 : vector<2000x128xf32>
    %get3A_24 = arith.constant 0 : index
    %get3A_25 = arith.constant 0 : index
    %get3A_26 = vector.load %arg11[%get3A_24, %get3A_25] : memref<128x64xf32, #tpu.memory_space<vmem>>, vector<128x64xf32>
    %dot_general3A_27 = arith.constant dense<0.000000e+00> : vector<2000x64xf32>
    %dot_general3A_28 = tpu.matmul %exp3A_23, %get3A_26, %dot_general3A_27 {dimension_numbers = #tpu.dot_dimension_numbers<[1], [0], [0], [1], [0, 0, 1, 1], [], []>, transpose_lhs_hint = false} : vector<2000x128xf32>, vector<128x64xf32>, vector<2000x64xf32> -> vector<2000x64xf32>
    %get3A_29 = arith.constant 0 : index
    %get3A_30 = arith.constant 0 : index
    %get3A_31 = vector.load %arg12[%get3A_29, %get3A_30] : memref<1x64xf32, #tpu.memory_space<vmem>>, vector<1x64xf32>
    %add3A = vector.broadcast %get3A_31 : vector<1x64xf32> to vector<2000x64xf32>
    %add3A_32 = arith.addf %dot_general3A_28, %add3A : vector<2000x64xf32>
    %get3A_33 = arith.constant 0 : index
    %get3A_34 = arith.constant 0 : index
    %get3A_35 = vector.load %arg13[%get3A_33, %get3A_34] : memref<64x128xf32, #tpu.memory_space<vmem>>, vector<64x128xf32>
    %dot_general3A_36 = arith.constant dense<0.000000e+00> : vector<2000x128xf32>
    %dot_general3A_37 = tpu.matmul %sub3A, %get3A_35, %dot_general3A_36 {dimension_numbers = #tpu.dot_dimension_numbers<[1], [0], [0], [1], [0, 0, 1, 1], [], []>, transpose_lhs_hint = false} : vector<2000x64xf32>, vector<64x128xf32>, vector<2000x128xf32> -> vector<2000x128xf32>
    %get3A_38 = arith.constant 0 : index
    %get3A_39 = arith.constant 0 : index
    %get3A_40 = vector.load %arg14[%get3A_38, %get3A_39] : memref<1x128xf32, #tpu.memory_space<vmem>>, vector<1x128xf32>
    %add3A_41 = vector.broadcast %get3A_40 : vector<1x128xf32> to vector<2000x128xf32>
    %add3A_42 = arith.addf %dot_general3A_37, %add3A_41 : vector<2000x128xf32>
    %neg3A_43 = arith.constant 0.000000e+00 : f32
    %neg3A_44 = vector.broadcast %neg3A_43 : f32 to vector<2000x128xf32>
    %neg3A_45 = arith.subf %neg3A_44, %add3A_42 : vector<2000x128xf32>
    %exp3A_46 = math.exp %neg3A_45 : vector<2000x128xf32>
    %add3A_47 = arith.constant 1.000000e+00 : f32
    %add3A_48 = vector.broadcast %add3A_47 : f32 to vector<2000x128xf32>
    %add3A_49 = arith.addf %add3A_48, %exp3A_46 : vector<2000x128xf32>
    %div3A_50 = arith.constant 1.000000e+00 : f32
    %div3A_51 = vector.broadcast %div3A_50 : f32 to vector<2000x128xf32>
    %div3A_52 = arith.divf %div3A_51, %add3A_49 : vector<2000x128xf32>
    %mul3A_53 = arith.mulf %add3A_42, %div3A_52 : vector<2000x128xf32>
    %get3A_54 = arith.constant 0 : index
    %get3A_55 = arith.constant 0 : index
    %get3A_56 = vector.load %arg15[%get3A_54, %get3A_55] : memref<128x64xf32, #tpu.memory_space<vmem>>, vector<128x64xf32>
    %dot_general3A_57 = arith.constant dense<0.000000e+00> : vector<2000x64xf32>
    %dot_general3A_58 = tpu.matmul %mul3A_53, %get3A_56, %dot_general3A_57 {dimension_numbers = #tpu.dot_dimension_numbers<[1], [0], [0], [1], [0, 0, 1, 1], [], []>, transpose_lhs_hint = false} : vector<2000x128xf32>, vector<128x64xf32>, vector<2000x64xf32> -> vector<2000x64xf32>
    %get3A_59 = arith.constant 0 : index
    %get3A_60 = arith.constant 0 : index
    %get3A_61 = vector.load %arg16[%get3A_59, %get3A_60] : memref<1x64xf32, #tpu.memory_space<vmem>>, vector<1x64xf32>
    %add3A_62 = vector.broadcast %get3A_61 : vector<1x64xf32> to vector<2000x64xf32>
    %add3A_63 = arith.addf %dot_general3A_58, %add3A_62 : vector<2000x64xf32>
    %mul3A_64 = arith.constant 0.333333343 : f32
    %mul3A_65 = vector.broadcast %mul3A_64 : f32 to vector<2000x64xf32>
    %mul3A_66 = arith.mulf %sqrt3A, %mul3A_65 : vector<2000x64xf32>
    %mul3A_67 = arith.constant 0.111111112 : f32
    %mul3A_68 = vector.broadcast %mul3A_67 : f32 to vector<2000x64xf32>
    %mul3A_69 = arith.mulf %slice3A, %mul3A_68 : vector<2000x64xf32>
    %mul3A_70 = arith.mulf %mul3A_69, %mul3A_69 : vector<2000x64xf32>
    %lt3A = arith.constant 1.000000e+00 : f32
    %lt3A_71 = vector.broadcast %lt3A : f32 to vector<2000x64xf32>
    %lt3A_72 = arith.cmpf olt, %mul3A_69, %lt3A_71 : vector<2000x64xf32>
    %mul3A_73 = arith.constant 2.400000e+01 : f32
    %mul3A_74 = vector.broadcast %mul3A_73 : f32 to vector<2000x64xf32>
    %mul3A_75 = arith.mulf %mul3A_74, %mul3A_66 : vector<2000x64xf32>
    %mul3A_76 = arith.constant 1.000000e+01 : f32
    %mul3A_77 = vector.broadcast %mul3A_76 : f32 to vector<2000x64xf32>
    %mul3A_78 = arith.mulf %mul3A_77, %mul3A_69 : vector<2000x64xf32>
    %add3A_79 = arith.constant 1.500000e+01 : f32
    %add3A_80 = vector.broadcast %add3A_79 : f32 to vector<2000x64xf32>
    %add3A_81 = arith.addf %add3A_80, %mul3A_78 : vector<2000x64xf32>
    %sub3A_82 = arith.subf %mul3A_75, %add3A_81 : vector<2000x64xf32>
    %mul3A_83 = arith.mulf %mul3A_70, %sub3A_82 : vector<2000x64xf32>
    %add3A_84 = arith.constant 1.000000e+00 : f32
    %add3A_85 = vector.broadcast %add3A_84 : f32 to vector<2000x64xf32>
    %add3A_86 = arith.addf %add3A_85, %mul3A_83 : vector<2000x64xf32>
    %jit3A = arith.constant 0.000000e+00 : f32
    %broadcast_in_dim3A = vector.broadcast %jit3A : f32 to vector<2000x64xf32>
    %select_n3A = arith.select %lt3A_72, %add3A_86, %broadcast_in_dim3A : vector<2000x64xi1>, vector<2000x64xf32>
    %get3A_87 = arith.constant 0 : index
    %get3A_88 = arith.constant 0 : index
    %get3A_89 = vector.load %arg4[%get3A_87, %get3A_88] : memref<2000x8xf32, #tpu.memory_space<vmem>>, vector<2000x8xf32>
    %get3A_90 = arith.constant 0 : index
    %get3A_91 = arith.constant 0 : index
    %get3A_92 = vector.load %arg6[%get3A_90, %get3A_91] : memref<8x64xf32, #tpu.memory_space<vmem>>, vector<8x64xf32>
    %dot_general3A_93 = arith.constant dense<0.000000e+00> : vector<2000x64xf32>
    %dot_general3A_94 = tpu.matmul %get3A_89, %get3A_92, %dot_general3A_93 {dimension_numbers = #tpu.dot_dimension_numbers<[1], [0], [0], [1], [0, 0, 1, 1], [], []>, transpose_lhs_hint = false} : vector<2000x8xf32>, vector<8x64xf32>, vector<2000x64xf32> -> vector<2000x64xf32>
    %mul3A_95 = arith.mulf %add3A_32, %add3A_63 : vector<2000x64xf32>
    %mul3A_96 = arith.mulf %mul3A_95, %select_n3A : vector<2000x64xf32>
    %mul3A_97 = arith.mulf %mul3A_96, %dot_general3A_94 : vector<2000x64xf32>
    %swap3A = arith.constant 0 : index
    %swap3A_98 = arith.constant 0 : index
    %swap3A_99 = vector.load %arg28[%swap3A, %swap3A_98] : memref<2000x64xf32, #tpu.memory_space<vmem>>, vector<2000x64xf32>
    tpu.vector_store %arg28[%swap3A, %swap3A_98], %mul3A_97 {strides = array<i32>} : memref<2000x64xf32, #tpu.memory_space<vmem>>, vector<2000x64xf32>,
    %get3A_100 = arith.constant 0 : index
    %get3A_101 = arith.constant 0 : index
    %get3A_102 = vector.load %arg10[%get3A_100, %get3A_101] : memref<1x64xf32, #tpu.memory_space<vmem>>, vector<1x64xf32>
    %mul3A_103 = vector.broadcast %get3A_102 : vector<1x64xf32> to vector<2000x64xf32>
    %mul3A_104 = arith.mulf %sqrt3A, %mul3A_103 : vector<2000x64xf32>
    %add3A_105 = arith.addf %sub3A, %mul3A_104 : vector<2000x64xf32>
    %get3A_106 = arith.constant 0 : index
    %get3A_107 = arith.constant 0 : index
    %get3A_108 = vector.load %arg17[%get3A_106, %get3A_107] : memref<64x512xf32, #tpu.memory_space<vmem>>, vector<64x512xf32>
    %dot_general3A_109 = arith.constant dense<0.000000e+00> : vector<2000x512xf32>
    %dot_general3A_110 = tpu.matmul %add3A_105, %get3A_108, %dot_general3A_109 {dimension_numbers = #tpu.dot_dimension_numbers<[1], [0], [0], [1], [0, 0, 1, 1], [], []>, transpose_lhs_hint = false} : vector<2000x64xf32>, vector<64x512xf32>, vector<2000x512xf32> -> vector<2000x512xf32>
    %get3A_111 = arith.constant 0 : index
    %get3A_112 = arith.constant 0 : index
    %get3A_113 = vector.load %arg18[%get3A_111, %get3A_112] : memref<1x512xf32, #tpu.memory_space<vmem>>, vector<1x512xf32>
    %add3A_114 = vector.broadcast %get3A_113 : vector<1x512xf32> to vector<2000x512xf32>
    %add3A_115 = arith.addf %dot_general3A_110, %add3A_114 : vector<2000x512xf32>
    %neg3A_116 = arith.constant 0.000000e+00 : f32
    %neg3A_117 = vector.broadcast %neg3A_116 : f32 to vector<2000x512xf32>
    %neg3A_118 = arith.subf %neg3A_117, %add3A_115 : vector<2000x512xf32>
    %exp3A_119 = math.exp %neg3A_118 : vector<2000x512xf32>
    %add3A_120 = arith.constant 1.000000e+00 : f32
    %add3A_121 = vector.broadcast %add3A_120 : f32 to vector<2000x512xf32>
    %add3A_122 = arith.addf %add3A_121, %exp3A_119 : vector<2000x512xf32>
    %div3A_123 = arith.constant 1.000000e+00 : f32
    %div3A_124 = vector.broadcast %div3A_123 : f32 to vector<2000x512xf32>
    %div3A_125 = arith.divf %div3A_124, %add3A_122 : vector<2000x512xf32>
    %mul3A_126 = arith.mulf %add3A_115, %div3A_125 : vector<2000x512xf32>
    %get3A_127 = arith.constant 0 : index
    %get3A_128 = arith.constant 0 : index
    %get3A_129 = vector.load %arg21[%get3A_127, %get3A_128] : memref<64x512xf32, #tpu.memory_space<vmem>>, vector<64x512xf32>
    %dot_general3A_130 = arith.constant dense<0.000000e+00> : vector<2000x512xf32>
    %dot_general3A_131 = tpu.matmul %mul3A_97, %get3A_129, %dot_general3A_130 {dimension_numbers = #tpu.dot_dimension_numbers<[1], [0], [0], [1], [0, 0, 1, 1], [], []>, transpose_lhs_hint = false} : vector<2000x64xf32>, vector<64x512xf32>, vector<2000x512xf32> -> vector<2000x512xf32>
    %slice3A_132 = vector.extract_strided_slice %mul3A_126 {offsets = [0, 0], sizes = [2000, 128], strides = [1, 1]} : vector<2000x512xf32> to vector<2000x128xf32>
    %get3A_133 = arith.constant 0 : index
    %get3A_134 = arith.constant 0 : index
    %get3A_135 = vector.load %arg19[%get3A_133, %get3A_134] : memref<128x128xf32, #tpu.memory_space<vmem>>, vector<128x128xf32>
    %dot_general3A_136 = arith.constant dense<0.000000e+00> : vector<2000x128xf32>
    %dot_general3A_137 = tpu.matmul %slice3A_132, %get3A_135, %dot_general3A_136 {dimension_numbers = #tpu.dot_dimension_numbers<[1], [0], [0], [1], [0, 0, 1, 1], [], []>, transpose_lhs_hint = false} : vector<2000x128xf32>, vector<128x128xf32>, vector<2000x128xf32> -> vector<2000x128xf32>
    %get3A_138 = arith.constant 0 : index
    %get3A_139 = arith.constant 0 : index
    %get3A_140 = vector.load %arg20[%get3A_138, %get3A_139] : memref<1x128xf32, #tpu.memory_space<vmem>>, vector<1x128xf32>
    %add3A_141 = vector.broadcast %get3A_140 : vector<1x128xf32> to vector<2000x128xf32>
    %add3A_142 = arith.addf %dot_general3A_137, %add3A_141 : vector<2000x128xf32>
    %neg3A_143 = arith.constant 0.000000e+00 : f32
    %neg3A_144 = vector.broadcast %neg3A_143 : f32 to vector<2000x128xf32>
    %neg3A_145 = arith.subf %neg3A_144, %add3A_142 : vector<2000x128xf32>
    %exp3A_146 = math.exp %neg3A_145 : vector<2000x128xf32>
    %add3A_147 = arith.constant 1.000000e+00 : f32
    %add3A_148 = vector.broadcast %add3A_147 : f32 to vector<2000x128xf32>
    %add3A_149 = arith.addf %add3A_148, %exp3A_146 : vector<2000x128xf32>
    %div3A_150 = arith.constant 1.000000e+00 : f32
    %div3A_151 = vector.broadcast %div3A_150 : f32 to vector<2000x128xf32>
    %div3A_152 = arith.divf %div3A_151, %add3A_149 : vector<2000x128xf32>
    %mul3A_153 = arith.mulf %add3A_142, %div3A_152 : vector<2000x128xf32>
    %slice3A_154 = vector.extract_strided_slice %dot_general3A_131 {offsets = [0, 0], sizes = [2000, 128], strides = [1, 1]} : vector<2000x512xf32> to vector<2000x128xf32>
    %mul3A_155 = arith.mulf %mul3A_153, %slice3A_154 : vector<2000x128xf32>
    %slice3A_156 = vector.extract_strided_slice %mul3A_126 {offsets = [0, 128], sizes = [2000, 128], strides = [1, 1]} : vector<2000x512xf32> to vector<2000x128xf32>
    %get3A_157 = arith.constant 0 : index
    %get3A_158 = arith.constant 0 : index
    %get3A_159 = vector.load %arg19[%get3A_157, %get3A_158] : memref<128x128xf32, #tpu.memory_space<vmem>>, vector<128x128xf32>
    %dot_general3A_160 = arith.constant dense<0.000000e+00> : vector<2000x128xf32>
    %dot_general3A_161 = tpu.matmul %slice3A_156, %get3A_159, %dot_general3A_160 {dimension_numbers = #tpu.dot_dimension_numbers<[1], [0], [0], [1], [0, 0, 1, 1], [], []>, transpose_lhs_hint = false} : vector<2000x128xf32>, vector<128x128xf32>, vector<2000x128xf32> -> vector<2000x128xf32>
    %get3A_162 = arith.constant 0 : index
    %get3A_163 = arith.constant 0 : index
    %get3A_164 = vector.load %arg20[%get3A_162, %get3A_163] : memref<1x128xf32, #tpu.memory_space<vmem>>, vector<1x128xf32>
    %add3A_165 = vector.broadcast %get3A_164 : vector<1x128xf32> to vector<2000x128xf32>
    %add3A_166 = arith.addf %dot_general3A_161, %add3A_165 : vector<2000x128xf32>
    %neg3A_167 = arith.constant 0.000000e+00 : f32
    %neg3A_168 = vector.broadcast %neg3A_167 : f32 to vector<2000x128xf32>
    %neg3A_169 = arith.subf %neg3A_168, %add3A_166 : vector<2000x128xf32>
    %exp3A_170 = math.exp %neg3A_169 : vector<2000x128xf32>
    %add3A_171 = arith.constant 1.000000e+00 : f32
    %add3A_172 = vector.broadcast %add3A_171 : f32 to vector<2000x128xf32>
    %add3A_173 = arith.addf %add3A_172, %exp3A_170 : vector<2000x128xf32>
    %div3A_174 = arith.constant 1.000000e+00 : f32
    %div3A_175 = vector.broadcast %div3A_174 : f32 to vector<2000x128xf32>
    %div3A_176 = arith.divf %div3A_175, %add3A_173 : vector<2000x128xf32>
    %mul3A_177 = arith.mulf %add3A_166, %div3A_176 : vector<2000x128xf32>
    %slice3A_178 = vector.extract_strided_slice %dot_general3A_131 {offsets = [0, 128], sizes = [2000, 128], strides = [1, 1]} : vector<2000x512xf32> to vector<2000x128xf32>
    %mul3A_179 = arith.mulf %mul3A_177, %slice3A_178 : vector<2000x128xf32>
    %add3A_180 = arith.addf %mul3A_155, %mul3A_179 : vector<2000x128xf32>
    %slice3A_181 = vector.extract_strided_slice %mul3A_126 {offsets = [0, 256], sizes = [2000, 128], strides = [1, 1]} : vector<2000x512xf32> to vector<2000x128xf32>
    %get3A_182 = arith.constant 0 : index
    %get3A_183 = arith.constant 0 : index
    %get3A_184 = vector.load %arg19[%get3A_182, %get3A_183] : memref<128x128xf32, #tpu.memory_space<vmem>>, vector<128x128xf32>
    %dot_general3A_185 = arith.constant dense<0.000000e+00> : vector<2000x128xf32>
    %dot_general3A_186 = tpu.matmul %slice3A_181, %get3A_184, %dot_general3A_185 {dimension_numbers = #tpu.dot_dimension_numbers<[1], [0], [0], [1], [0, 0, 1, 1], [], []>, transpose_lhs_hint = false} : vector<2000x128xf32>, vector<128x128xf32>, vector<2000x128xf32> -> vector<2000x128xf32>
    %get3A_187 = arith.constant 0 : index
    %get3A_188 = arith.constant 0 : index
    %get3A_189 = vector.load %arg20[%get3A_187, %get3A_188] : memref<1x128xf32, #tpu.memory_space<vmem>>, vector<1x128xf32>
    %add3A_190 = vector.broadcast %get3A_189 : vector<1x128xf32> to vector<2000x128xf32>
    %add3A_191 = arith.addf %dot_general3A_186, %add3A_190 : vector<2000x128xf32>
    %neg3A_192 = arith.constant 0.000000e+00 : f32
    %neg3A_193 = vector.broadcast %neg3A_192 : f32 to vector<2000x128xf32>
    %neg3A_194 = arith.subf %neg3A_193, %add3A_191 : vector<2000x128xf32>
    %exp3A_195 = math.exp %neg3A_194 : vector<2000x128xf32>
    %add3A_196 = arith.constant 1.000000e+00 : f32
    %add3A_197 = vector.broadcast %add3A_196 : f32 to vector<2000x128xf32>
    %add3A_198 = arith.addf %add3A_197, %exp3A_195 : vector<2000x128xf32>
    %div3A_199 = arith.constant 1.000000e+00 : f32
    %div3A_200 = vector.broadcast %div3A_199 : f32 to vector<2000x128xf32>
    %div3A_201 = arith.divf %div3A_200, %add3A_198 : vector<2000x128xf32>
    %mul3A_202 = arith.mulf %add3A_191, %div3A_201 : vector<2000x128xf32>
    %slice3A_203 = vector.extract_strided_slice %dot_general3A_131 {offsets = [0, 256], sizes = [2000, 128], strides = [1, 1]} : vector<2000x512xf32> to vector<2000x128xf32>
    %mul3A_204 = arith.mulf %mul3A_202, %slice3A_203 : vector<2000x128xf32>
    %add3A_205 = arith.addf %add3A_180, %mul3A_204 : vector<2000x128xf32>
    %slice3A_206 = vector.extract_strided_slice %mul3A_126 {offsets = [0, 384], sizes = [2000, 128], strides = [1, 1]} : vector<2000x512xf32> to vector<2000x128xf32>
    %get3A_207 = arith.constant 0 : index
    %get3A_208 = arith.constant 0 : index
    %get3A_209 = vector.load %arg19[%get3A_207, %get3A_208] : memref<128x128xf32, #tpu.memory_space<vmem>>, vector<128x128xf32>
    %dot_general3A_210 = arith.constant dense<0.000000e+00> : vector<2000x128xf32>
    %dot_general3A_211 = tpu.matmul %slice3A_206, %get3A_209, %dot_general3A_210 {dimension_numbers = #tpu.dot_dimension_numbers<[1], [0], [0], [1], [0, 0, 1, 1], [], []>, transpose_lhs_hint = false} : vector<2000x128xf32>, vector<128x128xf32>, vector<2000x128xf32> -> vector<2000x128xf32>
    %get3A_212 = arith.constant 0 : index
    %get3A_213 = arith.constant 0 : index
    %get3A_214 = vector.load %arg20[%get3A_212, %get3A_213] : memref<1x128xf32, #tpu.memory_space<vmem>>, vector<1x128xf32>
    %add3A_215 = vector.broadcast %get3A_214 : vector<1x128xf32> to vector<2000x128xf32>
    %add3A_216 = arith.addf %dot_general3A_211, %add3A_215 : vector<2000x128xf32>
    %neg3A_217 = arith.constant 0.000000e+00 : f32
    %neg3A_218 = vector.broadcast %neg3A_217 : f32 to vector<2000x128xf32>
    %neg3A_219 = arith.subf %neg3A_218, %add3A_216 : vector<2000x128xf32>
    %exp3A_220 = math.exp %neg3A_219 : vector<2000x128xf32>
    %add3A_221 = arith.constant 1.000000e+00 : f32
    %add3A_222 = vector.broadcast %add3A_221 : f32 to vector<2000x128xf32>
    %add3A_223 = arith.addf %add3A_222, %exp3A_220 : vector<2000x128xf32>
    %div3A_224 = arith.constant 1.000000e+00 : f32
    %div3A_225 = vector.broadcast %div3A_224 : f32 to vector<2000x128xf32>
    %div3A_226 = arith.divf %div3A_225, %add3A_223 : vector<2000x128xf32>
    %mul3A_227 = arith.mulf %add3A_216, %div3A_226 : vector<2000x128xf32>
    %slice3A_228 = vector.extract_strided_slice %dot_general3A_131 {offsets = [0, 384], sizes = [2000, 128], strides = [1, 1]} : vector<2000x512xf32> to vector<2000x128xf32>
    %mul3A_229 = arith.mulf %mul3A_227, %slice3A_228 : vector<2000x128xf32>
    %add3A_230 = arith.addf %add3A_205, %mul3A_229 : vector<2000x128xf32>
    %get3A_231 = arith.constant 0 : index
    %get3A_232 = arith.constant 0 : index
    %get3A_233 = vector.load %arg3[%get3A_231, %get3A_232] : memref<2000x64xf32, #tpu.memory_space<vmem>>, vector<2000x64xf32>
    %sub3A_234 = arith.subf %get3A_14, %get3A_233 : vector<2000x64xf32>
    %mul3A_235 = arith.mulf %sub3A_234, %sub3A_234 : vector<2000x64xf32>
    %dot_general3A_236 = arith.constant dense<0.000000e+00> : vector<2000x192xf32>
    %dot_general3A_237 = tpu.matmul %mul3A_235, %concatenate3A_11, %dot_general3A_236 {dimension_numbers = #tpu.dot_dimension_numbers<[1], [0], [0], [1], [0, 0, 1, 1], [], []>, transpose_lhs_hint = false} : vector<2000x64xf32>, vector<64x192xf32>, vector<2000x192xf32> -> vector<2000x192xf32>
    %slice3A_238 = vector.extract_strided_slice %dot_general3A_237 {offsets = [0, 0], sizes = [2000, 64], strides = [1, 1]} : vector<2000x192xf32> to vector<2000x64xf32>
    %sqrt3A_239 = math.sqrt %slice3A_238 : vector<2000x64xf32>
    %slice3A_240 = vector.extract_strided_slice %dot_general3A_237 {offsets = [0, 64], sizes = [2000, 128], strides = [1, 1]} : vector<2000x192xf32> to vector<2000x128xf32>
    %neg3A_241 = arith.constant 0.000000e+00 : f32
    %neg3A_242 = vector.broadcast %neg3A_241 : f32 to vector<2000x128xf32>
    %neg3A_243 = arith.subf %neg3A_242, %slice3A_240 : vector<2000x128xf32>
    %exp3A_244 = math.exp %neg3A_243 : vector<2000x128xf32>
    %get3A_245 = arith.constant 0 : index
    %get3A_246 = arith.constant 0 : index
    %get3A_247 = vector.load %arg11[%get3A_245, %get3A_246] : memref<128x64xf32, #tpu.memory_space<vmem>>, vector<128x64xf32>
    %dot_general3A_248 = arith.constant dense<0.000000e+00> : vector<2000x64xf32>
    %dot_general3A_249 = tpu.matmul %exp3A_244, %get3A_247, %dot_general3A_248 {dimension_numbers = #tpu.dot_dimension_numbers<[1], [0], [0], [1], [0, 0, 1, 1], [], []>, transpose_lhs_hint = false} : vector<2000x128xf32>, vector<128x64xf32>, vector<2000x64xf32> -> vector<2000x64xf32>
    %get3A_250 = arith.constant 0 : index
    %get3A_251 = arith.constant 0 : index
    %get3A_252 = vector.load %arg12[%get3A_250, %get3A_251] : memref<1x64xf32, #tpu.memory_space<vmem>>, vector<1x64xf32>
    %add3A_253 = vector.broadcast %get3A_252 : vector<1x64xf32> to vector<2000x64xf32>
    %add3A_254 = arith.addf %dot_general3A_249, %add3A_253 : vector<2000x64xf32>
    %get3A_255 = arith.constant 0 : index
    %get3A_256 = arith.constant 0 : index
    %get3A_257 = vector.load %arg13[%get3A_255, %get3A_256] : memref<64x128xf32, #tpu.memory_space<vmem>>, vector<64x128xf32>
    %dot_general3A_258 = arith.constant dense<0.000000e+00> : vector<2000x128xf32>
    %dot_general3A_259 = tpu.matmul %sub3A_234, %get3A_257, %dot_general3A_258 {dimension_numbers = #tpu.dot_dimension_numbers<[1], [0], [0], [1], [0, 0, 1, 1], [], []>, transpose_lhs_hint = false} : vector<2000x64xf32>, vector<64x128xf32>, vector<2000x128xf32> -> vector<2000x128xf32>
    %get3A_260 = arith.constant 0 : index
    %get3A_261 = arith.constant 0 : index
    %get3A_262 = vector.load %arg14[%get3A_260, %get3A_261] : memref<1x128xf32, #tpu.memory_space<vmem>>, vector<1x128xf32>
    %add3A_263 = vector.broadcast %get3A_262 : vector<1x128xf32> to vector<2000x128xf32>
    %add3A_264 = arith.addf %dot_general3A_259, %add3A_263 : vector<2000x128xf32>
    %neg3A_265 = arith.constant 0.000000e+00 : f32
    %neg3A_266 = vector.broadcast %neg3A_265 : f32 to vector<2000x128xf32>
    %neg3A_267 = arith.subf %neg3A_266, %add3A_264 : vector<2000x128xf32>
    %exp3A_268 = math.exp %neg3A_267 : vector<2000x128xf32>
    %add3A_269 = arith.constant 1.000000e+00 : f32
    %add3A_270 = vector.broadcast %add3A_269 : f32 to vector<2000x128xf32>
    %add3A_271 = arith.addf %add3A_270, %exp3A_268 : vector<2000x128xf32>
    %div3A_272 = arith.constant 1.000000e+00 : f32
    %div3A_273 = vector.broadcast %div3A_272 : f32 to vector<2000x128xf32>
    %div3A_274 = arith.divf %div3A_273, %add3A_271 : vector<2000x128xf32>
    %mul3A_275 = arith.mulf %add3A_264, %div3A_274 : vector<2000x128xf32>
    %get3A_276 = arith.constant 0 : index
    %get3A_277 = arith.constant 0 : index
    %get3A_278 = vector.load %arg15[%get3A_276, %get3A_277] : memref<128x64xf32, #tpu.memory_space<vmem>>, vector<128x64xf32>
    %dot_general3A_279 = arith.constant dense<0.000000e+00> : vector<2000x64xf32>
    %dot_general3A_280 = tpu.matmul %mul3A_275, %get3A_278, %dot_general3A_279 {dimension_numbers = #tpu.dot_dimension_numbers<[1], [0], [0], [1], [0, 0, 1, 1], [], []>, transpose_lhs_hint = false} : vector<2000x128xf32>, vector<128x64xf32>, vector<2000x64xf32> -> vector<2000x64xf32>
    %get3A_281 = arith.constant 0 : index
    %get3A_282 = arith.constant 0 : index
    %get3A_283 = vector.load %arg16[%get3A_281, %get3A_282] : memref<1x64xf32, #tpu.memory_space<vmem>>, vector<1x64xf32>
    %add3A_284 = vector.broadcast %get3A_283 : vector<1x64xf32> to vector<2000x64xf32>
    %add3A_285 = arith.addf %dot_general3A_280, %add3A_284 : vector<2000x64xf32>
    %mul3A_286 = arith.constant 0.333333343 : f32
    %mul3A_287 = vector.broadcast %mul3A_286 : f32 to vector<2000x64xf32>
    %mul3A_288 = arith.mulf %sqrt3A_239, %mul3A_287 : vector<2000x64xf32>
    %mul3A_289 = arith.constant 0.111111112 : f32
    %mul3A_290 = vector.broadcast %mul3A_289 : f32 to vector<2000x64xf32>
    %mul3A_291 = arith.mulf %slice3A_238, %mul3A_290 : vector<2000x64xf32>
    %mul3A_292 = arith.mulf %mul3A_291, %mul3A_291 : vector<2000x64xf32>
    %lt3A_293 = arith.constant 1.000000e+00 : f32
    %lt3A_294 = vector.broadcast %lt3A_293 : f32 to vector<2000x64xf32>
    %lt3A_295 = arith.cmpf olt, %mul3A_291, %lt3A_294 : vector<2000x64xf32>
    %mul3A_296 = arith.constant 2.400000e+01 : f32
    %mul3A_297 = vector.broadcast %mul3A_296 : f32 to vector<2000x64xf32>
    %mul3A_298 = arith.mulf %mul3A_297, %mul3A_288 : vector<2000x64xf32>
    %mul3A_299 = arith.constant 1.000000e+01 : f32
    %mul3A_300 = vector.broadcast %mul3A_299 : f32 to vector<2000x64xf32>
    %mul3A_301 = arith.mulf %mul3A_300, %mul3A_291 : vector<2000x64xf32>
    %add3A_302 = arith.constant 1.500000e+01 : f32
    %add3A_303 = vector.broadcast %add3A_302 : f32 to vector<2000x64xf32>
    %add3A_304 = arith.addf %add3A_303, %mul3A_301 : vector<2000x64xf32>
    %sub3A_305 = arith.subf %mul3A_298, %add3A_304 : vector<2000x64xf32>
    %mul3A_306 = arith.mulf %mul3A_292, %sub3A_305 : vector<2000x64xf32>
    %add3A_307 = arith.constant 1.000000e+00 : f32
    %add3A_308 = vector.broadcast %add3A_307 : f32 to vector<2000x64xf32>
    %add3A_309 = arith.addf %add3A_308, %mul3A_306 : vector<2000x64xf32>
    %jit3A_310 = arith.constant 0.000000e+00 : f32
    %broadcast_in_dim3A_311 = vector.broadcast %jit3A_310 : f32 to vector<2000x64xf32>
    %select_n3A_312 = arith.select %lt3A_295, %add3A_309, %broadcast_in_dim3A_311 : vector<2000x64xi1>, vector<2000x64xf32>
    %get3A_313 = arith.constant 0 : index
    %get3A_314 = arith.constant 0 : index
    %get3A_315 = vector.load %arg5[%get3A_313, %get3A_314] : memref<2000x8xf32, #tpu.memory_space<vmem>>, vector<2000x8xf32>
    %get3A_316 = arith.constant 0 : index
    %get3A_317 = arith.constant 0 : index
    %get3A_318 = vector.load %arg6[%get3A_316, %get3A_317] : memref<8x64xf32, #tpu.memory_space<vmem>>, vector<8x64xf32>
    %dot_general3A_319 = arith.constant dense<0.000000e+00> : vector<2000x64xf32>
    %dot_general3A_320 = tpu.matmul %get3A_315, %get3A_318, %dot_general3A_319 {dimension_numbers = #tpu.dot_dimension_numbers<[1], [0], [0], [1], [0, 0, 1, 1], [], []>, transpose_lhs_hint = false} : vector<2000x8xf32>, vector<8x64xf32>, vector<2000x64xf32> -> vector<2000x64xf32>
    %mul3A_321 = arith.mulf %add3A_254, %add3A_285 : vector<2000x64xf32>
    %mul3A_322 = arith.mulf %mul3A_321, %select_n3A_312 : vector<2000x64xf32>
    %mul3A_323 = arith.mulf %mul3A_322, %dot_general3A_320 : vector<2000x64xf32>
    %swap3A_324 = arith.constant 0 : index
    %swap3A_325 = arith.constant 0 : index
    %swap3A_326 = vector.load %arg29[%swap3A_324, %swap3A_325] : memref<2000x64xf32, #tpu.memory_space<vmem>>, vector<2000x64xf32>
    tpu.vector_store %arg29[%swap3A_324, %swap3A_325], %mul3A_323 {strides = array<i32>} : memref<2000x64xf32, #tpu.memory_space<vmem>>, vector<2000x64xf32>,
    %get3A_327 = arith.constant 0 : index
    %get3A_328 = arith.constant 0 : index
    %get3A_329 = vector.load %arg10[%get3A_327, %get3A_328] : memref<1x64xf32, #tpu.memory_space<vmem>>, vector<1x64xf32>
    %mul3A_330 = vector.broadcast %get3A_329 : vector<1x64xf32> to vector<2000x64xf32>
    %mul3A_331 = arith.mulf %sqrt3A_239, %mul3A_330 : vector<2000x64xf32>
    %add3A_332 = arith.addf %sub3A_234, %mul3A_331 : vector<2000x64xf32>
    %get3A_333 = arith.constant 0 : index
    %get3A_334 = arith.constant 0 : index
    %get3A_335 = vector.load %arg17[%get3A_333, %get3A_334] : memref<64x512xf32, #tpu.memory_space<vmem>>, vector<64x512xf32>
    %dot_general3A_336 = arith.constant dense<0.000000e+00> : vector<2000x512xf32>
    %dot_general3A_337 = tpu.matmul %add3A_332, %get3A_335, %dot_general3A_336 {dimension_numbers = #tpu.dot_dimension_numbers<[1], [0], [0], [1], [0, 0, 1, 1], [], []>, transpose_lhs_hint = false} : vector<2000x64xf32>, vector<64x512xf32>, vector<2000x512xf32> -> vector<2000x512xf32>
    %get3A_338 = arith.constant 0 : index
    %get3A_339 = arith.constant 0 : index
    %get3A_340 = vector.load %arg18[%get3A_338, %get3A_339] : memref<1x512xf32, #tpu.memory_space<vmem>>, vector<1x512xf32>
    %add3A_341 = vector.broadcast %get3A_340 : vector<1x512xf32> to vector<2000x512xf32>
    %add3A_342 = arith.addf %dot_general3A_337, %add3A_341 : vector<2000x512xf32>
    %neg3A_343 = arith.constant 0.000000e+00 : f32
    %neg3A_344 = vector.broadcast %neg3A_343 : f32 to vector<2000x512xf32>
    %neg3A_345 = arith.subf %neg3A_344, %add3A_342 : vector<2000x512xf32>
    %exp3A_346 = math.exp %neg3A_345 : vector<2000x512xf32>
    %add3A_347 = arith.constant 1.000000e+00 : f32
    %add3A_348 = vector.broadcast %add3A_347 : f32 to vector<2000x512xf32>
    %add3A_349 = arith.addf %add3A_348, %exp3A_346 : vector<2000x512xf32>
    %div3A_350 = arith.constant 1.000000e+00 : f32
    %div3A_351 = vector.broadcast %div3A_350 : f32 to vector<2000x512xf32>
    %div3A_352 = arith.divf %div3A_351, %add3A_349 : vector<2000x512xf32>
    %mul3A_353 = arith.mulf %add3A_342, %div3A_352 : vector<2000x512xf32>
    %get3A_354 = arith.constant 0 : index
    %get3A_355 = arith.constant 0 : index
    %get3A_356 = vector.load %arg21[%get3A_354, %get3A_355] : memref<64x512xf32, #tpu.memory_space<vmem>>, vector<64x512xf32>
    %dot_general3A_357 = arith.constant dense<0.000000e+00> : vector<2000x512xf32>
    %dot_general3A_358 = tpu.matmul %mul3A_323, %get3A_356, %dot_general3A_357 {dimension_numbers = #tpu.dot_dimension_numbers<[1], [0], [0], [1], [0, 0, 1, 1], [], []>, transpose_lhs_hint = false} : vector<2000x64xf32>, vector<64x512xf32>, vector<2000x512xf32> -> vector<2000x512xf32>
    %slice3A_359 = vector.extract_strided_slice %mul3A_353 {offsets = [0, 0], sizes = [2000, 128], strides = [1, 1]} : vector<2000x512xf32> to vector<2000x128xf32>
    %get3A_360 = arith.constant 0 : index
    %get3A_361 = arith.constant 0 : index
    %get3A_362 = vector.load %arg19[%get3A_360, %get3A_361] : memref<128x128xf32, #tpu.memory_space<vmem>>, vector<128x128xf32>
    %dot_general3A_363 = arith.constant dense<0.000000e+00> : vector<2000x128xf32>
    %dot_general3A_364 = tpu.matmul %slice3A_359, %get3A_362, %dot_general3A_363 {dimension_numbers = #tpu.dot_dimension_numbers<[1], [0], [0], [1], [0, 0, 1, 1], [], []>, transpose_lhs_hint = false} : vector<2000x128xf32>, vector<128x128xf32>, vector<2000x128xf32> -> vector<2000x128xf32>
    %get3A_365 = arith.constant 0 : index
    %get3A_366 = arith.constant 0 : index
    %get3A_367 = vector.load %arg20[%get3A_365, %get3A_366] : memref<1x128xf32, #tpu.memory_space<vmem>>, vector<1x128xf32>
    %add3A_368 = vector.broadcast %get3A_367 : vector<1x128xf32> to vector<2000x128xf32>
    %add3A_369 = arith.addf %dot_general3A_364, %add3A_368 : vector<2000x128xf32>
    %neg3A_370 = arith.constant 0.000000e+00 : f32
    %neg3A_371 = vector.broadcast %neg3A_370 : f32 to vector<2000x128xf32>
    %neg3A_372 = arith.subf %neg3A_371, %add3A_369 : vector<2000x128xf32>
    %exp3A_373 = math.exp %neg3A_372 : vector<2000x128xf32>
    %add3A_374 = arith.constant 1.000000e+00 : f32
    %add3A_375 = vector.broadcast %add3A_374 : f32 to vector<2000x128xf32>
    %add3A_376 = arith.addf %add3A_375, %exp3A_373 : vector<2000x128xf32>
    %div3A_377 = arith.constant 1.000000e+00 : f32
    %div3A_378 = vector.broadcast %div3A_377 : f32 to vector<2000x128xf32>
    %div3A_379 = arith.divf %div3A_378, %add3A_376 : vector<2000x128xf32>
    %mul3A_380 = arith.mulf %add3A_369, %div3A_379 : vector<2000x128xf32>
    %slice3A_381 = vector.extract_strided_slice %dot_general3A_358 {offsets = [0, 0], sizes = [2000, 128], strides = [1, 1]} : vector<2000x512xf32> to vector<2000x128xf32>
    %mul3A_382 = arith.mulf %mul3A_380, %slice3A_381 : vector<2000x128xf32>
    %slice3A_383 = vector.extract_strided_slice %mul3A_353 {offsets = [0, 128], sizes = [2000, 128], strides = [1, 1]} : vector<2000x512xf32> to vector<2000x128xf32>
    %get3A_384 = arith.constant 0 : index
    %get3A_385 = arith.constant 0 : index
    %get3A_386 = vector.load %arg19[%get3A_384, %get3A_385] : memref<128x128xf32, #tpu.memory_space<vmem>>, vector<128x128xf32>
    %dot_general3A_387 = arith.constant dense<0.000000e+00> : vector<2000x128xf32>
    %dot_general3A_388 = tpu.matmul %slice3A_383, %get3A_386, %dot_general3A_387 {dimension_numbers = #tpu.dot_dimension_numbers<[1], [0], [0], [1], [0, 0, 1, 1], [], []>, transpose_lhs_hint = false} : vector<2000x128xf32>, vector<128x128xf32>, vector<2000x128xf32> -> vector<2000x128xf32>
    %get3A_389 = arith.constant 0 : index
    %get3A_390 = arith.constant 0 : index
    %get3A_391 = vector.load %arg20[%get3A_389, %get3A_390] : memref<1x128xf32, #tpu.memory_space<vmem>>, vector<1x128xf32>
    %add3A_392 = vector.broadcast %get3A_391 : vector<1x128xf32> to vector<2000x128xf32>
    %add3A_393 = arith.addf %dot_general3A_388, %add3A_392 : vector<2000x128xf32>
    %neg3A_394 = arith.constant 0.000000e+00 : f32
    %neg3A_395 = vector.broadcast %neg3A_394 : f32 to vector<2000x128xf32>
    %neg3A_396 = arith.subf %neg3A_395, %add3A_393 : vector<2000x128xf32>
    %exp3A_397 = math.exp %neg3A_396 : vector<2000x128xf32>
    %add3A_398 = arith.constant 1.000000e+00 : f32
    %add3A_399 = vector.broadcast %add3A_398 : f32 to vector<2000x128xf32>
    %add3A_400 = arith.addf %add3A_399, %exp3A_397 : vector<2000x128xf32>
    %div3A_401 = arith.constant 1.000000e+00 : f32
    %div3A_402 = vector.broadcast %div3A_401 : f32 to vector<2000x128xf32>
    %div3A_403 = arith.divf %div3A_402, %add3A_400 : vector<2000x128xf32>
    %mul3A_404 = arith.mulf %add3A_393, %div3A_403 : vector<2000x128xf32>
    %slice3A_405 = vector.extract_strided_slice %dot_general3A_358 {offsets = [0, 128], sizes = [2000, 128], strides = [1, 1]} : vector<2000x512xf32> to vector<2000x128xf32>
    %mul3A_406 = arith.mulf %mul3A_404, %slice3A_405 : vector<2000x128xf32>
    %add3A_407 = arith.addf %mul3A_382, %mul3A_406 : vector<2000x128xf32>
    %slice3A_408 = vector.extract_strided_slice %mul3A_353 {offsets = [0, 256], sizes = [2000, 128], strides = [1, 1]} : vector<2000x512xf32> to vector<2000x128xf32>
    %get3A_409 = arith.constant 0 : index
    %get3A_410 = arith.constant 0 : index
    %get3A_411 = vector.load %arg19[%get3A_409, %get3A_410] : memref<128x128xf32, #tpu.memory_space<vmem>>, vector<128x128xf32>
    %dot_general3A_412 = arith.constant dense<0.000000e+00> : vector<2000x128xf32>
    %dot_general3A_413 = tpu.matmul %slice3A_408, %get3A_411, %dot_general3A_412 {dimension_numbers = #tpu.dot_dimension_numbers<[1], [0], [0], [1], [0, 0, 1, 1], [], []>, transpose_lhs_hint = false} : vector<2000x128xf32>, vector<128x128xf32>, vector<2000x128xf32> -> vector<2000x128xf32>
    %get3A_414 = arith.constant 0 : index
    %get3A_415 = arith.constant 0 : index
    %get3A_416 = vector.load %arg20[%get3A_414, %get3A_415] : memref<1x128xf32, #tpu.memory_space<vmem>>, vector<1x128xf32>
    %add3A_417 = vector.broadcast %get3A_416 : vector<1x128xf32> to vector<2000x128xf32>
    %add3A_418 = arith.addf %dot_general3A_413, %add3A_417 : vector<2000x128xf32>
    %neg3A_419 = arith.constant 0.000000e+00 : f32
    %neg3A_420 = vector.broadcast %neg3A_419 : f32 to vector<2000x128xf32>
    %neg3A_421 = arith.subf %neg3A_420, %add3A_418 : vector<2000x128xf32>
    %exp3A_422 = math.exp %neg3A_421 : vector<2000x128xf32>
    %add3A_423 = arith.constant 1.000000e+00 : f32
    %add3A_424 = vector.broadcast %add3A_423 : f32 to vector<2000x128xf32>
    %add3A_425 = arith.addf %add3A_424, %exp3A_422 : vector<2000x128xf32>
    %div3A_426 = arith.constant 1.000000e+00 : f32
    %div3A_427 = vector.broadcast %div3A_426 : f32 to vector<2000x128xf32>
    %div3A_428 = arith.divf %div3A_427, %add3A_425 : vector<2000x128xf32>
    %mul3A_429 = arith.mulf %add3A_418, %div3A_428 : vector<2000x128xf32>
    %slice3A_430 = vector.extract_strided_slice %dot_general3A_358 {offsets = [0, 256], sizes = [2000, 128], strides = [1, 1]} : vector<2000x512xf32> to vector<2000x128xf32>
    %mul3A_431 = arith.mulf %mul3A_429, %slice3A_430 : vector<2000x128xf32>
    %add3A_432 = arith.addf %add3A_407, %mul3A_431 : vector<2000x128xf32>
    %slice3A_433 = vector.extract_strided_slice %mul3A_353 {offsets = [0, 384], sizes = [2000, 128], strides = [1, 1]} : vector<2000x512xf32> to vector<2000x128xf32>
    %get3A_434 = arith.constant 0 : index
    %get3A_435 = arith.constant 0 : index
    %get3A_436 = vector.load %arg19[%get3A_434, %get3A_435] : memref<128x128xf32, #tpu.memory_space<vmem>>, vector<128x128xf32>
    %dot_general3A_437 = arith.constant dense<0.000000e+00> : vector<2000x128xf32>
    %dot_general3A_438 = tpu.matmul %slice3A_433, %get3A_436, %dot_general3A_437 {dimension_numbers = #tpu.dot_dimension_numbers<[1], [0], [0], [1], [0, 0, 1, 1], [], []>, transpose_lhs_hint = false} : vector<2000x128xf32>, vector<128x128xf32>, vector<2000x128xf32> -> vector<2000x128xf32>
    %get3A_439 = arith.constant 0 : index
    %get3A_440 = arith.constant 0 : index
    %get3A_441 = vector.load %arg20[%get3A_439, %get3A_440] : memref<1x128xf32, #tpu.memory_space<vmem>>, vector<1x128xf32>
    %add3A_442 = vector.broadcast %get3A_441 : vector<1x128xf32> to vector<2000x128xf32>
    %add3A_443 = arith.addf %dot_general3A_438, %add3A_442 : vector<2000x128xf32>
    %neg3A_444 = arith.constant 0.000000e+00 : f32
    %neg3A_445 = vector.broadcast %neg3A_444 : f32 to vector<2000x128xf32>
    %neg3A_446 = arith.subf %neg3A_445, %add3A_443 : vector<2000x128xf32>
    %exp3A_447 = math.exp %neg3A_446 : vector<2000x128xf32>
    %add3A_448 = arith.constant 1.000000e+00 : f32
    %add3A_449 = vector.broadcast %add3A_448 : f32 to vector<2000x128xf32>
    %add3A_450 = arith.addf %add3A_449, %exp3A_447 : vector<2000x128xf32>
    %div3A_451 = arith.constant 1.000000e+00 : f32
    %div3A_452 = vector.broadcast %div3A_451 : f32 to vector<2000x128xf32>
    %div3A_453 = arith.divf %div3A_452, %add3A_450 : vector<2000x128xf32>
    %mul3A_454 = arith.mulf %add3A_443, %div3A_453 : vector<2000x128xf32>
    %slice3A_455 = vector.extract_strided_slice %dot_general3A_358 {offsets = [0, 384], sizes = [2000, 128], strides = [1, 1]} : vector<2000x512xf32> to vector<2000x128xf32>
    %mul3A_456 = arith.mulf %mul3A_454, %slice3A_455 : vector<2000x128xf32>
    %add3A_457 = arith.addf %add3A_432, %mul3A_456 : vector<2000x128xf32>
    %add3A_458 = arith.addf %add3A_230, %add3A_457 : vector<2000x128xf32>
    %slice3A_459 = vector.extract_strided_slice %add3A_458 {offsets = [0, 0], sizes = [2000, 64], strides = [1, 1]} : vector<2000x128xf32> to vector<2000x64xf32>
    %slice3A_460 = vector.extract_strided_slice %add3A_458 {offsets = [0, 64], sizes = [2000, 64], strides = [1, 1]} : vector<2000x128xf32> to vector<2000x64xf32>
    %add3A_461 = arith.addf %slice3A_459, %slice3A_460 : vector<2000x64xf32>
    %get3A_462 = arith.constant 0 : index
    %get3A_463 = arith.constant 0 : index
    %get3A_464 = vector.load %arg22[%get3A_462, %get3A_463] : memref<64x128xf32, #tpu.memory_space<vmem>>, vector<64x128xf32>
    %dot_general3A_465 = arith.constant dense<0.000000e+00> : vector<2000x128xf32>
    %dot_general3A_466 = tpu.matmul %add3A_461, %get3A_464, %dot_general3A_465 {dimension_numbers = #tpu.dot_dimension_numbers<[1], [0], [0], [1], [0, 0, 1, 1], [], []>, transpose_lhs_hint = false} : vector<2000x64xf32>, vector<64x128xf32>, vector<2000x128xf32> -> vector<2000x128xf32>
    %get3A_467 = arith.constant 0 : index
    %get3A_468 = arith.constant 0 : index
    %get3A_469 = vector.load %arg23[%get3A_467, %get3A_468] : memref<1x128xf32, #tpu.memory_space<vmem>>, vector<1x128xf32>
    %add3A_470 = vector.broadcast %get3A_469 : vector<1x128xf32> to vector<2000x128xf32>
    %add3A_471 = arith.addf %dot_general3A_466, %add3A_470 : vector<2000x128xf32>
    %slice3A_472 = vector.extract_strided_slice %add3A_471 {offsets = [0, 0], sizes = [2000, 64], strides = [1, 1]} : vector<2000x128xf32> to vector<2000x64xf32>
    %neg3A_473 = arith.constant 0.000000e+00 : f32
    %neg3A_474 = vector.broadcast %neg3A_473 : f32 to vector<2000x64xf32>
    %neg3A_475 = arith.subf %neg3A_474, %slice3A_472 : vector<2000x64xf32>
    %exp3A_476 = math.exp %neg3A_475 : vector<2000x64xf32>
    %add3A_477 = arith.constant 1.000000e+00 : f32
    %add3A_478 = vector.broadcast %add3A_477 : f32 to vector<2000x64xf32>
    %add3A_479 = arith.addf %add3A_478, %exp3A_476 : vector<2000x64xf32>
    %div3A_480 = arith.constant 1.000000e+00 : f32
    %div3A_481 = vector.broadcast %div3A_480 : f32 to vector<2000x64xf32>
    %div3A_482 = arith.divf %div3A_481, %add3A_479 : vector<2000x64xf32>
    %mul3A_483 = arith.mulf %slice3A_472, %div3A_482 : vector<2000x64xf32>
    %slice3A_484 = vector.extract_strided_slice %add3A_471 {offsets = [0, 64], sizes = [2000, 64], strides = [1, 1]} : vector<2000x128xf32> to vector<2000x64xf32>
    %swap3A_485 = arith.constant 0 : index
    %swap3A_486 = arith.constant 0 : index
    %swap3A_487 = vector.load %arg30[%swap3A_485, %swap3A_486] : memref<2000x64xf32, #tpu.memory_space<vmem>>, vector<2000x64xf32>
    tpu.vector_store %arg30[%swap3A_485, %swap3A_486], %slice3A_484 {strides = array<i32>} : memref<2000x64xf32, #tpu.memory_space<vmem>>, vector<2000x64xf32>,
    %get3A_488 = arith.constant 0 : index
    %get3A_489 = arith.constant 0 : index
    %get3A_490 = vector.load %arg24[%get3A_488, %get3A_489] : memref<64x64xf32, #tpu.memory_space<vmem>>, vector<64x64xf32>
    %dot_general3A_491 = arith.constant dense<0.000000e+00> : vector<2000x64xf32>
    %dot_general3A_492 = tpu.matmul %mul3A_483, %get3A_490, %dot_general3A_491 {dimension_numbers = #tpu.dot_dimension_numbers<[1], [0], [0], [1], [0, 0, 1, 1], [], []>, transpose_lhs_hint = false} : vector<2000x64xf32>, vector<64x64xf32>, vector<2000x64xf32> -> vector<2000x64xf32>
    %get3A_493 = arith.constant 0 : index
    %get3A_494 = arith.constant 0 : index
    %get3A_495 = vector.load %arg25[%get3A_493, %get3A_494] : memref<1x64xf32, #tpu.memory_space<vmem>>, vector<1x64xf32>
    %add3A_496 = vector.broadcast %get3A_495 : vector<1x64xf32> to vector<2000x64xf32>
    %add3A_497 = arith.addf %dot_general3A_492, %add3A_496 : vector<2000x64xf32>
    %neg3A_498 = arith.constant 0.000000e+00 : f32
    %neg3A_499 = vector.broadcast %neg3A_498 : f32 to vector<2000x64xf32>
    %neg3A_500 = arith.subf %neg3A_499, %add3A_497 : vector<2000x64xf32>
    %exp3A_501 = math.exp %neg3A_500 : vector<2000x64xf32>
    %add3A_502 = arith.constant 1.000000e+00 : f32
    %add3A_503 = vector.broadcast %add3A_502 : f32 to vector<2000x64xf32>
    %add3A_504 = arith.addf %add3A_503, %exp3A_501 : vector<2000x64xf32>
    %div3A_505 = arith.constant 1.000000e+00 : f32
    %div3A_506 = vector.broadcast %div3A_505 : f32 to vector<2000x64xf32>
    %div3A_507 = arith.divf %div3A_506, %add3A_504 : vector<2000x64xf32>
    %mul3A_508 = arith.mulf %add3A_497, %div3A_507 : vector<2000x64xf32>
    %get3A_509 = arith.constant 0 : index
    %get3A_510 = arith.constant 0 : index
    %get3A_511 = vector.load %arg26[%get3A_509, %get3A_510] : memref<64x64xf32, #tpu.memory_space<vmem>>, vector<64x64xf32>
    %dot_general3A_512 = arith.constant dense<0.000000e+00> : vector<2000x64xf32>
    %dot_general3A_513 = tpu.matmul %mul3A_508, %get3A_511, %dot_general3A_512 {dimension_numbers = #tpu.dot_dimension_numbers<[1], [0], [0], [1], [0, 0, 1, 1], [], []>, transpose_lhs_hint = false} : vector<2000x64xf32>, vector<64x64xf32>, vector<2000x64xf32> -> vector<2000x64xf32>
    %get3A_514 = arith.constant 0 : index
    %get3A_515 = arith.constant 0 : index
    %get3A_516 = vector.load %arg27[%get3A_514, %get3A_515] : memref<1x64xf32, #tpu.memory_space<vmem>>, vector<1x64xf32>
    %add3A_517 = vector.broadcast %get3A_516 : vector<1x64xf32> to vector<2000x64xf32>
    %add3A_518 = arith.addf %dot_general3A_513, %add3A_517 : vector<2000x64xf32>
    %swap3A_519 = arith.constant 0 : index
    %swap3A_520 = arith.constant 0 : index
    %swap3A_521 = vector.load %arg31[%swap3A_519, %swap3A_520] : memref<2000x64xf32, #tpu.memory_space<vmem>>, vector<2000x64xf32>
    tpu.vector_store %arg31[%swap3A_519, %swap3A_520], %add3A_518 {strides = array<i32>} : memref<2000x64xf32, #tpu.memory_space<vmem>>, vector<2000x64xf32>,
    return
  }
  func.func @transform_0(%arg0: i32) -> (i32, i32) {
    %c0_i32 = arith.constant 0 : i32
    %c0_i32_0 = arith.constant 0 : i32
    return %arg0, %c0_i32 : i32, i32
  }
  func.func @transform_1(%arg0: i32) -> (i32, i32) {
    %c0_i32 = arith.constant 0 : i32
    %c0_i32_0 = arith.constant 0 : i32
    return %arg0, %c0_i32 : i32, i32
  }
  func.func @transform_2(%arg0: i32) -> (i32, i32) {
    %add3A = arith.constant 25 : i32
    %add3A_0 = arith.addi %arg0, %add3A : i32
    %c0_i32 = arith.constant 0 : i32
    %c0_i32_1 = arith.constant 0 : i32
    return %add3A_0, %c0_i32 : i32, i32
  }
  func.func @transform_3(%arg0: i32) -> (i32, i32) {
    %c0_i32 = arith.constant 0 : i32
    %c0_i32_0 = arith.constant 0 : i32
    return %arg0, %c0_i32 : i32, i32
  }
  func.func @transform_4(%arg0: i32) -> (i32, i32) {
    %add3A = arith.constant 25 : i32
    %add3A_0 = arith.addi %arg0, %add3A : i32
    %c0_i32 = arith.constant 0 : i32
    %c0_i32_1 = arith.constant 0 : i32
    return %add3A_0, %c0_i32 : i32, i32
  }
  func.func @transform_5(%arg0: i32) -> (i32, i32) {
    %c0_i32 = arith.constant 0 : i32
    %c0_i32_0 = arith.constant 0 : i32
    %c0_i32_1 = arith.constant 0 : i32
    return %c0_i32, %c0_i32_0 : i32, i32
  }
  func.func @transform_6(%arg0: i32) -> (i32, i32) {
    %c0_i32 = arith.constant 0 : i32
    %c0_i32_0 = arith.constant 0 : i32
    %c0_i32_1 = arith.constant 0 : i32
    return %c0_i32, %c0_i32_0 : i32, i32
  }
  func.func @transform_7(%arg0: i32) -> (i32, i32) {
    %c0_i32 = arith.constant 0 : i32
    %c0_i32_0 = arith.constant 0 : i32
    %c0_i32_1 = arith.constant 0 : i32
    return %c0_i32, %c0_i32_0 : i32, i32
  }
  func.func @transform_8(%arg0: i32) -> (i32, i32) {
    %c0_i32 = arith.constant 0 : i32
    %c0_i32_0 = arith.constant 0 : i32
    %c0_i32_1 = arith.constant 0 : i32
    return %c0_i32, %c0_i32_0 : i32, i32
  }
  func.func @transform_9(%arg0: i32) -> (i32, i32) {
    %c0_i32 = arith.constant 0 : i32
    %c0_i32_0 = arith.constant 0 : i32
    %c0_i32_1 = arith.constant 0 : i32
    return %c0_i32, %c0_i32_0 : i32, i32
  }
  func.func @transform_10(%arg0: i32) -> (i32, i32) {
    %c0_i32 = arith.constant 0 : i32
    %c0_i32_0 = arith.constant 0 : i32
    %c0_i32_1 = arith.constant 0 : i32
    return %c0_i32, %c0_i32_0 : i32, i32
  }
  func.func @transform_11(%arg0: i32) -> (i32, i32) {
    %c0_i32 = arith.constant 0 : i32
    %c0_i32_0 = arith.constant 0 : i32
    %c0_i32_1 = arith.constant 0 : i32
    return %c0_i32, %c0_i32_0 : i32, i32
  }
  func.func @transform_12(%arg0: i32) -> (i32, i32) {
    %c0_i32 = arith.constant 0 : i32
    %c0_i32_0 = arith.constant 0 : i32
    %c0_i32_1 = arith.constant 0 : i32
    return %c0_i32, %c0_i32_0 : i32, i32
  }
  func.func @transform_13(%arg0: i32) -> (i32, i32) {
    %c0_i32 = arith.constant 0 : i32
    %c0_i32_0 = arith.constant 0 : i32
    %c0_i32_1 = arith.constant 0 : i32
    return %c0_i32, %c0_i32_0 : i32, i32
  }
  func.func @transform_14(%arg0: i32) -> (i32, i32) {
    %c0_i32 = arith.constant 0 : i32
    %c0_i32_0 = arith.constant 0 : i32
    %c0_i32_1 = arith.constant 0 : i32
    return %c0_i32, %c0_i32_0 : i32, i32
  }
  func.func @transform_15(%arg0: i32) -> (i32, i32) {
    %c0_i32 = arith.constant 0 : i32
    %c0_i32_0 = arith.constant 0 : i32
    %c0_i32_1 = arith.constant 0 : i32
    return %c0_i32, %c0_i32_0 : i32, i32
  }
  func.func @transform_16(%arg0: i32) -> (i32, i32) {
    %c0_i32 = arith.constant 0 : i32
    %c0_i32_0 = arith.constant 0 : i32
    %c0_i32_1 = arith.constant 0 : i32
    return %c0_i32, %c0_i32_0 : i32, i32
  }
  func.func @transform_17(%arg0: i32) -> (i32, i32) {
    %c0_i32 = arith.constant 0 : i32
    %c0_i32_0 = arith.constant 0 : i32
    %c0_i32_1 = arith.constant 0 : i32
    return %c0_i32, %c0_i32_0 : i32, i32
  }
  func.func @transform_18(%arg0: i32) -> (i32, i32) {
    %c0_i32 = arith.constant 0 : i32
    %c0_i32_0 = arith.constant 0 : i32
    %c0_i32_1 = arith.constant 0 : i32
    return %c0_i32, %c0_i32_0 : i32, i32
  }
  func.func @transform_19(%arg0: i32) -> (i32, i32) {
    %c0_i32 = arith.constant 0 : i32
    %c0_i32_0 = arith.constant 0 : i32
    %c0_i32_1 = arith.constant 0 : i32
    return %c0_i32, %c0_i32_0 : i32, i32
  }
  func.func @transform_20(%arg0: i32) -> (i32, i32) {
    %c0_i32 = arith.constant 0 : i32
    %c0_i32_0 = arith.constant 0 : i32
    %c0_i32_1 = arith.constant 0 : i32
    return %c0_i32, %c0_i32_0 : i32, i32
  }
  func.func @transform_21(%arg0: i32) -> (i32, i32) {
    %c0_i32 = arith.constant 0 : i32
    %c0_i32_0 = arith.constant 0 : i32
    %c0_i32_1 = arith.constant 0 : i32
    return %c0_i32, %c0_i32_0 : i32, i32
  }
  func.func @transform_22(%arg0: i32) -> (i32, i32) {
    %c0_i32 = arith.constant 0 : i32
    %c0_i32_0 = arith.constant 0 : i32
    %c0_i32_1 = arith.constant 0 : i32
    return %c0_i32, %c0_i32_0 : i32, i32
  }
  func.func @transform_23(%arg0: i32) -> (i32, i32) {
    %c0_i32 = arith.constant 0 : i32
    %c0_i32_0 = arith.constant 0 : i32
    %c0_i32_1 = arith.constant 0 : i32
    return %c0_i32, %c0_i32_0 : i32, i32
  }
  func.func @transform_24(%arg0: i32) -> (i32, i32) {
    %c0_i32 = arith.constant 0 : i32
    %c0_i32_0 = arith.constant 0 : i32
    %c0_i32_1 = arith.constant 0 : i32
    return %c0_i32, %c0_i32_0 : i32, i32
  }
  func.func @transform_25(%arg0: i32) -> (i32, i32) {
    %c0_i32 = arith.constant 0 : i32
    %c0_i32_0 = arith.constant 0 : i32
    %c0_i32_1 = arith.constant 0 : i32
    return %c0_i32, %c0_i32_0 : i32, i32
  }
  func.func @transform_26(%arg0: i32) -> (i32, i32) {
    %c0_i32 = arith.constant 0 : i32
    %c0_i32_0 = arith.constant 0 : i32
    %c0_i32_1 = arith.constant 0 : i32
    return %c0_i32, %c0_i32_0 : i32, i32
  }
  func.func @transform_27(%arg0: i32) -> (i32, i32) {
    %c0_i32 = arith.constant 0 : i32
    %c0_i32_0 = arith.constant 0 : i32
    return %arg0, %c0_i32 : i32, i32
  }
  func.func @transform_28(%arg0: i32) -> (i32, i32) {
    %c0_i32 = arith.constant 0 : i32
    %c0_i32_0 = arith.constant 0 : i32
    return %arg0, %c0_i32 : i32, i32
  }
  func.func @transform_29(%arg0: i32) -> (i32, i32) {
    %c0_i32 = arith.constant 0 : i32
    %c0_i32_0 = arith.constant 0 : i32
    return %arg0, %c0_i32 : i32, i32
  }
  func.func @transform_30(%arg0: i32) -> (i32, i32) {
    %c0_i32 = arith.constant 0 : i32
    %c0_i32_0 = arith.constant 0 : i32
    return %arg0, %c0_i32 : i32, i32
  }
}

module attributes {stable_mosaic.version = 14 : i64} {
  func.func @_t2_body(%arg0: i32, %arg1: memref<2000x64xf32, #tpu.memory_space<vmem>>, %arg2: memref<2000x64xf32, #tpu.memory_space<vmem>>, %arg3: memref<2000x512xf32, #tpu.memory_space<vmem>>, %arg4: memref<2000x512xf32, #tpu.memory_space<vmem>>, %arg5: memref<2000x64xf32, #tpu.memory_space<vmem>>, %arg6: memref<2000x8xf32, #tpu.memory_space<vmem>>, %arg7: memref<64x512xf32, #tpu.memory_space<vmem>>, %arg8: memref<8x32xf32, #tpu.memory_space<vmem>>, %arg9: memref<1x32xf32, #tpu.memory_space<vmem>>, %arg10: memref<64x32xf32, #tpu.memory_space<vmem>>, %arg11: memref<1x32xf32, #tpu.memory_space<vmem>>, %arg12: memref<2000x32xf32, #tpu.memory_space<vmem>>) attributes {dimension_semantics = [#tpu.dimension_semantics<parallel>], iteration_bounds = array<i64: 25>, scalar_prefetch = 0 : i64, scratch_operands = 0 : i64, tpu.core_type = #tpu.core_type<tc>, window_params = [{transform_indices = @transform_0, window_bounds = array<i64: 2000, 64>}, {transform_indices = @transform_1, window_bounds = array<i64: 2000, 64>}, {transform_indices = @transform_2, window_bounds = array<i64: 2000, 512>}, {transform_indices = @transform_3, window_bounds = array<i64: 2000, 512>}, {transform_indices = @transform_4, window_bounds = array<i64: 2000, 64>}, {transform_indices = @transform_5, window_bounds = array<i64: 2000, 8>}, {pipeline_mode = #tpu.pipeline_mode<synchronous>, transform_indices = @transform_6, window_bounds = array<i64: 64, 512>}, {pipeline_mode = #tpu.pipeline_mode<synchronous>, transform_indices = @transform_7, window_bounds = array<i64: 8, 32>}, {pipeline_mode = #tpu.pipeline_mode<synchronous>, transform_indices = @transform_8, window_bounds = array<i64: 1, 32>}, {pipeline_mode = #tpu.pipeline_mode<synchronous>, transform_indices = @transform_9, window_bounds = array<i64: 64, 32>}, {pipeline_mode = #tpu.pipeline_mode<synchronous>, transform_indices = @transform_10, window_bounds = array<i64: 1, 32>}, {transform_indices = @transform_11, window_bounds = array<i64: 2000, 32>}]} {
    %get3A = arith.constant 0 : index
    %get3A_0 = arith.constant 0 : index
    %get3A_1 = vector.load %arg1[%get3A, %get3A_0] : memref<2000x64xf32, #tpu.memory_space<vmem>>, vector<2000x64xf32>
    %get3A_2 = arith.constant 0 : index
    %get3A_3 = arith.constant 0 : index
    %get3A_4 = vector.load %arg7[%get3A_2, %get3A_3] : memref<64x512xf32, #tpu.memory_space<vmem>>, vector<64x512xf32>
    %dot_general3A = arith.constant dense<0.000000e+00> : vector<2000x512xf32>
    %dot_general3A_5 = tpu.matmul %get3A_1, %get3A_4, %dot_general3A {dimension_numbers = #tpu.dot_dimension_numbers<[1], [0], [0], [1], [0, 0, 1, 1], [], []>, transpose_lhs_hint = false} : vector<2000x64xf32>, vector<64x512xf32>, vector<2000x512xf32> -> vector<2000x512xf32>
    %get3A_6 = arith.constant 0 : index
    %get3A_7 = arith.constant 0 : index
    %get3A_8 = vector.load %arg3[%get3A_6, %get3A_7] : memref<2000x512xf32, #tpu.memory_space<vmem>>, vector<2000x512xf32>
    %slice3A = vector.extract_strided_slice %dot_general3A_5 {offsets = [0, 0], sizes = [2000, 128], strides = [1, 1]} : vector<2000x512xf32> to vector<2000x128xf32>
    %slice3A_9 = vector.extract_strided_slice %get3A_8 {offsets = [0, 0], sizes = [2000, 128], strides = [1, 1]} : vector<2000x512xf32> to vector<2000x128xf32>
    %mul3A = arith.mulf %slice3A, %slice3A_9 : vector<2000x128xf32>
    %slice3A_10 = vector.extract_strided_slice %dot_general3A_5 {offsets = [0, 128], sizes = [2000, 128], strides = [1, 1]} : vector<2000x512xf32> to vector<2000x128xf32>
    %slice3A_11 = vector.extract_strided_slice %get3A_8 {offsets = [0, 128], sizes = [2000, 128], strides = [1, 1]} : vector<2000x512xf32> to vector<2000x128xf32>
    %mul3A_12 = arith.mulf %slice3A_10, %slice3A_11 : vector<2000x128xf32>
    %add3A = arith.addf %mul3A, %mul3A_12 : vector<2000x128xf32>
    %slice3A_13 = vector.extract_strided_slice %dot_general3A_5 {offsets = [0, 256], sizes = [2000, 128], strides = [1, 1]} : vector<2000x512xf32> to vector<2000x128xf32>
    %slice3A_14 = vector.extract_strided_slice %get3A_8 {offsets = [0, 256], sizes = [2000, 128], strides = [1, 1]} : vector<2000x512xf32> to vector<2000x128xf32>
    %mul3A_15 = arith.mulf %slice3A_13, %slice3A_14 : vector<2000x128xf32>
    %add3A_16 = arith.addf %add3A, %mul3A_15 : vector<2000x128xf32>
    %slice3A_17 = vector.extract_strided_slice %dot_general3A_5 {offsets = [0, 384], sizes = [2000, 128], strides = [1, 1]} : vector<2000x512xf32> to vector<2000x128xf32>
    %slice3A_18 = vector.extract_strided_slice %get3A_8 {offsets = [0, 384], sizes = [2000, 128], strides = [1, 1]} : vector<2000x512xf32> to vector<2000x128xf32>
    %mul3A_19 = arith.mulf %slice3A_17, %slice3A_18 : vector<2000x128xf32>
    %add3A_20 = arith.addf %add3A_16, %mul3A_19 : vector<2000x128xf32>
    %get3A_21 = arith.constant 0 : index
    %get3A_22 = arith.constant 0 : index
    %get3A_23 = vector.load %arg2[%get3A_21, %get3A_22] : memref<2000x64xf32, #tpu.memory_space<vmem>>, vector<2000x64xf32>
    %get3A_24 = arith.constant 0 : index
    %get3A_25 = arith.constant 0 : index
    %get3A_26 = vector.load %arg7[%get3A_24, %get3A_25] : memref<64x512xf32, #tpu.memory_space<vmem>>, vector<64x512xf32>
    %dot_general3A_27 = arith.constant dense<0.000000e+00> : vector<2000x512xf32>
    %dot_general3A_28 = tpu.matmul %get3A_23, %get3A_26, %dot_general3A_27 {dimension_numbers = #tpu.dot_dimension_numbers<[1], [0], [0], [1], [0, 0, 1, 1], [], []>, transpose_lhs_hint = false} : vector<2000x64xf32>, vector<64x512xf32>, vector<2000x512xf32> -> vector<2000x512xf32>
    %get3A_29 = arith.constant 0 : index
    %get3A_30 = arith.constant 0 : index
    %get3A_31 = vector.load %arg4[%get3A_29, %get3A_30] : memref<2000x512xf32, #tpu.memory_space<vmem>>, vector<2000x512xf32>
    %slice3A_32 = vector.extract_strided_slice %dot_general3A_28 {offsets = [0, 0], sizes = [2000, 128], strides = [1, 1]} : vector<2000x512xf32> to vector<2000x128xf32>
    %slice3A_33 = vector.extract_strided_slice %get3A_31 {offsets = [0, 0], sizes = [2000, 128], strides = [1, 1]} : vector<2000x512xf32> to vector<2000x128xf32>
    %mul3A_34 = arith.mulf %slice3A_32, %slice3A_33 : vector<2000x128xf32>
    %slice3A_35 = vector.extract_strided_slice %dot_general3A_28 {offsets = [0, 128], sizes = [2000, 128], strides = [1, 1]} : vector<2000x512xf32> to vector<2000x128xf32>
    %slice3A_36 = vector.extract_strided_slice %get3A_31 {offsets = [0, 128], sizes = [2000, 128], strides = [1, 1]} : vector<2000x512xf32> to vector<2000x128xf32>
    %mul3A_37 = arith.mulf %slice3A_35, %slice3A_36 : vector<2000x128xf32>
    %add3A_38 = arith.addf %mul3A_34, %mul3A_37 : vector<2000x128xf32>
    %slice3A_39 = vector.extract_strided_slice %dot_general3A_28 {offsets = [0, 256], sizes = [2000, 128], strides = [1, 1]} : vector<2000x512xf32> to vector<2000x128xf32>
    %slice3A_40 = vector.extract_strided_slice %get3A_31 {offsets = [0, 256], sizes = [2000, 128], strides = [1, 1]} : vector<2000x512xf32> to vector<2000x128xf32>
    %mul3A_41 = arith.mulf %slice3A_39, %slice3A_40 : vector<2000x128xf32>
    %add3A_42 = arith.addf %add3A_38, %mul3A_41 : vector<2000x128xf32>
    %slice3A_43 = vector.extract_strided_slice %dot_general3A_28 {offsets = [0, 384], sizes = [2000, 128], strides = [1, 1]} : vector<2000x512xf32> to vector<2000x128xf32>
    %slice3A_44 = vector.extract_strided_slice %get3A_31 {offsets = [0, 384], sizes = [2000, 128], strides = [1, 1]} : vector<2000x512xf32> to vector<2000x128xf32>
    %mul3A_45 = arith.mulf %slice3A_43, %slice3A_44 : vector<2000x128xf32>
    %add3A_46 = arith.addf %add3A_42, %mul3A_45 : vector<2000x128xf32>
    %add3A_47 = arith.addf %add3A_20, %add3A_46 : vector<2000x128xf32>
    %slice3A_48 = vector.extract_strided_slice %add3A_47 {offsets = [0, 0], sizes = [2000, 64], strides = [1, 1]} : vector<2000x128xf32> to vector<2000x64xf32>
    %slice3A_49 = vector.extract_strided_slice %add3A_47 {offsets = [0, 64], sizes = [2000, 64], strides = [1, 1]} : vector<2000x128xf32> to vector<2000x64xf32>
    %add3A_50 = arith.addf %slice3A_48, %slice3A_49 : vector<2000x64xf32>
    %get3A_51 = arith.constant 0 : index
    %get3A_52 = arith.constant 0 : index
    %get3A_53 = vector.load %arg5[%get3A_51, %get3A_52] : memref<2000x64xf32, #tpu.memory_space<vmem>>, vector<2000x64xf32>
    %add3A_54 = arith.addf %get3A_53, %add3A_50 : vector<2000x64xf32>
    %neg3A = arith.constant 0.000000e+00 : f32
    %neg3A_55 = vector.broadcast %neg3A : f32 to vector<2000x64xf32>
    %neg3A_56 = arith.subf %neg3A_55, %add3A_54 : vector<2000x64xf32>
    %exp3A = math.exp %neg3A_56 : vector<2000x64xf32>
    %add3A_57 = arith.constant 1.000000e+00 : f32
    %add3A_58 = vector.broadcast %add3A_57 : f32 to vector<2000x64xf32>
    %add3A_59 = arith.addf %add3A_58, %exp3A : vector<2000x64xf32>
    %div3A = arith.constant 1.000000e+00 : f32
    %div3A_60 = vector.broadcast %div3A : f32 to vector<2000x64xf32>
    %div3A_61 = arith.divf %div3A_60, %add3A_59 : vector<2000x64xf32>
    %mul3A_62 = arith.mulf %add3A_54, %div3A_61 : vector<2000x64xf32>
    %get3A_63 = arith.constant 0 : index
    %get3A_64 = arith.constant 0 : index
    %get3A_65 = vector.load %arg6[%get3A_63, %get3A_64] : memref<2000x8xf32, #tpu.memory_space<vmem>>, vector<2000x8xf32>
    %mul3A_66 = arith.mulf %get3A_65, %get3A_65 : vector<2000x8xf32>
    %reduce_sum3A = arith.constant dense<0.000000e+00> : vector<2000xf32>
    %reduce_sum3A_67 = vector.multi_reduction <add>, %mul3A_66, %reduce_sum3A [1] : vector<2000x8xf32> to vector<2000xf32>
    %broadcast_in_dim3A = vector.shape_cast %reduce_sum3A_67 : vector<2000xf32> to vector<2000x1xf32>
    %get3A_68 = arith.constant 0 : index
    %get3A_69 = arith.constant 0 : index
    %get3A_70 = vector.load %arg8[%get3A_68, %get3A_69] : memref<8x32xf32, #tpu.memory_space<vmem>>, vector<8x32xf32>
    %dot_general3A_71 = arith.constant dense<0.000000e+00> : vector<2000x32xf32>
    %dot_general3A_72 = tpu.matmul %get3A_65, %get3A_70, %dot_general3A_71 {dimension_numbers = #tpu.dot_dimension_numbers<[1], [0], [0], [1], [0, 0, 1, 1], [], []>, transpose_lhs_hint = false} : vector<2000x8xf32>, vector<8x32xf32>, vector<2000x32xf32> -> vector<2000x32xf32>
    %mul3A_73 = arith.constant 2.000000e+00 : f32
    %mul3A_74 = vector.broadcast %mul3A_73 : f32 to vector<2000x32xf32>
    %mul3A_75 = arith.mulf %mul3A_74, %dot_general3A_72 : vector<2000x32xf32>
    %sub3A = vector.broadcast %broadcast_in_dim3A : vector<2000x1xf32> to vector<2000x32xf32>
    %sub3A_76 = arith.subf %sub3A, %mul3A_75 : vector<2000x32xf32>
    %get3A_77 = arith.constant 0 : index
    %get3A_78 = arith.constant 0 : index
    %get3A_79 = vector.load %arg9[%get3A_77, %get3A_78] : memref<1x32xf32, #tpu.memory_space<vmem>>, vector<1x32xf32>
    %add3A_80 = vector.broadcast %get3A_79 : vector<1x32xf32> to vector<2000x32xf32>
    %add3A_81 = arith.addf %sub3A_76, %add3A_80 : vector<2000x32xf32>
    %max3A = arith.constant 0.000000e+00 : f32
    %max3A_82 = vector.broadcast %max3A : f32 to vector<2000x32xf32>
    %max3A_83 = arith.maximumf %add3A_81, %max3A_82 : vector<2000x32xf32>
    %sqrt3A = math.sqrt %max3A_83 : vector<2000x32xf32>
    %get3A_84 = arith.constant 0 : index
    %get3A_85 = arith.constant 0 : index
    %get3A_86 = vector.load %arg10[%get3A_84, %get3A_85] : memref<64x32xf32, #tpu.memory_space<vmem>>, vector<64x32xf32>
    %dot_general3A_87 = arith.constant dense<0.000000e+00> : vector<2000x32xf32>
    %dot_general3A_88 = tpu.matmul %mul3A_62, %get3A_86, %dot_general3A_87 {dimension_numbers = #tpu.dot_dimension_numbers<[1], [0], [0], [1], [0, 0, 1, 1], [], []>, transpose_lhs_hint = false} : vector<2000x64xf32>, vector<64x32xf32>, vector<2000x32xf32> -> vector<2000x32xf32>
    %get3A_89 = arith.constant 0 : index
    %get3A_90 = arith.constant 0 : index
    %get3A_91 = vector.load %arg11[%get3A_89, %get3A_90] : memref<1x32xf32, #tpu.memory_space<vmem>>, vector<1x32xf32>
    %add3A_92 = vector.broadcast %get3A_91 : vector<1x32xf32> to vector<2000x32xf32>
    %add3A_93 = arith.addf %dot_general3A_88, %add3A_92 : vector<2000x32xf32>
    %mul3A_94 = arith.constant -2.000000e-01 : f32
    %mul3A_95 = vector.broadcast %mul3A_94 : f32 to vector<2000x32xf32>
    %mul3A_96 = arith.mulf %mul3A_95, %sqrt3A : vector<2000x32xf32>
    %exp3A_97 = math.exp %mul3A_96 : vector<2000x32xf32>
    %mul3A_98 = arith.mulf %add3A_93, %exp3A_97 : vector<2000x32xf32>
    %swap3A = arith.constant 0 : index
    %swap3A_99 = arith.constant 0 : index
    %swap3A_100 = vector.load %arg12[%swap3A, %swap3A_99] : memref<2000x32xf32, #tpu.memory_space<vmem>>, vector<2000x32xf32>
    tpu.vector_store %arg12[%swap3A, %swap3A_99], %mul3A_98 {strides = array<i32>} : memref<2000x32xf32, #tpu.memory_space<vmem>>, vector<2000x32xf32>,
    return
  }
  func.func @transform_0(%arg0: i32) -> (i32, i32) {
    %c0_i32 = arith.constant 0 : i32
    %c0_i32_0 = arith.constant 0 : i32
    return %arg0, %c0_i32 : i32, i32
  }
  func.func @transform_1(%arg0: i32) -> (i32, i32) {
    %c0_i32 = arith.constant 0 : i32
    %c0_i32_0 = arith.constant 0 : i32
    return %arg0, %c0_i32 : i32, i32
  }
  func.func @transform_2(%arg0: i32) -> (i32, i32) {
    %c0_i32 = arith.constant 0 : i32
    %c0_i32_0 = arith.constant 0 : i32
    return %arg0, %c0_i32 : i32, i32
  }
  func.func @transform_3(%arg0: i32) -> (i32, i32) {
    %add3A = arith.constant 25 : i32
    %add3A_0 = arith.addi %arg0, %add3A : i32
    %c0_i32 = arith.constant 0 : i32
    %c0_i32_1 = arith.constant 0 : i32
    return %add3A_0, %c0_i32 : i32, i32
  }
  func.func @transform_4(%arg0: i32) -> (i32, i32) {
    %c0_i32 = arith.constant 0 : i32
    %c0_i32_0 = arith.constant 0 : i32
    return %arg0, %c0_i32 : i32, i32
  }
  func.func @transform_5(%arg0: i32) -> (i32, i32) {
    %c0_i32 = arith.constant 0 : i32
    %c0_i32_0 = arith.constant 0 : i32
    return %arg0, %c0_i32 : i32, i32
  }
  func.func @transform_6(%arg0: i32) -> (i32, i32) {
    %c0_i32 = arith.constant 0 : i32
    %c0_i32_0 = arith.constant 0 : i32
    %c0_i32_1 = arith.constant 0 : i32
    return %c0_i32, %c0_i32_0 : i32, i32
  }
  func.func @transform_7(%arg0: i32) -> (i32, i32) {
    %c0_i32 = arith.constant 0 : i32
    %c0_i32_0 = arith.constant 0 : i32
    %c0_i32_1 = arith.constant 0 : i32
    return %c0_i32, %c0_i32_0 : i32, i32
  }
  func.func @transform_8(%arg0: i32) -> (i32, i32) {
    %c0_i32 = arith.constant 0 : i32
    %c0_i32_0 = arith.constant 0 : i32
    %c0_i32_1 = arith.constant 0 : i32
    return %c0_i32, %c0_i32_0 : i32, i32
  }
  func.func @transform_9(%arg0: i32) -> (i32, i32) {
    %c0_i32 = arith.constant 0 : i32
    %c0_i32_0 = arith.constant 0 : i32
    %c0_i32_1 = arith.constant 0 : i32
    return %c0_i32, %c0_i32_0 : i32, i32
  }
  func.func @transform_10(%arg0: i32) -> (i32, i32) {
    %c0_i32 = arith.constant 0 : i32
    %c0_i32_0 = arith.constant 0 : i32
    %c0_i32_1 = arith.constant 0 : i32
    return %c0_i32, %c0_i32_0 : i32, i32
  }
  func.func @transform_11(%arg0: i32) -> (i32, i32) {
    %c0_i32 = arith.constant 0 : i32
    %c0_i32_0 = arith.constant 0 : i32
    return %arg0, %c0_i32 : i32, i32
  }
}

</mosaic_0001>

<sc_bundles>
// kernel: kernel.6.cloned.1.call-start
scs
__scs_entry_jumppad:
0x0: {  	(pc) =	sbr.rel $0x88, $3  }
0x1: {  	(tag) =	ssettag $0x0;
	lr =	simm.s32 $0x1  }
0x2: {  	[smem:$0x3F86] =	sst lr;
	_ =	strace $0xD0000000  }
0x3: {  	_ = 	snop  }
0x4: {  	_ = 	snop  }
0x5: {  	_ = 	snop  }
0x6: {  	_ = 	snop  }
0x7: {  	_ = 	snop  }
__scs_overlays_trampoline_lowered:
0x8: {  	[smem:$0x3F95] =	sst s0  }
0x9: {  	[smem:$0x3F96] =	sst s1  }
0xa: {  	[smem:$0x3F97] =	sst s2  }
0xb: {  	[smem:$0x3F98] =	sst s3  }
0xc: {  	[smem:$0x3F99] =	sst s4  }
0xd: {  	[smem:$0x3F9A] =	sst s5  }
0xe: {  	[smem:$0x3F9B] =	sst s6  }
0xf: {  	[smem:$0x3F9C] =	sst s7  }
0x10: {  	[smem:$0x3F9D] =	sst s8  }
0x11: {  	[smem:$0x3F9E] =	sst s9;
	s0 =	simm.s32 @!p0 $0x0  }
0x12: {  	s1 =	sld [smem:$0x3F84];
	s0 =	simm.s32 @p0 $0x1  }
0x13: {  	[smem:$0x3F9F] =	sst s0;
	s0 =	simm.s32 @!p1 $0x0  }
0x14: {  	s2 =	sld [smem:$0x3F83];
	s0 =	simm.s32 @p1 $0x1  }
0x15: {  	[smem:$0x3FA0] =	sst s0;
	s0 =	simm.s32 @!p2 $0x0  }
0x16: {  	s3 =	sld [smem:$0x3FDB];
	s0 =	simm.s32 @p2 $0x1  }
0x17: {  	s4 =	simm.s32 $0x1BF5;
	[smem:$0x3FA2] =	sst s0  }
0x18: {  	s0 =	sld [smem:$0x3F85];
	_ =	swait.ge [sflag:s4], $0x0  }
0x19: {  	s7 =	sld [smem:$0x3F86]  }
0x1a: {  	s8 =	sadd.s32 $0xFFFFE003, lr  }
0x1b: {  	s9 =	sadd.s32 $0xFFFFFEF7, lr;
	s5 =	simm.s32 $0xFFFFFFFF;
	p2 =	slt.u32 s8, $0xFFFFF086  }
0x1c: {  	p1 =	slt.u32 s9, $0xF7A;
	s5 =	simm.s32 @!p2 $0x0  }
0x1d: {  	s5 =	simm.s32 @p1 $0x1;
	p0 =	seq.s32 s7, s2  }
0x1e: {  	s7 =	smul.u32 @!p0 $0xF7A, s2;
	p2 =	seq.s32 @!p0 s5, $0x0  }
0x1f: {  	s9 =	smul.u32 $0xF7A, s1;
	s8 =	simm.s32 @!p0 $0x1BF5;
	p2 =	por !p2, p0  }
0x20: {  	[sflag:s8] =	ssyncset.s32 @!p0 $0xFFFFF086;
	s6 =	sadd.s32 @!p0 s3, s7;
	s7 =	simm.s32 @!p0 $0x108  }
0x21: {  	s3 =	sadd.s32 s3, s9;
	s6 =	sadd.s32 @!p0 $0x88, s6;
	s7 =	simm.s32 @p2 $0x1082  }
0x22: {  	[simem:s7], [sflag:s8] =	dma.local @!p0 [hbm:s6], $0xF7A  }
0x23: {  	s9 =	sor.u32 $0xD0000000, s2;
	s6 =	simm.s32 $0x108;
	_ =	swait.ge @!p0 [sflag:s8], $0x0  }
0x24: {  	s3 =	sadd.s32 $0x88, s3;
	s6 =	simm.s32 @!p1 $0x1082;
	[sflag:s4] =	ssyncset.s32 $0xFFFFF086  }
0x25: {  	[simem:s6], [sflag:s4] =	dma.local [hbm:s3], $0xF7A  }
0x26: {  	[smem:$0x3F86] =	sst s1;
	(tag) =	ssettag s2;
	_ =	strace s9  }
0x27: {  	s1 =	sld [smem:$0x3F96]  }
0x28: {  	s2 =	sld [smem:$0x3F97]  }
0x29: {  	s4 =	sld [smem:$0x3F99]  }
0x2a: {  	p0 =	seq.s32 s5, $0x0;
	s5 =	sld [smem:$0x3F9A]  }
0x2b: {  	s6 =	sld [smem:$0x3F9B]  }
0x2c: {  	s7 =	sld [smem:$0x3F9C]  }
0x2d: {  	s3 =	simm.s32 $0x108;
	s8 =	sld [smem:$0x3F9D]  }
0x2e: {  	s3 =	simm.s32 @!p0 $0x1082;
	s9 =	sld [smem:$0x3F9E]  }
0x2f: {  	lr =	sadd.s32 s0, s3;
	s0 =	sld [smem:$0x3F95]  }
0x30: {  	s3 =	sld [smem:$0x3F98]  }
0x31: {  	[smem:$0x3FA1] =	sst s10  }
0x32: {  	s10 =	sld [smem:$0x3F9F];
	_ =	sdelay $0x3  }
0x33: {  	p0 =	seq.s32 s10, $0x1;
	s10 =	sld [smem:$0x3FA1];
	_ =	sdelay $0x3  }
0x34: {  	[smem:$0x3FA1] =	sst s10  }
0x35: {  	s10 =	sld [smem:$0x3FA0];
	_ =	sdelay $0x3  }
0x36: {  	p1 =	seq.s32 s10, $0x1;
	s10 =	sld [smem:$0x3FA1];
	_ =	sdelay $0x3  }
0x37: {  	[smem:$0x3FA1] =	sst s10  }
0x38: {  	s10 =	sld [smem:$0x3FA2]  }
0x39: {  	_ = 	snop;
	(pc) =	sbr.ind lr, $3  }
0x3a: {  	_ = 	snop  }
0x3b: {  	_ = 	snop  }
0x3c: {  	p2 =	seq.s32 s10, $0x1;
	s10 =	sld [smem:$0x3FA1]  }
0x3d: {  	_ =	shalt  }
0x3e: {  	_ =	shalt  }
0x3f: {  	_ =	shalt  }
0x40: {  	_ =	shalt  }
0x41: {  	_ =	shalt  }
0x42: {  	_ =	shalt  }
0x43: {  	_ =	shalt  }
0x44: {  	_ =	shalt  }
0x45: {  	_ =	shalt  }
0x46: {  	_ =	shalt  }
0x47: {  	_ =	shalt  }
0x48: {  	_ =	shalt  }
0x49: {  	_ =	shalt  }
0x4a: {  	_ =	shalt  }
0x4b: {  	_ =	shalt  }
0x4c: {  	_ =	shalt  }
0x4d: {  	_ =	shalt  }
0x4e: {  	_ =	shalt  }
0x4f: {  	_ =	shalt  }
0x50: {  	_ =	shalt  }
0x51: {  	_ =	shalt  }
0x52: {  	_ =	shalt  }
0x53: {  	_ =	shalt  }
0x54: {  	_ =	shalt  }
0x55: {  	_ =	shalt  }
0x56: {  	_ =	shalt  }
0x57: {  	_ =	shalt  }
0x58: {  	_ =	shalt  }
0x59: {  	_ =	shalt  }
0x5a: {  	_ =	shalt  }
0x5b: {  	_ =	shalt  }
0x5c: {  	_ =	shalt  }
0x5d: {  	_ =	shalt  }
0x5e: {  	_ =	shalt  }
0x5f: {  	_ =	shalt  }
0x60: {  	_ =	shalt  }
0x61: {  	_ =	shalt  }
0x62: {  	_ =	shalt  }
0x63: {  	_ =	shalt  }
0x64: {  	_ =	shalt  }
0x65: {  	_ =	shalt  }
0x66: {  	_ =	shalt  }
0x67: {  	_ =	shalt  }
0x68: {  	_ =	shalt  }
0x69: {  	_ =	shalt  }
0x6a: {  	_ =	shalt  }
0x6b: {  	_ =	shalt  }
0x6c: {  	_ =	shalt  }
0x6d: {  	_ =	shalt  }
0x6e: {  	_ =	shalt  }
0x6f: {  	_ =	shalt  }
0x70: {  	_ =	shalt  }
0x71: {  	_ =	shalt  }
0x72: {  	_ =	shalt  }
0x73: {  	_ =	shalt  }
0x74: {  	_ =	shalt  }
0x75: {  	_ =	shalt  }
0x76: {  	_ =	shalt  }
0x77: {  	_ =	shalt  }
0x78: {  	_ =	shalt  }
0x79: {  	_ =	shalt  }
0x7a: {  	_ =	shalt  }
0x7b: {  	_ =	shalt  }
0x7c: {  	_ =	shalt  }
0x7d: {  	_ =	shalt  }
0x7e: {  	_ =	shalt  }
0x7f: {  	_ =	shalt  }
0x80: {  	_ =	shalt  }
0x81: {  	_ =	shalt  }
0x82: {  	_ =	shalt  }
0x83: {  	_ =	shalt  }
0x84: {  	_ =	shalt  }
0x85: {  	_ =	shalt  }
0x86: {  	_ =	shalt  }
0x87: {  	_ =	shalt  }
.Lfunc_end0:
.L_simem_size_0:
called_computation_lowered:
.L_overlay_start_0:
0x88: {  	s2 =	sld [smem:$0x3FD9]  }
0x89: {  	s3 =	sld [smem:$0x3FFE];
	_ =	sdelay $0x1  }
0x8a: {  	s1 =	srdreg.scid  }
0x8b: {  	s0 =	sand.u32 $0x1, s1  }
0x8c: {  	s17 =	sshll.u32 s0, $0xA;
	s2 =	sadd.s32 s3, s2  }
0x8d: {  	s2 =	sadd.s32 s2, s17  }
0x8e: {  	[smem:$0x3FAD] =	sst s2  }
0x8f: {  	_ = 	snop  }
0x90: {  	s2 =	sld [smem:$0x3FD0];
	(tm) =	ssettm $0x1  }
0x91: {  	s18 =	sld [smem:$0x3FFB];
	_ =	sdelay $0x3  }
0x92: {  	_ =	strace s18  }
0x93: {  	s3 =	sld [smem:$0x3FFC];
	_ =	sdelay $0x3  }
0x94: {  	_ =	strace s3  }
0x95: {  	s3 =	sld [smem:$0x3FFD];
	_ =	sdelay $0x3  }
0x96: {  	_ =	strace s3  }
0x97: {  	_ =	strace $0x8FFFFFFF  }
0x98: {  	s19 =	sld [smem:$0x3FDB];
	_ =	sdelay $0x1  }
0x99: {  	s4 =	simm.s32 $_scs_section_size  }
0x9a: {  	s5 =	simm.s32 $_size__tile_overlayer_lowered;
	s6 =	simm.s32 $_tile_overlayer_lowered  }
0x9b: {  	s22 =	simm.s32 $0x1BFF;
	s21 =	sshll.u32 s6, $0x1;
	s3 =	sadd.s32 s4, s19  }
0x9c: {  	s7 =	simm.s32 $0x0;
	s20 =	sshll.u32 s5, $0x1;
	s5 =	sadd.s32 s21, s3  }
0x9d: {  	[timem:s7], [sflag:s22] =	dma.local [hbm:s5], s20  }
0x9e: {  	_ =	swait.ge [sflag:s22], s20  }
0x9f: {  	s4 =	ssub.s32 $0x0, s20;
	[sflag:s22] =	ssyncset.done $0x0  }
0xa0: {  	[sflag:s22] =	ssyncadd.s32 s4;
	_ =	sdelay $0x1  }
0xa1: {  	s23 =	simm.s32 $0x1B8B  }
0xa2: {  	_ =	swait.ge [sflag:s23], $0x1  }
0xa3: {  	[sflag:s23] =	ssyncset.done $0x0  }
0xa4: {  	s25 =	simm.s32 $0x1B8E;
	s24 =	sld [smem:$0x3FFE];
	[sflag:s23] =	ssyncadd.s32 $0xFFFFFFFF  }
0xa5: {  	s26 =	simm.s32 $execute0_lowered;
	[smem:$0x3FD2] =	sst s25  }
0xa6: {  	s5 =	sshll.u32 s26, $0x1;
	_ =	strace $0x80000046;
	[dreg:$0x1] =	wrdreg $0xFFFFFFFF  }
0xa7: {  	s28 =	simm.s32 $_size_execute0_lowered;
	s3 =	sadd.s32 s3, s5;
	[dreg:$0x0] =	wrdreg $0x0  }
0xa8: {  	s5 =	sshll.u32 s28, $0x1;
	[dreg:$0x2] =	wrdreg s3  }
0xa9: {  	[dreg:$0x3] =	wrdreg s5  }
0xaa: {  	[dreg:$0x4] =	wrdreg $0xC0  }
0xab: {  	_ =	task [dreg:s7], $0x5FFFF  }
0xac: {  	[dreg:$0x1] =	wrdreg $0xFFFFFFFF  }
0xad: {  	[dreg:$0x0] =	wrdreg $0x60  }
0xae: {  	[dreg:$0x2] =	wrdreg s24  }
0xaf: {  	[dreg:$0x3] =	wrdreg s2  }
0xb0: {  	[dreg:$0x4] =	wrdreg $0x9  }
0xb1: {  	_ =	task.clear_ibuf [dreg:s7], $0x5FFFF;
	_ =	strace $0x90000046  }
0xb2: {  	s29 =	simm.s32 $0x9;
	_ =	strace $0x80000048  }
0xb3: {  	_ =	swait.ge [sflag:s29], $0x1  }
0xb4: {  	[sflag:s29] =	ssyncadd.s32 $0xFFFFFFFF  }
0xb5: {  	_ =	strace $0x90000048  }
0xb6: {  	_ =	sfence  }
0xb7: {  	s30 =	sld [smem:$0x0];
	_ =	sdelay $0x2  }
0xb8: {  	s31 =	sshll.u32 s1, $0xD;
	s1 =	sshrl.u32 s1, $0x2  }
0xb9: {  	s3 =	sand.u32 $0x4000, s31;
	s1 =	sadd.s32 s1, s30  }
0xba: {  	s0 =	sor.u32 s3, s0;
	s1 =	sshll.u32 s1, $0x11  }
0xbb: {  	s0 =	sor.u32 s1, s0  }
0xbc: {  	s0 =	sadd.s32 $0x8F2B, s0  }
0xbd: {  	[sflag:s0] =	ssyncadd.remote.s32 $0x1  }
0xbe: {  	_ =	sfence.sel $0xFFFF  }
0xbf: {  	[dreg:$0x0] =	wrdreg $0xFFFFFFFF;
	(pc) =	sbr.abs _section_cstart, $3  }
0xc0: {  	[dreg:$0x1] =	wrdreg $0xFFFFFFFF  }
0xc1: {  	_ =	task.clear_ibuf [dreg:s7], $0x2FFFF;
	_ =	strace $0x9FFFFFFF  }
0xc2: {  	(tm) =	ssettm $0x7FFFFFFF  }
0xc3: {  	_ =	shalt  }
tec
execute0_lowered:
.L_overlay_start_1:
0x0: {  	(tag) =	ssettag $0x1  }
0x1: {  	s0 =	rddreg [dreg:$0x0]  }
0x2: {  	s1 =	rddreg [dreg:$0x1];
	s2 =	simm.s32 $0x0  }
0x3: {  	s9 =	stileid.u32;
	s3 =	srdreg.scid;
	s10 =	simm.s32 $0x3  }
0x4: {  	s11 =	simm.s32 $0x1F40;
	s12 =	simm.s32 $0x3E80;
	s13 =	simm.s32 $0x7D0  }
0x5: {  	s14 =	simm.s32 $0x5DC0;
	s15 =	simm.s32 $0xBB8;
	s16 =	simm.s32 $0x7D00  }
0x6: {  	s17 =	simm.s32 $0xFA0;
	s18 =	simm.s32 $0x9C40;
	s19 =	simm.s32 $0x1388  }
0x7: {  	s20 =	simm.s32 $0xBB80;
	s21 =	simm.s32 $0x1770;
	s22 =	simm.s32 $0xDAC0  }
0x8: {  	s23 =	simm.s32 $0x1B58;
	s28 =	simm.s32 $0x40;
	s29 =	simm.s32 $0x2  }
0x9: {  	s30 =	simm.s32 $0x0;
	[smem:$0x7FF] =	sst s2;
	s4 =	smul.u32 $0x3E80, s9  }
0xa: {  	s5 =	sand.u32 $0x1, s3;
	s3 =	sadd.s32 $0xC5000, s0;
	s8 =	smul.u32 $0xFA, s9  }
0xb: {  	s25 =	sshll.u32 s9, $0x1;
	s9 =	simm.s32 $0x186A0;
	s7 =	smul.u32 $0x1F40, s5  }
0xc: {  	_ =	strace $0x80000047;
	s6 =	ssub.s32 $0x2, s5;
	s26 =	smul.u32 $0x7D, s5  }
.Ltmp0:
0xd: {  	[dreg:$0x3] =	wrdreg s25;
	s25 =	simm.s32 $0x1;
	(pc) =	sbr.rel .LBB2_1-.Ltmp0, $4  }
0xe: {  	s0 =	sadd.s32 s4, s0;
	s24 =	sshrl.u32 s6, $0x1;
	s1 =	sadd.s32 s8, s1  }
0xf: {  	s8 =	simm.s32 $0x3E8;
	s6 =	ssub.s32 s6, s24;
	s0 =	sadd.s32 s7, s0  }
0x10: {  	s24 =	simm.s32 $0xFA00;
	s31 =	smax.u32 s6, $0x1;
	s6 =	sadd.s32 $0xD1400, s0  }
0x11: {  	s0 =	sadd.s32 s26, s1;
	s26 =	simm.s32 $0x8;
	[dreg:$0x4] =	wrdreg s31  }
.LBB2_5:
0x12: {  	s30 =	sadd.s32 $0x1, s30;
	s1 =	rddreg [dreg:$0x4]  }
0x13: {  	p0 =	sne.s32 s30, s1  }
.Ltmp1:
0x14: {  	_ = 	snop;
	(pc) =	sbr.rel @!p0 .LBB2_6-.Ltmp1, $1  }
0x15: {  	_ =	sdelay $0x3  }
.LBB2_1:
.Ltmp2:
0x16: {  	(pc) =	sbr.rel .LBB2_2-.Ltmp2, $2  }
0x17: {  	_ =	sdelay $0x2  }
0x18: {  	s31 =	rddreg [dreg:$0x3];
	s7 =	smov.u32 s0;
	s1 =	simm.s32 $0x0  }
.LBB2_4:
0x19: {  	s1 =	sadd.s32 $0x3E800, s1  }
0x1a: {  	p0 =	sne.s32 s1, $0xFA000  }
.Ltmp3:
0x1b: {  	_ = 	snop;
	(pc) =	sbr.rel @!p0 .LBB2_5-.Ltmp3, $2  }
0x1c: {  	_ =	sdelay $0x2  }
0x1d: {  	s7 =	sadd.s32 $0xFA0, s7;
	s31 =	sadd.s32 $0x20, s31  }
.LBB2_2:
0x1e: {  	p0 =	sgt.u32 s31, $0x63  }
.Ltmp4:
0x1f: {  	_ = 	snop;
	(pc) =	sbr.rel @p0 .LBB2_4-.Ltmp4, $1  }
0x20: {  	_ =	sdelay $0x3  }
0x21: {  	[tilespmem:s2], [sflag:$0x3] =	stream.strided.gather [hbm4b:s7+s8], $0x1F40, s9, s8, $0x38;
	[tilespmem:$0x11940] =	vst v63  }
0x22: {  	_ =	swait.ge [sflag:s10], $0x1F40  }
0x23: {  	[sflag:s10] =	ssyncset.done $0x0  }
0x24: {  	[sflag:s10] =	ssyncadd.s32 $0xFFFFE0C0  }
0x25: {  	[tilespmem:s11], [sflag:$0x1] =	stream.indirect.gather [hbm4b:s3+s8], $0x8, s2, s8, $0xb8;
	[tilespmem:$0x11940] =	vst v63  }
0x26: {  	_ = 	snop  }
0x27: {  	[tilespmem:s12], [sflag:$0x1] =	stream.indirect.gather [hbm4b:s3+s8], $0x8, s8, s8, $0xb8;
	[tilespmem:$0x11940] =	vst v63  }
0x28: {  	_ = 	snop  }
0x29: {  	[tilespmem:s14], [sflag:$0x1] =	stream.indirect.gather [hbm4b:s3+s8], $0x8, s13, s8, $0xb8;
	[tilespmem:$0x11940] =	vst v63  }
0x2a: {  	_ = 	snop  }
0x2b: {  	[tilespmem:s16], [sflag:$0x1] =	stream.indirect.gather [hbm4b:s3+s8], $0x8, s15, s8, $0xb8;
	[tilespmem:$0x11940] =	vst v63  }
0x2c: {  	_ = 	snop  }
0x2d: {  	[tilespmem:s18], [sflag:$0x1] =	stream.indirect.gather [hbm4b:s3+s8], $0x8, s17, s8, $0xb8;
	[tilespmem:$0x11940] =	vst v63  }
0x2e: {  	_ = 	snop  }
0x2f: {  	[tilespmem:s20], [sflag:$0x1] =	stream.indirect.gather [hbm4b:s3+s8], $0x8, s19, s8, $0xb8;
	[tilespmem:$0x11940] =	vst v63  }
0x30: {  	_ = 	snop  }
0x31: {  	[tilespmem:s22], [sflag:$0x1] =	stream.indirect.gather [hbm4b:s3+s8], $0x8, s21, s8, $0xb8;
	[tilespmem:$0x11940] =	vst v63  }
0x32: {  	_ = 	snop  }
0x33: {  	[tilespmem:s24], [sflag:$0x1] =	stream.indirect.gather [hbm4b:s3+s8], $0x8, s23, s8, $0xb8;
	[tilespmem:$0x11940] =	vst v63  }
0x34: {  	_ =	swait.ge [sflag:s25], $0x1F40  }
0x35: {  	[sflag:s25] =	ssyncset.done $0x0  }
0x36: {  	[sflag:s25] =	ssyncadd.s32 $0xFFFFE0C0  }
0x37: {  	_ =	swait.ge [sflag:s25], $0x1F40  }
0x38: {  	[sflag:s25] =	ssyncset.done $0x0  }
0x39: {  	[sflag:s25] =	ssyncadd.s32 $0xFFFFE0C0  }
0x3a: {  	_ =	swait.ge [sflag:s25], $0x1F40  }
0x3b: {  	[sflag:s25] =	ssyncset.done $0x0  }
0x3c: {  	[sflag:s25] =	ssyncadd.s32 $0xFFFFE0C0  }
0x3d: {  	_ =	swait.ge [sflag:s25], $0x1F40  }
0x3e: {  	[sflag:s25] =	ssyncset.done $0x0  }
0x3f: {  	[sflag:s25] =	ssyncadd.s32 $0xFFFFE0C0  }
0x40: {  	_ =	swait.ge [sflag:s25], $0x1F40  }
0x41: {  	[sflag:s25] =	ssyncset.done $0x0  }
0x42: {  	[sflag:s25] =	ssyncadd.s32 $0xFFFFE0C0  }
0x43: {  	_ =	swait.ge [sflag:s25], $0x1F40  }
0x44: {  	[sflag:s25] =	ssyncset.done $0x0  }
0x45: {  	[sflag:s25] =	ssyncadd.s32 $0xFFFFE0C0  }
0x46: {  	_ =	swait.ge [sflag:s25], $0x1F40  }
0x47: {  	[sflag:s25] =	ssyncset.done $0x0  }
0x48: {  	[sflag:s25] =	ssyncadd.s32 $0xFFFFE0C0  }
0x49: {  	_ =	swait.ge [sflag:s25], $0x1F40  }
0x4a: {  	[sflag:s25] =	ssyncset.done $0x0  }
0x4b: {  	s4 =	sadd.s32 s1, s6;
	[sflag:s25] =	ssyncadd.s32 $0xFFFFE0C0  }
0x4c: {  	[hbm4b:s4+s26] =	stream.strided.scatter [tilespmem:s11], [sflag:$0x3], $0x1F40, s28, s26, $0x38;
	[tilespmem:$0x11940] =	vst v63  }
0x4d: {  	_ =	swait.ge [sflag:s10], $0x1F40  }
0x4e: {  	[sflag:s10] =	ssyncset.done $0x0  }
0x4f: {  	s5 =	sadd.s32 $0x1, s4;
	[sflag:s10] =	ssyncadd.s32 $0xFFFFE0C0  }
0x50: {  	[hbm4b:s5+s26] =	stream.strided.scatter [tilespmem:s12], [sflag:$0x3], $0x1F40, s28, s26, $0x38;
	[tilespmem:$0x11940] =	vst v63  }
0x51: {  	_ =	swait.ge [sflag:s10], $0x1F40  }
0x52: {  	[sflag:s10] =	ssyncset.done $0x0  }
0x53: {  	s5 =	sadd.s32 $0x2, s4;
	[sflag:s10] =	ssyncadd.s32 $0xFFFFE0C0  }
0x54: {  	[hbm4b:s5+s26] =	stream.strided.scatter [tilespmem:s14], [sflag:$0x3], $0x1F40, s28, s26, $0x38;
	[tilespmem:$0x11940] =	vst v63  }
0x55: {  	_ =	swait.ge [sflag:s10], $0x1F40  }
0x56: {  	[sflag:s10] =	ssyncset.done $0x0  }
0x57: {  	s5 =	sadd.s32 $0x3, s4;
	[sflag:s10] =	ssyncadd.s32 $0xFFFFE0C0  }
0x58: {  	[hbm4b:s5+s26] =	stream.strided.scatter [tilespmem:s16], [sflag:$0x3], $0x1F40, s28, s26, $0x38;
	[tilespmem:$0x11940] =	vst v63  }
0x59: {  	_ =	swait.ge [sflag:s10], $0x1F40  }
0x5a: {  	[sflag:s10] =	ssyncset.done $0x0  }
0x5b: {  	s5 =	sadd.s32 $0x4, s4;
	[sflag:s10] =	ssyncadd.s32 $0xFFFFE0C0  }
0x5c: {  	[hbm4b:s5+s26] =	stream.strided.scatter [tilespmem:s18], [sflag:$0x3], $0x1F40, s28, s26, $0x38;
	[tilespmem:$0x11940] =	vst v63  }
0x5d: {  	_ =	swait.ge [sflag:s10], $0x1F40  }
0x5e: {  	[sflag:s10] =	ssyncset.done $0x0  }
0x5f: {  	s5 =	sadd.s32 $0x5, s4;
	[sflag:s10] =	ssyncadd.s32 $0xFFFFE0C0  }
0x60: {  	[hbm4b:s5+s26] =	stream.strided.scatter [tilespmem:s20], [sflag:$0x3], $0x1F40, s28, s26, $0x38;
	[tilespmem:$0x11940] =	vst v63  }
0x61: {  	_ =	swait.ge [sflag:s10], $0x1F40  }
0x62: {  	[sflag:s10] =	ssyncset.done $0x0  }
0x63: {  	s5 =	sadd.s32 $0x6, s4;
	[sflag:s10] =	ssyncadd.s32 $0xFFFFE0C0  }
0x64: {  	[hbm4b:s5+s26] =	stream.strided.scatter [tilespmem:s22], [sflag:$0x3], $0x1F40, s28, s26, $0x38;
	[tilespmem:$0x11940] =	vst v63  }
0x65: {  	_ =	swait.ge [sflag:s10], $0x1F40  }
0x66: {  	[sflag:s10] =	ssyncset.done $0x0  }
.Ltmp5:
0x67: {  	s4 =	sadd.s32 $0x7, s4;
	[sflag:s10] =	ssyncadd.s32 $0xFFFFE0C0;
	(pc) =	sbr.rel .LBB2_4-.Ltmp5, $4  }
0x68: {  	[hbm4b:s4+s26] =	stream.strided.scatter [tilespmem:s24], [sflag:$0x2], $0x1F40, s28, s26, $0x38;
	[tilespmem:$0x11940] =	vst v63  }
0x69: {  	_ =	swait.ge [sflag:s29], $0x1F40  }
0x6a: {  	[sflag:s29] =	ssyncset.done $0x0  }
0x6b: {  	[sflag:s29] =	ssyncadd.s32 $0xFFFFE0C0  }
.LBB2_6:
0x6c: {  	_ =	sfence.sel $0x180000  }
0x6d: {  	[bflag:$0x0] =	sbarrier.arrive $0xFFFF  }
0x6e: {  	_ =	strace $0x90000047  }
0x6f: {  	s0 =	stileid.u32;
	[bflag:$0x2] =	sbarrier.arrive $0xFFFF  }
0x70: {  	p0 =	sne.s32 s0, $0x0;
	s0 =	rddreg [dreg:$0x2]  }
0x71: {  	s0 =	sadd.s32 @!p0 $0x100000, s0  }
0x72: {  	[sflag:s0] =	ssyncadd.tile.s32 @!p0 $0x1;
	_ =	shalt  }
.Lfunc_end2:
_tile_overlayer_lowered:
.L_overlay_start_2:
0x73: {  	(tag) =	ssettag $0x2  }
0x74: {  	s0 =	rddreg [dreg:$0x0];
	s2 =	stileid.u32  }
0x75: {  	s1 =	rddreg [dreg:$0x1];
	p0 =	sne.s32 s2, $0x0  }
0x76: {  	s3 =	rddreg [dreg:$0x2];
	[bflag:$0x3] =	sbarrier.arrive $0xFFFF;
	s2 =	simm.s32 @!p0 $0x1C02  }
0x77: {  	[timem:s3], [sflag:s2] =	dma.local @!p0 [hbm:s0], s1  }
0x78: {  	s0 =	simm.s32 @!p0 $0x2  }
0x79: {  	_ =	swait.ge @!p0 [sflag:s0], s1  }
0x7a: {  	s1 =	ssub.s32 @!p0 $0x0, s1;
	[sflag:s0] =	ssyncset.done @!p0 $0x0  }
0x7b: {  	[sflag:s0] =	ssyncadd.s32 @!p0 s1  }
0x7c: {  	[bflag:$0x3] =	sbarrier.arrive $0xFFFF  }
0x7d: {  	_ =	shalt  }

// kernel: kernel.9.cloned.1.call-start
scs
__scs_entry_jumppad:
0x0: {  	(pc) =	sbr.rel $0x88, $3  }
0x1: {  	(tag) =	ssettag $0x0;
	lr =	simm.s32 $0x1  }
0x2: {  	[smem:$0x3F86] =	sst lr;
	_ =	strace $0xD0000000  }
0x3: {  	_ = 	snop  }
0x4: {  	_ = 	snop  }
0x5: {  	_ = 	snop  }
0x6: {  	_ = 	snop  }
0x7: {  	_ = 	snop  }
__scs_overlays_trampoline_lowered:
0x8: {  	[smem:$0x3F95] =	sst s0  }
0x9: {  	[smem:$0x3F96] =	sst s1  }
0xa: {  	[smem:$0x3F97] =	sst s2  }
0xb: {  	[smem:$0x3F98] =	sst s3  }
0xc: {  	[smem:$0x3F99] =	sst s4  }
0xd: {  	[smem:$0x3F9A] =	sst s5  }
0xe: {  	[smem:$0x3F9B] =	sst s6  }
0xf: {  	[smem:$0x3F9C] =	sst s7  }
0x10: {  	[smem:$0x3F9D] =	sst s8  }
0x11: {  	[smem:$0x3F9E] =	sst s9;
	s0 =	simm.s32 @!p0 $0x0  }
0x12: {  	s1 =	sld [smem:$0x3F84];
	s0 =	simm.s32 @p0 $0x1  }
0x13: {  	[smem:$0x3F9F] =	sst s0;
	s0 =	simm.s32 @!p1 $0x0  }
0x14: {  	s2 =	sld [smem:$0x3F83];
	s0 =	simm.s32 @p1 $0x1  }
0x15: {  	[smem:$0x3FA0] =	sst s0;
	s0 =	simm.s32 @!p2 $0x0  }
0x16: {  	s3 =	sld [smem:$0x3FDB];
	s0 =	simm.s32 @p2 $0x1  }
0x17: {  	s4 =	simm.s32 $0x1BF5;
	[smem:$0x3FA2] =	sst s0  }
0x18: {  	s0 =	sld [smem:$0x3F85];
	_ =	swait.ge [sflag:s4], $0x0  }
0x19: {  	s7 =	sld [smem:$0x3F86]  }
0x1a: {  	s8 =	sadd.s32 $0xFFFFE003, lr  }
0x1b: {  	s9 =	sadd.s32 $0xFFFFFEF7, lr;
	s5 =	simm.s32 $0xFFFFFFFF;
	p2 =	slt.u32 s8, $0xFFFFF086  }
0x1c: {  	p1 =	slt.u32 s9, $0xF7A;
	s5 =	simm.s32 @!p2 $0x0  }
0x1d: {  	s5 =	simm.s32 @p1 $0x1;
	p0 =	seq.s32 s7, s2  }
0x1e: {  	s7 =	smul.u32 @!p0 $0xF7A, s2;
	p2 =	seq.s32 @!p0 s5, $0x0  }
0x1f: {  	s9 =	smul.u32 $0xF7A, s1;
	s8 =	simm.s32 @!p0 $0x1BF5;
	p2 =	por !p2, p0  }
0x20: {  	[sflag:s8] =	ssyncset.s32 @!p0 $0xFFFFF086;
	s6 =	sadd.s32 @!p0 s3, s7;
	s7 =	simm.s32 @!p0 $0x108  }
0x21: {  	s3 =	sadd.s32 s3, s9;
	s6 =	sadd.s32 @!p0 $0x88, s6;
	s7 =	simm.s32 @p2 $0x1082  }
0x22: {  	[simem:s7], [sflag:s8] =	dma.local @!p0 [hbm:s6], $0xF7A  }
0x23: {  	s9 =	sor.u32 $0xD0000000, s2;
	s6 =	simm.s32 $0x108;
	_ =	swait.ge @!p0 [sflag:s8], $0x0  }
0x24: {  	s3 =	sadd.s32 $0x88, s3;
	s6 =	simm.s32 @!p1 $0x1082;
	[sflag:s4] =	ssyncset.s32 $0xFFFFF086  }
0x25: {  	[simem:s6], [sflag:s4] =	dma.local [hbm:s3], $0xF7A  }
0x26: {  	[smem:$0x3F86] =	sst s1;
	(tag) =	ssettag s2;
	_ =	strace s9  }
0x27: {  	s1 =	sld [smem:$0x3F96]  }
0x28: {  	s2 =	sld [smem:$0x3F97]  }
0x29: {  	s4 =	sld [smem:$0x3F99]  }
0x2a: {  	p0 =	seq.s32 s5, $0x0;
	s5 =	sld [smem:$0x3F9A]  }
0x2b: {  	s6 =	sld [smem:$0x3F9B]  }
0x2c: {  	s7 =	sld [smem:$0x3F9C]  }
0x2d: {  	s3 =	simm.s32 $0x108;
	s8 =	sld [smem:$0x3F9D]  }
0x2e: {  	s3 =	simm.s32 @!p0 $0x1082;
	s9 =	sld [smem:$0x3F9E]  }
0x2f: {  	lr =	sadd.s32 s0, s3;
	s0 =	sld [smem:$0x3F95]  }
0x30: {  	s3 =	sld [smem:$0x3F98]  }
0x31: {  	[smem:$0x3FA1] =	sst s10  }
0x32: {  	s10 =	sld [smem:$0x3F9F];
	_ =	sdelay $0x3  }
0x33: {  	p0 =	seq.s32 s10, $0x1;
	s10 =	sld [smem:$0x3FA1];
	_ =	sdelay $0x3  }
0x34: {  	[smem:$0x3FA1] =	sst s10  }
0x35: {  	s10 =	sld [smem:$0x3FA0];
	_ =	sdelay $0x3  }
0x36: {  	p1 =	seq.s32 s10, $0x1;
	s10 =	sld [smem:$0x3FA1];
	_ =	sdelay $0x3  }
0x37: {  	[smem:$0x3FA1] =	sst s10  }
0x38: {  	s10 =	sld [smem:$0x3FA2]  }
0x39: {  	_ = 	snop;
	(pc) =	sbr.ind lr, $3  }
0x3a: {  	_ = 	snop  }
0x3b: {  	_ = 	snop  }
0x3c: {  	p2 =	seq.s32 s10, $0x1;
	s10 =	sld [smem:$0x3FA1]  }
0x3d: {  	_ =	shalt  }
0x3e: {  	_ =	shalt  }
0x3f: {  	_ =	shalt  }
0x40: {  	_ =	shalt  }
0x41: {  	_ =	shalt  }
0x42: {  	_ =	shalt  }
0x43: {  	_ =	shalt  }
0x44: {  	_ =	shalt  }
0x45: {  	_ =	shalt  }
0x46: {  	_ =	shalt  }
0x47: {  	_ =	shalt  }
0x48: {  	_ =	shalt  }
0x49: {  	_ =	shalt  }
0x4a: {  	_ =	shalt  }
0x4b: {  	_ =	shalt  }
0x4c: {  	_ =	shalt  }
0x4d: {  	_ =	shalt  }
0x4e: {  	_ =	shalt  }
0x4f: {  	_ =	shalt  }
0x50: {  	_ =	shalt  }
0x51: {  	_ =	shalt  }
0x52: {  	_ =	shalt  }
0x53: {  	_ =	shalt  }
0x54: {  	_ =	shalt  }
0x55: {  	_ =	shalt  }
0x56: {  	_ =	shalt  }
0x57: {  	_ =	shalt  }
0x58: {  	_ =	shalt  }
0x59: {  	_ =	shalt  }
0x5a: {  	_ =	shalt  }
0x5b: {  	_ =	shalt  }
0x5c: {  	_ =	shalt  }
0x5d: {  	_ =	shalt  }
0x5e: {  	_ =	shalt  }
0x5f: {  	_ =	shalt  }
0x60: {  	_ =	shalt  }
0x61: {  	_ =	shalt  }
0x62: {  	_ =	shalt  }
0x63: {  	_ =	shalt  }
0x64: {  	_ =	shalt  }
0x65: {  	_ =	shalt  }
0x66: {  	_ =	shalt  }
0x67: {  	_ =	shalt  }
0x68: {  	_ =	shalt  }
0x69: {  	_ =	shalt  }
0x6a: {  	_ =	shalt  }
0x6b: {  	_ =	shalt  }
0x6c: {  	_ =	shalt  }
0x6d: {  	_ =	shalt  }
0x6e: {  	_ =	shalt  }
0x6f: {  	_ =	shalt  }
0x70: {  	_ =	shalt  }
0x71: {  	_ =	shalt  }
0x72: {  	_ =	shalt  }
0x73: {  	_ =	shalt  }
0x74: {  	_ =	shalt  }
0x75: {  	_ =	shalt  }
0x76: {  	_ =	shalt  }
0x77: {  	_ =	shalt  }
0x78: {  	_ =	shalt  }
0x79: {  	_ =	shalt  }
0x7a: {  	_ =	shalt  }
0x7b: {  	_ =	shalt  }
0x7c: {  	_ =	shalt  }
0x7d: {  	_ =	shalt  }
0x7e: {  	_ =	shalt  }
0x7f: {  	_ =	shalt  }
0x80: {  	_ =	shalt  }
0x81: {  	_ =	shalt  }
0x82: {  	_ =	shalt  }
0x83: {  	_ =	shalt  }
0x84: {  	_ =	shalt  }
0x85: {  	_ =	shalt  }
0x86: {  	_ =	shalt  }
0x87: {  	_ =	shalt  }
.Lfunc_end0:
.L_simem_size_0:
called_computation.1_lowered:
.L_overlay_start_0:
0x88: {  	s2 =	sld [smem:$0x3FD9]  }
0x89: {  	s3 =	sld [smem:$0x3FFE];
	_ =	sdelay $0x1  }
0x8a: {  	s1 =	srdreg.scid  }
0x8b: {  	s0 =	sand.u32 $0x1, s1  }
0x8c: {  	s17 =	sshll.u32 s0, $0xA;
	s2 =	sadd.s32 s3, s2  }
0x8d: {  	s2 =	sadd.s32 s2, s17  }
0x8e: {  	[smem:$0x3FAD] =	sst s2  }
0x8f: {  	_ = 	snop  }
0x90: {  	s2 =	sld [smem:$0x3FD0];
	(tm) =	ssettm $0x1  }
0x91: {  	s18 =	sld [smem:$0x3FFB];
	_ =	sdelay $0x3  }
0x92: {  	_ =	strace s18  }
0x93: {  	s3 =	sld [smem:$0x3FFC];
	_ =	sdelay $0x3  }
0x94: {  	_ =	strace s3  }
0x95: {  	s3 =	sld [smem:$0x3FFD];
	_ =	sdelay $0x3  }
0x96: {  	_ =	strace s3  }
0x97: {  	_ =	strace $0x8FFFFFFF  }
0x98: {  	s19 =	sld [smem:$0x3FDB];
	_ =	sdelay $0x1  }
0x99: {  	s4 =	simm.s32 $_scs_section_size  }
0x9a: {  	s5 =	simm.s32 $_size__tile_overlayer_lowered;
	s6 =	simm.s32 $_tile_overlayer_lowered  }
0x9b: {  	s22 =	simm.s32 $0x1BFF;
	s21 =	sshll.u32 s6, $0x1;
	s3 =	sadd.s32 s4, s19  }
0x9c: {  	s7 =	simm.s32 $0x0;
	s20 =	sshll.u32 s5, $0x1;
	s5 =	sadd.s32 s21, s3  }
0x9d: {  	[timem:s7], [sflag:s22] =	dma.local [hbm:s5], s20  }
0x9e: {  	_ =	swait.ge [sflag:s22], s20  }
0x9f: {  	s4 =	ssub.s32 $0x0, s20;
	[sflag:s22] =	ssyncset.done $0x0  }
0xa0: {  	[sflag:s22] =	ssyncadd.s32 s4;
	_ =	sdelay $0x1  }
0xa1: {  	s23 =	simm.s32 $0x1B8B  }
0xa2: {  	_ =	swait.ge [sflag:s23], $0x1  }
0xa3: {  	[sflag:s23] =	ssyncset.done $0x0  }
0xa4: {  	s25 =	simm.s32 $0x1B8E;
	s24 =	sld [smem:$0x3FFE];
	[sflag:s23] =	ssyncadd.s32 $0xFFFFFFFF  }
0xa5: {  	s26 =	simm.s32 $execute0_lowered;
	[smem:$0x3FD2] =	sst s25  }
0xa6: {  	s5 =	sshll.u32 s26, $0x1;
	_ =	strace $0x80000049;
	[dreg:$0x1] =	wrdreg $0xFFFFFFFF  }
0xa7: {  	s28 =	simm.s32 $_size_execute0_lowered;
	s3 =	sadd.s32 s3, s5;
	[dreg:$0x0] =	wrdreg $0x0  }
0xa8: {  	s5 =	sshll.u32 s28, $0x1;
	[dreg:$0x2] =	wrdreg s3  }
0xa9: {  	[dreg:$0x3] =	wrdreg s5  }
0xaa: {  	[dreg:$0x4] =	wrdreg $0xC0  }
0xab: {  	_ =	task [dreg:s7], $0x5FFFF  }
0xac: {  	[dreg:$0x1] =	wrdreg $0xFFFFFFFF  }
0xad: {  	[dreg:$0x0] =	wrdreg $0x60  }
0xae: {  	[dreg:$0x2] =	wrdreg s24  }
0xaf: {  	[dreg:$0x3] =	wrdreg s2  }
0xb0: {  	[dreg:$0x4] =	wrdreg $0x9  }
0xb1: {  	_ =	task.clear_ibuf [dreg:s7], $0x5FFFF;
	_ =	strace $0x90000049  }
0xb2: {  	s29 =	simm.s32 $0x9;
	_ =	strace $0x8000004B  }
0xb3: {  	_ =	swait.ge [sflag:s29], $0x1  }
0xb4: {  	[sflag:s29] =	ssyncadd.s32 $0xFFFFFFFF  }
0xb5: {  	_ =	strace $0x9000004B  }
0xb6: {  	_ =	sfence  }
0xb7: {  	s30 =	sld [smem:$0x0];
	_ =	sdelay $0x2  }
0xb8: {  	s31 =	sshll.u32 s1, $0xD;
	s1 =	sshrl.u32 s1, $0x2  }
0xb9: {  	s3 =	sand.u32 $0x4000, s31;
	s1 =	sadd.s32 s1, s30  }
0xba: {  	s0 =	sor.u32 s3, s0;
	s1 =	sshll.u32 s1, $0x11  }
0xbb: {  	s0 =	sor.u32 s1, s0  }
0xbc: {  	s0 =	sadd.s32 $0x8F2B, s0  }
0xbd: {  	[sflag:s0] =	ssyncadd.remote.s32 $0x1  }
0xbe: {  	_ =	sfence.sel $0xFFFF  }
0xbf: {  	[dreg:$0x0] =	wrdreg $0xFFFFFFFF;
	(pc) =	sbr.abs _section_cstart, $3  }
0xc0: {  	[dreg:$0x1] =	wrdreg $0xFFFFFFFF  }
0xc1: {  	_ =	task.clear_ibuf [dreg:s7], $0x2FFFF;
	_ =	strace $0x9FFFFFFF  }
0xc2: {  	(tm) =	ssettm $0x7FFFFFFF  }
0xc3: {  	_ =	shalt  }
tec
execute0_lowered:
.L_overlay_start_1:
0x0: {  	(tag) =	ssettag $0x1  }
0x1: {  	s0 =	rddreg [dreg:$0x0]  }
0x2: {  	s1 =	rddreg [dreg:$0x1];
	s2 =	simm.s32 $0x0  }
0x3: {  	s9 =	stileid.u32;
	s3 =	srdreg.scid;
	s10 =	simm.s32 $0x3  }
0x4: {  	s11 =	simm.s32 $0x640;
	s12 =	simm.s32 $0x3840;
	s13 =	simm.s32 $0x190  }
0x5: {  	s14 =	simm.s32 $0x6A40;
	s15 =	simm.s32 $0x258;
	s16 =	simm.s32 $0x9C40  }
0x6: {  	s17 =	simm.s32 $0x320;
	s18 =	simm.s32 $0xCE40;
	s19 =	simm.s32 $0x3E8  }
0x7: {  	s20 =	simm.s32 $0x10040;
	s21 =	simm.s32 $0x4B0;
	s22 =	simm.s32 $0x13240  }
0x8: {  	s23 =	simm.s32 $0x578;
	s28 =	simm.s32 $0x200;
	s29 =	simm.s32 $0x2  }
0x9: {  	s30 =	simm.s32 $0x0;
	[smem:$0x7FF] =	sst s2;
	s4 =	smul.u32 $0x6400, s9  }
0xa: {  	s5 =	sand.u32 $0x1, s3;
	s3 =	sadd.s32 $0x188600, s0;
	s8 =	smul.u32 $0x32, s9  }
0xb: {  	s25 =	sshll.u32 s9, $0x1;
	s9 =	simm.s32 $0x186A0;
	s7 =	smul.u32 $0x3200, s5  }
0xc: {  	_ =	strace $0x8000004A;
	s6 =	ssub.s32 $0x2, s5;
	s26 =	smul.u32 $0x19, s5  }
.Ltmp0:
0xd: {  	[dreg:$0x3] =	wrdreg s25;
	s25 =	simm.s32 $0x1;
	(pc) =	sbr.rel .LBB2_1-.Ltmp0, $4  }
0xe: {  	s0 =	sadd.s32 s4, s0;
	s24 =	sshrl.u32 s6, $0x1;
	s1 =	sadd.s32 s8, s1  }
0xf: {  	s8 =	simm.s32 $0xC8;
	s6 =	ssub.s32 s6, s24;
	s0 =	sadd.s32 s7, s0  }
0x10: {  	s24 =	simm.s32 $0x16440;
	s31 =	smax.u32 s6, $0x1;
	s6 =	sadd.s32 $0x7AF600, s0  }
0x11: {  	s0 =	sadd.s32 s26, s1;
	s26 =	simm.s32 $0x40;
	[dreg:$0x4] =	wrdreg s31  }
.LBB2_5:
0x12: {  	s30 =	sadd.s32 $0x1, s30;
	s1 =	rddreg [dreg:$0x4]  }
0x13: {  	p0 =	sne.s32 s30, s1  }
.Ltmp1:
0x14: {  	_ = 	snop;
	(pc) =	sbr.rel @!p0 .LBB2_6-.Ltmp1, $1  }
0x15: {  	_ =	sdelay $0x3  }
.LBB2_1:
.Ltmp2:
0x16: {  	(pc) =	sbr.rel .LBB2_2-.Ltmp2, $2  }
0x17: {  	_ =	sdelay $0x2  }
0x18: {  	s31 =	rddreg [dreg:$0x3];
	s7 =	smov.u32 s0;
	s1 =	simm.s32 $0x0  }
.LBB2_4:
0x19: {  	s1 =	sadd.s32 $0x64000, s1  }
0x1a: {  	p0 =	sne.s32 s1, $0x640000  }
.Ltmp3:
0x1b: {  	_ = 	snop;
	(pc) =	sbr.rel @!p0 .LBB2_5-.Ltmp3, $2  }
0x1c: {  	_ =	sdelay $0x2  }
0x1d: {  	s7 =	sadd.s32 $0x320, s7;
	s31 =	sadd.s32 $0x20, s31  }
.LBB2_2:
0x1e: {  	p0 =	sgt.u32 s31, $0x1F3  }
.Ltmp4:
0x1f: {  	_ = 	snop;
	(pc) =	sbr.rel @p0 .LBB2_4-.Ltmp4, $1  }
0x20: {  	_ =	sdelay $0x3  }
0x21: {  	[tilespmem:s2], [sflag:$0x3] =	stream.strided.gather [hbm4b:s7+s8], $0x640, s9, s8, $0x38;
	[tilespmem:$0x19640] =	vst v63  }
0x22: {  	_ =	swait.ge [sflag:s10], $0x640  }
0x23: {  	[sflag:s10] =	ssyncset.done $0x0  }
0x24: {  	[sflag:s10] =	ssyncadd.s32 $0xFFFFF9C0  }
0x25: {  	[tilespmem:s11], [sflag:$0x1] =	stream.indirect.gather [hbm4b:s3+s8], $0x40, s2, s8, $0xb8;
	[tilespmem:$0x19640] =	vst v63  }
0x26: {  	_ = 	snop  }
0x27: {  	[tilespmem:s12], [sflag:$0x1] =	stream.indirect.gather [hbm4b:s3+s8], $0x40, s8, s8, $0xb8;
	[tilespmem:$0x19640] =	vst v63  }
0x28: {  	_ = 	snop  }
0x29: {  	[tilespmem:s14], [sflag:$0x1] =	stream.indirect.gather [hbm4b:s3+s8], $0x40, s13, s8, $0xb8;
	[tilespmem:$0x19640] =	vst v63  }
0x2a: {  	_ = 	snop  }
0x2b: {  	[tilespmem:s16], [sflag:$0x1] =	stream.indirect.gather [hbm4b:s3+s8], $0x40, s15, s8, $0xb8;
	[tilespmem:$0x19640] =	vst v63  }
0x2c: {  	_ = 	snop  }
0x2d: {  	[tilespmem:s18], [sflag:$0x1] =	stream.indirect.gather [hbm4b:s3+s8], $0x40, s17, s8, $0xb8;
	[tilespmem:$0x19640] =	vst v63  }
0x2e: {  	_ = 	snop  }
0x2f: {  	[tilespmem:s20], [sflag:$0x1] =	stream.indirect.gather [hbm4b:s3+s8], $0x40, s19, s8, $0xb8;
	[tilespmem:$0x19640] =	vst v63  }
0x30: {  	_ = 	snop  }
0x31: {  	[tilespmem:s22], [sflag:$0x1] =	stream.indirect.gather [hbm4b:s3+s8], $0x40, s21, s8, $0xb8;
	[tilespmem:$0x19640] =	vst v63  }
0x32: {  	_ = 	snop  }
0x33: {  	[tilespmem:s24], [sflag:$0x1] =	stream.indirect.gather [hbm4b:s3+s8], $0x40, s23, s8, $0xb8;
	[tilespmem:$0x19640] =	vst v63  }
0x34: {  	_ =	swait.ge [sflag:s25], $0x3200  }
0x35: {  	[sflag:s25] =	ssyncset.done $0x0  }
0x36: {  	[sflag:s25] =	ssyncadd.s32 $0xFFFFCE00  }
0x37: {  	_ =	swait.ge [sflag:s25], $0x3200  }
0x38: {  	[sflag:s25] =	ssyncset.done $0x0  }
0x39: {  	[sflag:s25] =	ssyncadd.s32 $0xFFFFCE00  }
0x3a: {  	_ =	swait.ge [sflag:s25], $0x3200  }
0x3b: {  	[sflag:s25] =	ssyncset.done $0x0  }
0x3c: {  	[sflag:s25] =	ssyncadd.s32 $0xFFFFCE00  }
0x3d: {  	_ =	swait.ge [sflag:s25], $0x3200  }
0x3e: {  	[sflag:s25] =	ssyncset.done $0x0  }
0x3f: {  	[sflag:s25] =	ssyncadd.s32 $0xFFFFCE00  }
0x40: {  	_ =	swait.ge [sflag:s25], $0x3200  }
0x41: {  	[sflag:s25] =	ssyncset.done $0x0  }
0x42: {  	[sflag:s25] =	ssyncadd.s32 $0xFFFFCE00  }
0x43: {  	_ =	swait.ge [sflag:s25], $0x3200  }
0x44: {  	[sflag:s25] =	ssyncset.done $0x0  }
0x45: {  	[sflag:s25] =	ssyncadd.s32 $0xFFFFCE00  }
0x46: {  	_ =	swait.ge [sflag:s25], $0x3200  }
0x47: {  	[sflag:s25] =	ssyncset.done $0x0  }
0x48: {  	[sflag:s25] =	ssyncadd.s32 $0xFFFFCE00  }
0x49: {  	_ =	swait.ge [sflag:s25], $0x3200  }
0x4a: {  	[sflag:s25] =	ssyncset.done $0x0  }
0x4b: {  	s4 =	sadd.s32 s1, s6;
	[sflag:s25] =	ssyncadd.s32 $0xFFFFCE00  }
0x4c: {  	[hbm4b:s4+s26] =	stream.strided.scatter [tilespmem:s11], [sflag:$0x3], $0x3200, s28, s26, $0x38;
	[tilespmem:$0x19640] =	vst v63  }
0x4d: {  	_ =	swait.ge [sflag:s10], $0x3200  }
0x4e: {  	[sflag:s10] =	ssyncset.done $0x0  }
0x4f: {  	s5 =	sadd.s32 $0x8, s4;
	[sflag:s10] =	ssyncadd.s32 $0xFFFFCE00  }
0x50: {  	[hbm4b:s5+s26] =	stream.strided.scatter [tilespmem:s12], [sflag:$0x3], $0x3200, s28, s26, $0x38;
	[tilespmem:$0x19640] =	vst v63  }
0x51: {  	_ =	swait.ge [sflag:s10], $0x3200  }
0x52: {  	[sflag:s10] =	ssyncset.done $0x0  }
0x53: {  	s5 =	sadd.s32 $0x10, s4;
	[sflag:s10] =	ssyncadd.s32 $0xFFFFCE00  }
0x54: {  	[hbm4b:s5+s26] =	stream.strided.scatter [tilespmem:s14], [sflag:$0x3], $0x3200, s28, s26, $0x38;
	[tilespmem:$0x19640] =	vst v63  }
0x55: {  	_ =	swait.ge [sflag:s10], $0x3200  }
0x56: {  	[sflag:s10] =	ssyncset.done $0x0  }
0x57: {  	s5 =	sadd.s32 $0x18, s4;
	[sflag:s10] =	ssyncadd.s32 $0xFFFFCE00  }
0x58: {  	[hbm4b:s5+s26] =	stream.strided.scatter [tilespmem:s16], [sflag:$0x3], $0x3200, s28, s26, $0x38;
	[tilespmem:$0x19640] =	vst v63  }
0x59: {  	_ =	swait.ge [sflag:s10], $0x3200  }
0x5a: {  	[sflag:s10] =	ssyncset.done $0x0  }
0x5b: {  	s5 =	sadd.s32 $0x20, s4;
	[sflag:s10] =	ssyncadd.s32 $0xFFFFCE00  }
0x5c: {  	[hbm4b:s5+s26] =	stream.strided.scatter [tilespmem:s18], [sflag:$0x3], $0x3200, s28, s26, $0x38;
	[tilespmem:$0x19640] =	vst v63  }
0x5d: {  	_ =	swait.ge [sflag:s10], $0x3200  }
0x5e: {  	[sflag:s10] =	ssyncset.done $0x0  }
0x5f: {  	s5 =	sadd.s32 $0x28, s4;
	[sflag:s10] =	ssyncadd.s32 $0xFFFFCE00  }
0x60: {  	[hbm4b:s5+s26] =	stream.strided.scatter [tilespmem:s20], [sflag:$0x3], $0x3200, s28, s26, $0x38;
	[tilespmem:$0x19640] =	vst v63  }
0x61: {  	_ =	swait.ge [sflag:s10], $0x3200  }
0x62: {  	[sflag:s10] =	ssyncset.done $0x0  }
0x63: {  	s5 =	sadd.s32 $0x30, s4;
	[sflag:s10] =	ssyncadd.s32 $0xFFFFCE00  }
0x64: {  	[hbm4b:s5+s26] =	stream.strided.scatter [tilespmem:s22], [sflag:$0x3], $0x3200, s28, s26, $0x38;
	[tilespmem:$0x19640] =	vst v63  }
0x65: {  	_ =	swait.ge [sflag:s10], $0x3200  }
0x66: {  	[sflag:s10] =	ssyncset.done $0x0  }
.Ltmp5:
0x67: {  	s4 =	sadd.s32 $0x38, s4;
	[sflag:s10] =	ssyncadd.s32 $0xFFFFCE00;
	(pc) =	sbr.rel .LBB2_4-.Ltmp5, $4  }
0x68: {  	[hbm4b:s4+s26] =	stream.strided.scatter [tilespmem:s24], [sflag:$0x2], $0x3200, s28, s26, $0x38;
	[tilespmem:$0x19640] =	vst v63  }
0x69: {  	_ =	swait.ge [sflag:s29], $0x3200  }
0x6a: {  	[sflag:s29] =	ssyncset.done $0x0  }
0x6b: {  	[sflag:s29] =	ssyncadd.s32 $0xFFFFCE00  }
.LBB2_6:
0x6c: {  	_ =	sfence.sel $0x180000  }
0x6d: {  	[bflag:$0x0] =	sbarrier.arrive $0xFFFF  }
0x6e: {  	_ =	strace $0x9000004A  }
0x6f: {  	s0 =	stileid.u32;
	[bflag:$0x2] =	sbarrier.arrive $0xFFFF  }
0x70: {  	p0 =	sne.s32 s0, $0x0;
	s0 =	rddreg [dreg:$0x2]  }
0x71: {  	s0 =	sadd.s32 @!p0 $0x100000, s0  }
0x72: {  	[sflag:s0] =	ssyncadd.tile.s32 @!p0 $0x1;
	_ =	shalt  }
.Lfunc_end2:
_tile_overlayer_lowered:
.L_overlay_start_2:
0x73: {  	(tag) =	ssettag $0x2  }
0x74: {  	s0 =	rddreg [dreg:$0x0];
	s2 =	stileid.u32  }
0x75: {  	s1 =	rddreg [dreg:$0x1];
	p0 =	sne.s32 s2, $0x0  }
0x76: {  	s3 =	rddreg [dreg:$0x2];
	[bflag:$0x3] =	sbarrier.arrive $0xFFFF;
	s2 =	simm.s32 @!p0 $0x1C02  }
0x77: {  	[timem:s3], [sflag:s2] =	dma.local @!p0 [hbm:s0], s1  }
0x78: {  	s0 =	simm.s32 @!p0 $0x2  }
0x79: {  	_ =	swait.ge @!p0 [sflag:s0], s1  }
0x7a: {  	s1 =	ssub.s32 @!p0 $0x0, s1;
	[sflag:s0] =	ssyncset.done @!p0 $0x0  }
0x7b: {  	[sflag:s0] =	ssyncadd.s32 @!p0 s1  }
0x7c: {  	[bflag:$0x3] =	sbarrier.arrive $0xFFFF  }
0x7d: {  	_ =	shalt  }

</sc_bundles>
